<compile_context>
chip_gen: v7x
topology: tpu7x:2x2x1
jax: 0.10.2.dev20260603
libtpu: 0.0.44.dev20260713+nightly
codegen_flags: <defaults>
</compile_context>

<pallas_src>
import functools

import jax
import jax.numpy as jnp
from jax import lax
from jax.experimental import pallas as pl
from jax.experimental.pallas import tpu as pltpu
from jax.experimental.pallas import tpu_sc as plsc

NC = 2
NS = 16
NW = NC * NS
K = 128
NBUF = 3


def _acc_rows(n_nodes):
  return ((n_nodes + 7) // 8) * 8


def _sc_segment_sum(n_nodes, d, e):
  assert e % K == 0
  chunks = e // K
  full = chunks // NW
  extra = chunks % NW
  np_rows = _acc_rows(n_nodes)
  zbase = np_rows // (NS * 8) * 8
  zrem = (np_rows - zbase * NS) // 8
  zbig = zbase + 8

  mesh = plsc.VectorSubcoreMesh(
      core_axis_name="c", subcore_axis_name="s", num_cores=NC,
      num_subcores=NS)

  nidx = NBUF + 1
  group = NBUF * nidx
  scratch = [
      pltpu.VMEM((nidx, 2, K), jnp.int32),
      [pltpu.VMEM((K, d), jnp.float32)] * NBUF,
      [pltpu.SemaphoreType.DMA] * NBUF,
      [pltpu.SemaphoreType.DMA] * nidx,
      pltpu.VMEM_SHARED((np_rows, d), jnp.float32),
  ]

  @functools.partial(
      pl.kernel,
      out_type=jax.ShapeDtypeStruct((NC, np_rows, d), jnp.float32),
      mesh=mesh,
      scratch_types=scratch,
  )
  def seg_sum(x_hbm, ei_hbm, z_hbm, out_hbm,
              idx2, rows_bufs, gsem, isem, agg_sh):
    sidx = [idx2.at[q].at[0] for q in range(nidx)]
    didx = [idx2.at[q].at[1] for q in range(nidx)]
    c = lax.axis_index("c")
    s = lax.axis_index("s")
    wid = c * NS + s
    r0 = pl.multiple_of(s * zbase + jnp.minimum(s, zrem) * 8, 8)

    def fetch(j, q):
      ofs = pl.ds((wid + j * NW) * K, K)
      pltpu.async_copy(ei_hbm.at[:, ofs], idx2.at[q], isem[q])

    def fetch_wait(j, q):
      ofs = pl.ds((wid + j * NW) * K, K)
      pltpu.make_async_copy(ei_hbm.at[:, ofs], idx2.at[q], isem[q]).wait()

    def gather(b, q):
      pltpu.async_copy(x_hbm.at[sidx[q]], rows_bufs[b], gsem[b])

    def gather_wait(b, q):
      pltpu.make_async_copy(x_hbm.at[sidx[q]], rows_bufs[b],
                            gsem[b]).wait()

    def consume(b, q):
      pltpu.sync_copy(rows_bufs[b], agg_sh.at[didx[q]], add=True)

    for b in range(NBUF):
      fetch(b, b)
    for b in range(NBUF):
      fetch_wait(b, b)
      gather(b, b)

    @pl.when(s < zrem)
    def _():
      pltpu.sync_copy(z_hbm, agg_sh.at[pl.ds(r0, zbig)])

    @pl.when(s >= zrem)
    def _():
      pltpu.sync_copy(z_hbm.at[pl.ds(0, zbase)],
                      agg_sh.at[pl.ds(r0, zbase)])

    plsc.subcore_barrier()

    def body(jj, carry):
      for u in range(group):
        j = jj * group + u
        b = u % NBUF
        q = u % nidx
        qn = (u + NBUF) % nidx
        fetch(j + NBUF, qn)
        gather_wait(b, q)
        consume(b, q)
        fetch_wait(j + NBUF, qn)
        gather(b, qn)
      return carry

    groups = (full - NBUF) // group
    lax.fori_loop(0, groups, body, 0)

    qx = full % nidx
    for j in range(groups * group, full):
      u = j % nidx
      b = j % NBUF
      gather_wait(b, u)
      consume(b, u)
      nxt = j + NBUF
      if nxt < full:
        fetch(nxt, nxt % nidx)
        fetch_wait(nxt, nxt % nidx)
        gather(b, nxt % nidx)
      if extra and j == full - NBUF:
        @pl.when(wid < extra)
        def _():
          fetch(full, qx)
      if extra and j == full - NBUF + 1:
        @pl.when(wid < extra)
        def _():
          fetch_wait(full, qx)
          gather(full % NBUF, qx)
    if extra:
      @pl.when(wid < extra)
      def _():
        gather_wait(full % NBUF, qx)
        consume(full % NBUF, qx)

    plsc.subcore_barrier()

    @pl.when(s < zrem)
    def _():
      pltpu.sync_copy(agg_sh.at[pl.ds(r0, zbig)],
                      out_hbm.at[c].at[pl.ds(r0, zbig)])

    @pl.when(s >= zrem)
    def _():
      pltpu.sync_copy(agg_sh.at[pl.ds(r0, zbase)],
                      out_hbm.at[c].at[pl.ds(r0, zbase)])

  return seg_sum


def _tc_finish_body(x_ref, agg_ref, u_ref, v_ref, o_ref):
  agg = agg_ref[0] + agg_ref[1]
  h = (jnp.dot(x_ref[...], u_ref[...], preferred_element_type=jnp.float32)
       + jnp.dot(agg, v_ref[...], preferred_element_type=jnp.float32))
  h = jnp.maximum(h, 0.0)
  m = jnp.max(h, axis=-1, keepdims=True)
  e = jnp.exp(h - m)
  o_ref[...] = e / jnp.sum(e, axis=-1, keepdims=True)


def kernel(x, edge_index, U, V):
  n, d = x.shape
  e = edge_index.shape[1]

  np_rows = _acc_rows(n)
  zbig = np_rows // (NS * 8) * 8 + 8
  zeros = jnp.zeros((zbig, d), jnp.float32)

  agg2 = _sc_segment_sum(n, d, e)(x, edge_index, zeros)

  blk = 2000
  grid = n // blk
  out = pl.pallas_call(
      _tc_finish_body,
      grid=(grid,),
      in_specs=[
          pl.BlockSpec((blk, d), lambda i: (i, 0)),
          pl.BlockSpec((NC, blk, d), lambda i: (0, i, 0)),
          pl.BlockSpec((d, d), lambda i: (0, 0)),
          pl.BlockSpec((d, d), lambda i: (0, 0)),
      ],
      out_specs=pl.BlockSpec((blk, d), lambda i: (i, 0)),
      out_shape=jax.ShapeDtypeStruct((n, d), jnp.float32),
  )(x, agg2, U, V)
  return out

# --- scband reference (transcript-rebuilt; emitter-appended) ---
"""Pipeline reference for scband-external-graph-convolution-layer-36112085025453 (READ-ONLY COPY).

The authoritative reference and input builder live on the scoring server;
editing this copy changes nothing except your own understanding.
"""

import jax, jax.numpy as jnp
import numpy as np

N = 10000
E = 320000
D = 128

def setup_inputs(seed: int = 0) -> dict:
    key = jax.random.key(seed)
    k1, k2, k3, k4 = jax.random.split(key, 4)
    x = jax.random.normal(k1, (N, D), dtype=jnp.float32)
    edge_index = jax.random.randint(k2, (2, E), 0, N, dtype=jnp.int32)
    # learned parameters per __init__: U, V are [D, D] randn
    U = jax.random.normal(k3, (D, D), dtype=jnp.float32)
    V = jax.random.normal(k4, (D, D), dtype=jnp.float32)
    return {"x": x, "edge_index": edge_index, "U": U, "V": V}

def reference(x, edge_index, U, V):
    # Vectorized, faithful translation of the per-node loop:
    #   new_repr[i] = relu(x[i] @ U + sum_{j in N(i)} x[j] @ V)
    # followed by softmax over the feature dimension.
    src = edge_index[0]
    dst = edge_index[1]
    self_term = x @ U
    # gather neighbor representations at edge sources, scatter-add to destinations
    agg = jax.ops.segment_sum(x[src], dst, num_segments=N)
    neigh_term = agg @ V
    h = jax.nn.relu(self_term + neigh_term)
    return jax.nn.softmax(h, axis=-1)

if __name__ == "__main__":
    import jax
    _d = setup_inputs()
    print(jax.jit(kernel)(*tuple(_d.values())))

</pallas_src>

<mosaic_0001>
#map = affine_map<(d0, d1) -> (0, 0)>
#map1 = affine_map<(d0, d1) -> (0, 0, 0)>
module attributes {stable_mosaic.version = 14 : i64} {
  func.func @seg_sum(%arg0: i32, %arg1: i32, %arg2: memref<10000x128xf32, #tpu.memory_space<hbm>>, %arg3: memref<2x320000xi32, #tpu.memory_space<hbm>>, %arg4: memref<632x128xf32, #tpu.memory_space<hbm>>, %arg5: memref<2x10000x128xf32, #tpu.memory_space<hbm>>, %arg6: memref<4x2x128xi32, #tpu.memory_space<vmem>>, %arg7: memref<128x128xf32, #tpu.memory_space<vmem>>, %arg8: memref<128x128xf32, #tpu.memory_space<vmem>>, %arg9: memref<128x128xf32, #tpu.memory_space<vmem>>, %arg10: memref<!tpu.dma_semaphore, #tpu.memory_space<semaphore_mem>>, %arg11: memref<!tpu.dma_semaphore, #tpu.memory_space<semaphore_mem>>, %arg12: memref<!tpu.dma_semaphore, #tpu.memory_space<semaphore_mem>>, %arg13: memref<!tpu.dma_semaphore, #tpu.memory_space<semaphore_mem>>, %arg14: memref<!tpu.dma_semaphore, #tpu.memory_space<semaphore_mem>>, %arg15: memref<!tpu.dma_semaphore, #tpu.memory_space<semaphore_mem>>, %arg16: memref<!tpu.dma_semaphore, #tpu.memory_space<semaphore_mem>>, %arg17: memref<10000x128xf32, #tpu.memory_space<vmem_shared>>) attributes {dimension_semantics = [#tpu.dimension_semantics<core_parallel>, #tpu.dimension_semantics<subcore_parallel>], iteration_bounds = array<i64: 2, 16>, scalar_prefetch = 0 : i64, scratch_operands = 12 : i64, tpu.core_type = #tpu.core_type<sc_vector_subcore>, window_params = [{transform_indices = #map}, {transform_indices = #map}, {transform_indices = #map}, {transform_indices = #map1}]} {
    %mul3A = arith.constant 16 : i32
    %mul3A_0 = arith.muli %arg0, %mul3A : i32
    %add3A = arith.addi %mul3A_0, %arg1 : i32
    %mul3A_1 = arith.constant 624 : i32
    %mul3A_2 = arith.muli %arg1, %mul3A_1 : i32
    %min3A = arith.constant 2 : i32
    %min3A_3 = arith.minsi %arg1, %min3A : i32
    %mul3A_4 = arith.constant 8 : i32
    %mul3A_5 = arith.muli %min3A_3, %mul3A_4 : i32
    %add3A_6 = arith.addi %mul3A_2, %mul3A_5 : i32
    %multiple_of3A = tpu.assume_multiple %add3A_6, 8 : i32
    %add3A_7 = arith.constant 0 : i32
    %add3A_8 = arith.addi %add3A, %add3A_7 : i32
    %mul3A_9 = arith.constant 128 : i32
    %mul3A_10 = arith.muli %add3A_8, %mul3A_9 : i32
    %dma_start3A = arith.constant 0 : i32
    %dma_start3A_11 = arith.constant 0 : i32
    %dma_start3A_12 = arith.constant 0 : i32
    %dma_start3A_13 = tpu.memref_slice %arg6[%dma_start3A, %dma_start3A_11, %dma_start3A_12] : memref<4x2x128xi32, #tpu.memory_space<vmem>> -> memref<1x2x128xi32, #tpu.memory_space<vmem>>
    %dma_start3A_14 = tpu.memref_squeeze %dma_start3A_13 : memref<1x2x128xi32, #tpu.memory_space<vmem>> -> memref<2x128xi32, #tpu.memory_space<vmem>>
    %dma_start3A_15 = arith.constant 0 : i32
    %dma_start3A_16 = tpu.memref_slice %arg3[%dma_start3A_15, %mul3A_10] : memref<2x320000xi32, #tpu.memory_space<hbm>> -> memref<2x128xi32, #tpu.memory_space<hbm>>
    %dma_start3A_17 = arith.constant 0 : i32
    %dma_start3A_18 = arith.constant 0 : i32
    %dma_start3A_19 = tpu.memref_slice %arg6[%dma_start3A, %dma_start3A_17, %dma_start3A_18] : memref<4x2x128xi32, #tpu.memory_space<vmem>> -> memref<1x2x128xi32, #tpu.memory_space<vmem>>
    %dma_start3A_20 = tpu.memref_squeeze %dma_start3A_19 : memref<1x2x128xi32, #tpu.memory_space<vmem>> -> memref<2x128xi32, #tpu.memory_space<vmem>>
    %dma_start3A_21 = arith.constant 0 : i32
    %dma_start3A_22 = tpu.memref_slice %arg3[%dma_start3A_21, %mul3A_10] : memref<2x320000xi32, #tpu.memory_space<hbm>> -> memref<2x128xi32, #tpu.memory_space<hbm>>
    tpu.enqueue_dma source(%dma_start3A_22 : memref<2x128xi32, #tpu.memory_space<hbm>>) target(%dma_start3A_20 : memref<2x128xi32, #tpu.memory_space<vmem>>) target_semaphore(%arg13 : memref<!tpu.dma_semaphore, #tpu.memory_space<semaphore_mem>>)
    %add3A_23 = arith.constant 32 : i32
    %add3A_24 = arith.addi %add3A, %add3A_23 : i32
    %mul3A_25 = arith.constant 128 : i32
    %mul3A_26 = arith.muli %add3A_24, %mul3A_25 : i32
    %dma_start3A_27 = arith.constant 1 : i32
    %dma_start3A_28 = arith.constant 0 : i32
    %dma_start3A_29 = arith.constant 0 : i32
    %dma_start3A_30 = tpu.memref_slice %arg6[%dma_start3A_27, %dma_start3A_28, %dma_start3A_29] : memref<4x2x128xi32, #tpu.memory_space<vmem>> -> memref<1x2x128xi32, #tpu.memory_space<vmem>>
    %dma_start3A_31 = tpu.memref_squeeze %dma_start3A_30 : memref<1x2x128xi32, #tpu.memory_space<vmem>> -> memref<2x128xi32, #tpu.memory_space<vmem>>
    %dma_start3A_32 = arith.constant 0 : i32
    %dma_start3A_33 = tpu.memref_slice %arg3[%dma_start3A_32, %mul3A_26] : memref<2x320000xi32, #tpu.memory_space<hbm>> -> memref<2x128xi32, #tpu.memory_space<hbm>>
    %dma_start3A_34 = arith.constant 0 : i32
    %dma_start3A_35 = arith.constant 0 : i32
    %dma_start3A_36 = tpu.memref_slice %arg6[%dma_start3A_27, %dma_start3A_34, %dma_start3A_35] : memref<4x2x128xi32, #tpu.memory_space<vmem>> -> memref<1x2x128xi32, #tpu.memory_space<vmem>>
    %dma_start3A_37 = tpu.memref_squeeze %dma_start3A_36 : memref<1x2x128xi32, #tpu.memory_space<vmem>> -> memref<2x128xi32, #tpu.memory_space<vmem>>
    %dma_start3A_38 = arith.constant 0 : i32
    %dma_start3A_39 = tpu.memref_slice %arg3[%dma_start3A_38, %mul3A_26] : memref<2x320000xi32, #tpu.memory_space<hbm>> -> memref<2x128xi32, #tpu.memory_space<hbm>>
    tpu.enqueue_dma source(%dma_start3A_39 : memref<2x128xi32, #tpu.memory_space<hbm>>) target(%dma_start3A_37 : memref<2x128xi32, #tpu.memory_space<vmem>>) target_semaphore(%arg14 : memref<!tpu.dma_semaphore, #tpu.memory_space<semaphore_mem>>)
    %add3A_40 = arith.constant 64 : i32
    %add3A_41 = arith.addi %add3A, %add3A_40 : i32
    %mul3A_42 = arith.constant 128 : i32
    %mul3A_43 = arith.muli %add3A_41, %mul3A_42 : i32
    %dma_start3A_44 = arith.constant 2 : i32
    %dma_start3A_45 = arith.constant 0 : i32
    %dma_start3A_46 = arith.constant 0 : i32
    %dma_start3A_47 = tpu.memref_slice %arg6[%dma_start3A_44, %dma_start3A_45, %dma_start3A_46] : memref<4x2x128xi32, #tpu.memory_space<vmem>> -> memref<1x2x128xi32, #tpu.memory_space<vmem>>
    %dma_start3A_48 = tpu.memref_squeeze %dma_start3A_47 : memref<1x2x128xi32, #tpu.memory_space<vmem>> -> memref<2x128xi32, #tpu.memory_space<vmem>>
    %dma_start3A_49 = arith.constant 0 : i32
    %dma_start3A_50 = tpu.memref_slice %arg3[%dma_start3A_49, %mul3A_43] : memref<2x320000xi32, #tpu.memory_space<hbm>> -> memref<2x128xi32, #tpu.memory_space<hbm>>
    %dma_start3A_51 = arith.constant 0 : i32
    %dma_start3A_52 = arith.constant 0 : i32
    %dma_start3A_53 = tpu.memref_slice %arg6[%dma_start3A_44, %dma_start3A_51, %dma_start3A_52] : memref<4x2x128xi32, #tpu.memory_space<vmem>> -> memref<1x2x128xi32, #tpu.memory_space<vmem>>
    %dma_start3A_54 = tpu.memref_squeeze %dma_start3A_53 : memref<1x2x128xi32, #tpu.memory_space<vmem>> -> memref<2x128xi32, #tpu.memory_space<vmem>>
    %dma_start3A_55 = arith.constant 0 : i32
    %dma_start3A_56 = tpu.memref_slice %arg3[%dma_start3A_55, %mul3A_43] : memref<2x320000xi32, #tpu.memory_space<hbm>> -> memref<2x128xi32, #tpu.memory_space<hbm>>
    tpu.enqueue_dma source(%dma_start3A_56 : memref<2x128xi32, #tpu.memory_space<hbm>>) target(%dma_start3A_54 : memref<2x128xi32, #tpu.memory_space<vmem>>) target_semaphore(%arg15 : memref<!tpu.dma_semaphore, #tpu.memory_space<semaphore_mem>>)
    %add3A_57 = arith.constant 0 : i32
    %add3A_58 = arith.addi %add3A, %add3A_57 : i32
    %mul3A_59 = arith.constant 128 : i32
    %mul3A_60 = arith.muli %add3A_58, %mul3A_59 : i32
    %dma_wait3A = arith.constant 0 : i32
    %dma_wait3A_61 = arith.constant 0 : i32
    %dma_wait3A_62 = arith.constant 0 : i32
    %dma_wait3A_63 = tpu.memref_slice %arg6[%dma_wait3A, %dma_wait3A_61, %dma_wait3A_62] : memref<4x2x128xi32, #tpu.memory_space<vmem>> -> memref<1x2x128xi32, #tpu.memory_space<vmem>>
    %dma_wait3A_64 = tpu.memref_squeeze %dma_wait3A_63 : memref<1x2x128xi32, #tpu.memory_space<vmem>> -> memref<2x128xi32, #tpu.memory_space<vmem>>
    %dma_wait3A_65 = arith.constant 0 : i32
    %dma_wait3A_66 = tpu.memref_slice %arg3[%dma_wait3A_65, %mul3A_60] : memref<2x320000xi32, #tpu.memory_space<hbm>> -> memref<2x128xi32, #tpu.memory_space<hbm>>
    %dma_wait3A_67 = arith.constant 0 : i32
    %dma_wait3A_68 = arith.constant 0 : i32
    %dma_wait3A_69 = tpu.memref_slice %arg6[%dma_wait3A, %dma_wait3A_67, %dma_wait3A_68] : memref<4x2x128xi32, #tpu.memory_space<vmem>> -> memref<1x2x128xi32, #tpu.memory_space<vmem>>
    %dma_wait3A_70 = tpu.memref_squeeze %dma_wait3A_69 : memref<1x2x128xi32, #tpu.memory_space<vmem>> -> memref<2x128xi32, #tpu.memory_space<vmem>>
    %dma_wait3A_71 = arith.constant 0 : i32
    %dma_wait3A_72 = tpu.memref_slice %arg3[%dma_wait3A_71, %mul3A_60] : memref<2x320000xi32, #tpu.memory_space<hbm>> -> memref<2x128xi32, #tpu.memory_space<hbm>>
    tpu.wait_dma2 semaphore(%arg13 : memref<!tpu.dma_semaphore, #tpu.memory_space<semaphore_mem>>) src(%dma_wait3A_72 : memref<2x128xi32, #tpu.memory_space<hbm>>) dst(%dma_wait3A_70 : memref<2x128xi32, #tpu.memory_space<vmem>>)
    %dma_start3A_73 = arith.constant 0 : i32
    %dma_start3A_74 = arith.constant 0 : i32
    %dma_start3A_75 = arith.constant 0 : i32
    %dma_start3A_76 = arith.constant 0 : i32
    %dma_start3A_77 = tpu.memref_slice %arg6[%dma_start3A_73, %dma_start3A_75, %dma_start3A_76] : memref<4x2x128xi32, #tpu.memory_space<vmem>> -> memref<1x2x128xi32, #tpu.memory_space<vmem>>
    %dma_start3A_78 = tpu.memref_squeeze %dma_start3A_77 : memref<1x2x128xi32, #tpu.memory_space<vmem>> -> memref<2x128xi32, #tpu.memory_space<vmem>>
    %dma_start3A_79 = arith.constant 0 : i32
    %dma_start3A_80 = tpu.memref_slice %dma_start3A_78[%dma_start3A_74, %dma_start3A_79] : memref<2x128xi32, #tpu.memory_space<vmem>> -> memref<1x128xi32, #tpu.memory_space<vmem>>
    %dma_start3A_81 = tpu.memref_squeeze %dma_start3A_80 : memref<1x128xi32, #tpu.memory_space<vmem>> -> memref<128xi32, #tpu.memory_space<vmem>>
    %dma_start3A_82 = arith.constant 0 : i32
    %dma_start3A_83 = arith.constant 0 : i32
    %dma_start3A_84 = tpu.memref_slice %arg2[%dma_start3A_82, %dma_start3A_83] : memref<10000x128xf32, #tpu.memory_space<hbm>> -> memref<10000x128xf32, #tpu.memory_space<hbm>>
    tpu.enqueue_indirect_dma source(%dma_start3A_84 : memref<10000x128xf32, #tpu.memory_space<hbm>>) target(%arg7 : memref<128x128xf32, #tpu.memory_space<vmem>>) offsets(%dma_start3A_81 : memref<128xi32, #tpu.memory_space<vmem>>) semaphore(%arg10 : memref<!tpu.dma_semaphore, #tpu.memory_space<semaphore_mem>>)
    %add3A_85 = arith.constant 32 : i32
    %add3A_86 = arith.addi %add3A, %add3A_85 : i32
    %mul3A_87 = arith.constant 128 : i32
    %mul3A_88 = arith.muli %add3A_86, %mul3A_87 : i32
    %dma_wait3A_89 = arith.constant 1 : i32
    %dma_wait3A_90 = arith.constant 0 : i32
    %dma_wait3A_91 = arith.constant 0 : i32
    %dma_wait3A_92 = tpu.memref_slice %arg6[%dma_wait3A_89, %dma_wait3A_90, %dma_wait3A_91] : memref<4x2x128xi32, #tpu.memory_space<vmem>> -> memref<1x2x128xi32, #tpu.memory_space<vmem>>
    %dma_wait3A_93 = tpu.memref_squeeze %dma_wait3A_92 : memref<1x2x128xi32, #tpu.memory_space<vmem>> -> memref<2x128xi32, #tpu.memory_space<vmem>>
    %dma_wait3A_94 = arith.constant 0 : i32
    %dma_wait3A_95 = tpu.memref_slice %arg3[%dma_wait3A_94, %mul3A_88] : memref<2x320000xi32, #tpu.memory_space<hbm>> -> memref<2x128xi32, #tpu.memory_space<hbm>>
    %dma_wait3A_96 = arith.constant 0 : i32
    %dma_wait3A_97 = arith.constant 0 : i32
    %dma_wait3A_98 = tpu.memref_slice %arg6[%dma_wait3A_89, %dma_wait3A_96, %dma_wait3A_97] : memref<4x2x128xi32, #tpu.memory_space<vmem>> -> memref<1x2x128xi32, #tpu.memory_space<vmem>>
    %dma_wait3A_99 = tpu.memref_squeeze %dma_wait3A_98 : memref<1x2x128xi32, #tpu.memory_space<vmem>> -> memref<2x128xi32, #tpu.memory_space<vmem>>
    %dma_wait3A_100 = arith.constant 0 : i32
    %dma_wait3A_101 = tpu.memref_slice %arg3[%dma_wait3A_100, %mul3A_88] : memref<2x320000xi32, #tpu.memory_space<hbm>> -> memref<2x128xi32, #tpu.memory_space<hbm>>
    tpu.wait_dma2 semaphore(%arg14 : memref<!tpu.dma_semaphore, #tpu.memory_space<semaphore_mem>>) src(%dma_wait3A_101 : memref<2x128xi32, #tpu.memory_space<hbm>>) dst(%dma_wait3A_99 : memref<2x128xi32, #tpu.memory_space<vmem>>)
    %dma_start3A_102 = arith.constant 1 : i32
    %dma_start3A_103 = arith.constant 0 : i32
    %dma_start3A_104 = arith.constant 0 : i32
    %dma_start3A_105 = arith.constant 0 : i32
    %dma_start3A_106 = tpu.memref_slice %arg6[%dma_start3A_102, %dma_start3A_104, %dma_start3A_105] : memref<4x2x128xi32, #tpu.memory_space<vmem>> -> memref<1x2x128xi32, #tpu.memory_space<vmem>>
    %dma_start3A_107 = tpu.memref_squeeze %dma_start3A_106 : memref<1x2x128xi32, #tpu.memory_space<vmem>> -> memref<2x128xi32, #tpu.memory_space<vmem>>
    %dma_start3A_108 = arith.constant 0 : i32
    %dma_start3A_109 = tpu.memref_slice %dma_start3A_107[%dma_start3A_103, %dma_start3A_108] : memref<2x128xi32, #tpu.memory_space<vmem>> -> memref<1x128xi32, #tpu.memory_space<vmem>>
    %dma_start3A_110 = tpu.memref_squeeze %dma_start3A_109 : memref<1x128xi32, #tpu.memory_space<vmem>> -> memref<128xi32, #tpu.memory_space<vmem>>
    %dma_start3A_111 = arith.constant 0 : i32
    %dma_start3A_112 = arith.constant 0 : i32
    %dma_start3A_113 = tpu.memref_slice %arg2[%dma_start3A_111, %dma_start3A_112] : memref<10000x128xf32, #tpu.memory_space<hbm>> -> memref<10000x128xf32, #tpu.memory_space<hbm>>
    tpu.enqueue_indirect_dma source(%dma_start3A_113 : memref<10000x128xf32, #tpu.memory_space<hbm>>) target(%arg8 : memref<128x128xf32, #tpu.memory_space<vmem>>) offsets(%dma_start3A_110 : memref<128xi32, #tpu.memory_space<vmem>>) semaphore(%arg11 : memref<!tpu.dma_semaphore, #tpu.memory_space<semaphore_mem>>)
    %add3A_114 = arith.constant 64 : i32
    %add3A_115 = arith.addi %add3A, %add3A_114 : i32
    %mul3A_116 = arith.constant 128 : i32
    %mul3A_117 = arith.muli %add3A_115, %mul3A_116 : i32
    %dma_wait3A_118 = arith.constant 2 : i32
    %dma_wait3A_119 = arith.constant 0 : i32
    %dma_wait3A_120 = arith.constant 0 : i32
    %dma_wait3A_121 = tpu.memref_slice %arg6[%dma_wait3A_118, %dma_wait3A_119, %dma_wait3A_120] : memref<4x2x128xi32, #tpu.memory_space<vmem>> -> memref<1x2x128xi32, #tpu.memory_space<vmem>>
    %dma_wait3A_122 = tpu.memref_squeeze %dma_wait3A_121 : memref<1x2x128xi32, #tpu.memory_space<vmem>> -> memref<2x128xi32, #tpu.memory_space<vmem>>
    %dma_wait3A_123 = arith.constant 0 : i32
    %dma_wait3A_124 = tpu.memref_slice %arg3[%dma_wait3A_123, %mul3A_117] : memref<2x320000xi32, #tpu.memory_space<hbm>> -> memref<2x128xi32, #tpu.memory_space<hbm>>
    %dma_wait3A_125 = arith.constant 0 : i32
    %dma_wait3A_126 = arith.constant 0 : i32
    %dma_wait3A_127 = tpu.memref_slice %arg6[%dma_wait3A_118, %dma_wait3A_125, %dma_wait3A_126] : memref<4x2x128xi32, #tpu.memory_space<vmem>> -> memref<1x2x128xi32, #tpu.memory_space<vmem>>
    %dma_wait3A_128 = tpu.memref_squeeze %dma_wait3A_127 : memref<1x2x128xi32, #tpu.memory_space<vmem>> -> memref<2x128xi32, #tpu.memory_space<vmem>>
    %dma_wait3A_129 = arith.constant 0 : i32
    %dma_wait3A_130 = tpu.memref_slice %arg3[%dma_wait3A_129, %mul3A_117] : memref<2x320000xi32, #tpu.memory_space<hbm>> -> memref<2x128xi32, #tpu.memory_space<hbm>>
    tpu.wait_dma2 semaphore(%arg15 : memref<!tpu.dma_semaphore, #tpu.memory_space<semaphore_mem>>) src(%dma_wait3A_130 : memref<2x128xi32, #tpu.memory_space<hbm>>) dst(%dma_wait3A_128 : memref<2x128xi32, #tpu.memory_space<vmem>>)
    %dma_start3A_131 = arith.constant 2 : i32
    %dma_start3A_132 = arith.constant 0 : i32
    %dma_start3A_133 = arith.constant 0 : i32
    %dma_start3A_134 = arith.constant 0 : i32
    %dma_start3A_135 = tpu.memref_slice %arg6[%dma_start3A_131, %dma_start3A_133, %dma_start3A_134] : memref<4x2x128xi32, #tpu.memory_space<vmem>> -> memref<1x2x128xi32, #tpu.memory_space<vmem>>
    %dma_start3A_136 = tpu.memref_squeeze %dma_start3A_135 : memref<1x2x128xi32, #tpu.memory_space<vmem>> -> memref<2x128xi32, #tpu.memory_space<vmem>>
    %dma_start3A_137 = arith.constant 0 : i32
    %dma_start3A_138 = tpu.memref_slice %dma_start3A_136[%dma_start3A_132, %dma_start3A_137] : memref<2x128xi32, #tpu.memory_space<vmem>> -> memref<1x128xi32, #tpu.memory_space<vmem>>
    %dma_start3A_139 = tpu.memref_squeeze %dma_start3A_138 : memref<1x128xi32, #tpu.memory_space<vmem>> -> memref<128xi32, #tpu.memory_space<vmem>>
    %dma_start3A_140 = arith.constant 0 : i32
    %dma_start3A_141 = arith.constant 0 : i32
    %dma_start3A_142 = tpu.memref_slice %arg2[%dma_start3A_140, %dma_start3A_141] : memref<10000x128xf32, #tpu.memory_space<hbm>> -> memref<10000x128xf32, #tpu.memory_space<hbm>>
    tpu.enqueue_indirect_dma source(%dma_start3A_142 : memref<10000x128xf32, #tpu.memory_space<hbm>>) target(%arg9 : memref<128x128xf32, #tpu.memory_space<vmem>>) offsets(%dma_start3A_139 : memref<128xi32, #tpu.memory_space<vmem>>) semaphore(%arg12 : memref<!tpu.dma_semaphore, #tpu.memory_space<semaphore_mem>>)
    %lt3A = arith.constant 2 : i32
    %lt3A_143 = arith.cmpi slt, %arg1, %lt3A : i32
    %convert_element_type3A = arith.extui %lt3A_143 : i1 to i32
    %cond3A = arith.constant 0 : i32
    %cond3A_144 = arith.cmpi ne, %convert_element_type3A, %cond3A : i32
    scf.if %cond3A_144 {
      "tpu.region"() ({
        %run_scoped3A_423 = tpu.sem_alloc : memref<!tpu.dma_semaphore, #tpu.memory_space<semaphore_mem>>
        %dma_start3A_424 = arith.constant 0 : i32
        %dma_start3A_425 = tpu.memref_slice %arg17[%multiple_of3A, %dma_start3A_424] : memref<10000x128xf32, #tpu.memory_space<vmem_shared>> -> memref<632x128xf32, #tpu.memory_space<vmem_shared>>
        tpu.enqueue_dma source(%arg4 : memref<632x128xf32, #tpu.memory_space<hbm>>) target(%dma_start3A_425 : memref<632x128xf32, #tpu.memory_space<vmem_shared>>) target_semaphore(%run_scoped3A_423 : memref<!tpu.dma_semaphore, #tpu.memory_space<semaphore_mem>>)
        %dma_wait3A_426 = arith.constant 0 : i32
        %dma_wait3A_427 = tpu.memref_slice %arg17[%multiple_of3A, %dma_wait3A_426] : memref<10000x128xf32, #tpu.memory_space<vmem_shared>> -> memref<632x128xf32, #tpu.memory_space<vmem_shared>>
        tpu.wait_dma2 semaphore(%run_scoped3A_423 : memref<!tpu.dma_semaphore, #tpu.memory_space<semaphore_mem>>) src(%arg4 : memref<632x128xf32, #tpu.memory_space<hbm>>) dst(%dma_wait3A_427 : memref<632x128xf32, #tpu.memory_space<vmem_shared>>)
        tpu.yield
      }) : () -> ()
    } else {
    }
    %ge3A = arith.constant 2 : i32
    %ge3A_145 = arith.cmpi sge, %arg1, %ge3A : i32
    %convert_element_type3A_146 = arith.extui %ge3A_145 : i1 to i32
    %cond3A_147 = arith.constant 0 : i32
    %cond3A_148 = arith.cmpi ne, %convert_element_type3A_146, %cond3A_147 : i32
    scf.if %cond3A_148 {
      "tpu.region"() ({
        %run_scoped3A_423 = tpu.sem_alloc : memref<!tpu.dma_semaphore, #tpu.memory_space<semaphore_mem>>
        %dma_start3A_424 = arith.constant 0 : i32
        %dma_start3A_425 = tpu.memref_slice %arg17[%multiple_of3A, %dma_start3A_424] : memref<10000x128xf32, #tpu.memory_space<vmem_shared>> -> memref<624x128xf32, #tpu.memory_space<vmem_shared>>
        %dma_start3A_426 = arith.constant 0 : i32
        %dma_start3A_427 = arith.constant 0 : i32
        %dma_start3A_428 = tpu.memref_slice %arg4[%dma_start3A_426, %dma_start3A_427] : memref<632x128xf32, #tpu.memory_space<hbm>> -> memref<624x128xf32, #tpu.memory_space<hbm>>
        tpu.enqueue_dma source(%dma_start3A_428 : memref<624x128xf32, #tpu.memory_space<hbm>>) target(%dma_start3A_425 : memref<624x128xf32, #tpu.memory_space<vmem_shared>>) target_semaphore(%run_scoped3A_423 : memref<!tpu.dma_semaphore, #tpu.memory_space<semaphore_mem>>)
        %dma_wait3A_429 = arith.constant 0 : i32
        %dma_wait3A_430 = tpu.memref_slice %arg17[%multiple_of3A, %dma_wait3A_429] : memref<10000x128xf32, #tpu.memory_space<vmem_shared>> -> memref<624x128xf32, #tpu.memory_space<vmem_shared>>
        %dma_wait3A_431 = arith.constant 0 : i32
        %dma_wait3A_432 = arith.constant 0 : i32
        %dma_wait3A_433 = tpu.memref_slice %arg4[%dma_wait3A_431, %dma_wait3A_432] : memref<632x128xf32, #tpu.memory_space<hbm>> -> memref<624x128xf32, #tpu.memory_space<hbm>>
        tpu.wait_dma2 semaphore(%run_scoped3A_423 : memref<!tpu.dma_semaphore, #tpu.memory_space<semaphore_mem>>) src(%dma_wait3A_433 : memref<624x128xf32, #tpu.memory_space<hbm>>) dst(%dma_wait3A_430 : memref<624x128xf32, #tpu.memory_space<vmem_shared>>)
        tpu.yield
      }) : () -> ()
    } else {
    }
    %barrier3A = arith.constant 0 : index
    tpu.barrier barrier_id(%barrier3A)
    %scan3A = arith.constant 0 : i32
    %scan3A_149 = arith.constant 0 : i32
    %scan3A_150 = arith.constant 0 : i32
    %scan3A_151 = arith.constant 0 : i32
    %scan3A_152 = arith.constant 1 : i32
    %scan3A_153 = arith.constant 3 : i32
    %scan3A_154 = arith.constant 0 : i32
    %scan3A_155 = arith.constant 1 : i32
    %scan3A_156 = arith.constant 0 : i32
    %scan3A_157 = arith.constant 1 : i32
    %scan3A_158 = arith.constant 1 : i32
    %scan3A_159 = arith.constant 2 : i32
    %scan3A_160 = arith.constant 0 : i32
    %scan3A_161 = arith.constant 2 : i32
    %scan3A_162 = arith.constant 1 : i32
    %scan3A_163 = arith.constant 3 : i32
    %scan3A_164 = arith.constant 1 : i32
    %scan3A_165 = arith.constant 0 : i32
    %scan3A_166 = arith.constant 6 : i32
    %scan3A_167 = arith.addi %scan3A_165, %scan3A_166 : i32
    %scan3A_168 = arith.constant 1 : i32
    scf.for %scan3A_423 = %scan3A_165 to %scan3A_167 step %scan3A_168  : i32 {
      %mul3A_424 = arith.constant 12 : i32
      %mul3A_425 = arith.muli %scan3A_423, %mul3A_424 : i32
      %add3A_426 = arith.constant 0 : i32
      %add3A_427 = arith.addi %mul3A_425, %add3A_426 : i32
      %add3A_428 = arith.constant 3 : i32
      %add3A_429 = arith.addi %add3A_427, %add3A_428 : i32
      %mul3A_430 = arith.constant 32 : i32
      %mul3A_431 = arith.muli %add3A_429, %mul3A_430 : i32
      %add3A_432 = arith.addi %add3A, %mul3A_431 : i32
      %mul3A_433 = arith.constant 128 : i32
      %mul3A_434 = arith.muli %add3A_432, %mul3A_433 : i32
      %dma_start3A_435 = arith.constant 3 : i32
      %dma_start3A_436 = arith.constant 0 : i32
      %dma_start3A_437 = arith.constant 0 : i32
      %dma_start3A_438 = tpu.memref_slice %arg6[%dma_start3A_435, %dma_start3A_436, %dma_start3A_437] : memref<4x2x128xi32, #tpu.memory_space<vmem>> -> memref<1x2x128xi32, #tpu.memory_space<vmem>>
      %dma_start3A_439 = tpu.memref_squeeze %dma_start3A_438 : memref<1x2x128xi32, #tpu.memory_space<vmem>> -> memref<2x128xi32, #tpu.memory_space<vmem>>
      %dma_start3A_440 = arith.constant 0 : i32
      %dma_start3A_441 = tpu.memref_slice %arg3[%dma_start3A_440, %mul3A_434] : memref<2x320000xi32, #tpu.memory_space<hbm>> -> memref<2x128xi32, #tpu.memory_space<hbm>>
      %dma_start3A_442 = arith.constant 0 : i32
      %dma_start3A_443 = arith.constant 0 : i32
      %dma_start3A_444 = tpu.memref_slice %arg6[%dma_start3A_435, %dma_start3A_442, %dma_start3A_443] : memref<4x2x128xi32, #tpu.memory_space<vmem>> -> memref<1x2x128xi32, #tpu.memory_space<vmem>>
      %dma_start3A_445 = tpu.memref_squeeze %dma_start3A_444 : memref<1x2x128xi32, #tpu.memory_space<vmem>> -> memref<2x128xi32, #tpu.memory_space<vmem>>
      %dma_start3A_446 = arith.constant 0 : i32
      %dma_start3A_447 = tpu.memref_slice %arg3[%dma_start3A_446, %mul3A_434] : memref<2x320000xi32, #tpu.memory_space<hbm>> -> memref<2x128xi32, #tpu.memory_space<hbm>>
      tpu.enqueue_dma source(%dma_start3A_447 : memref<2x128xi32, #tpu.memory_space<hbm>>) target(%dma_start3A_445 : memref<2x128xi32, #tpu.memory_space<vmem>>) target_semaphore(%arg16 : memref<!tpu.dma_semaphore, #tpu.memory_space<semaphore_mem>>)
      %dma_wait3A_448 = arith.constant 0 : i32
      %dma_wait3A_449 = arith.constant 0 : i32
      %dma_wait3A_450 = tpu.memref_slice %arg6[%scan3A_149, %dma_wait3A_448, %dma_wait3A_449] : memref<4x2x128xi32, #tpu.memory_space<vmem>> -> memref<1x2x128xi32, #tpu.memory_space<vmem>>
      %dma_wait3A_451 = tpu.memref_squeeze %dma_wait3A_450 : memref<1x2x128xi32, #tpu.memory_space<vmem>> -> memref<2x128xi32, #tpu.memory_space<vmem>>
      %dma_wait3A_452 = arith.constant 0 : i32
      %dma_wait3A_453 = tpu.memref_slice %dma_wait3A_451[%scan3A_150, %dma_wait3A_452] : memref<2x128xi32, #tpu.memory_space<vmem>> -> memref<1x128xi32, #tpu.memory_space<vmem>>
      %dma_wait3A_454 = tpu.memref_squeeze %dma_wait3A_453 : memref<1x128xi32, #tpu.memory_space<vmem>> -> memref<128xi32, #tpu.memory_space<vmem>>
      %dma_wait3A_455 = arith.constant 0 : i32
      %dma_wait3A_456 = arith.constant 0 : i32
      %dma_wait3A_457 = tpu.memref_slice %arg2[%dma_wait3A_455, %dma_wait3A_456] : memref<10000x128xf32, #tpu.memory_space<hbm>> -> memref<10000x128xf32, #tpu.memory_space<hbm>>
      tpu.wait_indirect_dma semaphore(%arg10 : memref<!tpu.dma_semaphore, #tpu.memory_space<semaphore_mem>>) src(%dma_wait3A_457 : memref<10000x128xf32, #tpu.memory_space<hbm>>) dst(%arg7 : memref<128x128xf32, #tpu.memory_space<vmem>>)
      "tpu.region"() ({
        %run_scoped3A_1192 = tpu.sem_alloc : memref<!tpu.dma_semaphore, #tpu.memory_space<semaphore_mem>>
        %dma_start3A_1193 = arith.constant 0 : i32
        %dma_start3A_1194 = arith.constant 0 : i32
        %dma_start3A_1195 = tpu.memref_slice %arg6[%scan3A_151, %dma_start3A_1193, %dma_start3A_1194] : memref<4x2x128xi32, #tpu.memory_space<vmem>> -> memref<1x2x128xi32, #tpu.memory_space<vmem>>
        %dma_start3A_1196 = tpu.memref_squeeze %dma_start3A_1195 : memref<1x2x128xi32, #tpu.memory_space<vmem>> -> memref<2x128xi32, #tpu.memory_space<vmem>>
        %dma_start3A_1197 = arith.constant 0 : i32
        %dma_start3A_1198 = tpu.memref_slice %dma_start3A_1196[%scan3A_152, %dma_start3A_1197] : memref<2x128xi32, #tpu.memory_space<vmem>> -> memref<1x128xi32, #tpu.memory_space<vmem>>
        %dma_start3A_1199 = tpu.memref_squeeze %dma_start3A_1198 : memref<1x128xi32, #tpu.memory_space<vmem>> -> memref<128xi32, #tpu.memory_space<vmem>>
        %dma_start3A_1200 = arith.constant 0 : i32
        %dma_start3A_1201 = arith.constant 0 : i32
        %dma_start3A_1202 = tpu.memref_slice %arg17[%dma_start3A_1200, %dma_start3A_1201] : memref<10000x128xf32, #tpu.memory_space<vmem_shared>> -> memref<10000x128xf32, #tpu.memory_space<vmem_shared>>
        tpu.enqueue_indirect_dma source(%arg7 : memref<128x128xf32, #tpu.memory_space<vmem>>) target(%dma_start3A_1202 : memref<10000x128xf32, #tpu.memory_space<vmem_shared>>) offsets(%dma_start3A_1199 : memref<128xi32, #tpu.memory_space<vmem>>) semaphore(%run_scoped3A_1192 : memref<!tpu.dma_semaphore, #tpu.memory_space<semaphore_mem>>) {add = true}
        %dma_wait3A_1203 = arith.constant 0 : i32
        %dma_wait3A_1204 = arith.constant 0 : i32
        %dma_wait3A_1205 = tpu.memref_slice %arg6[%scan3A_151, %dma_wait3A_1203, %dma_wait3A_1204] : memref<4x2x128xi32, #tpu.memory_space<vmem>> -> memref<1x2x128xi32, #tpu.memory_space<vmem>>
        %dma_wait3A_1206 = tpu.memref_squeeze %dma_wait3A_1205 : memref<1x2x128xi32, #tpu.memory_space<vmem>> -> memref<2x128xi32, #tpu.memory_space<vmem>>
        %dma_wait3A_1207 = arith.constant 0 : i32
        %dma_wait3A_1208 = tpu.memref_slice %dma_wait3A_1206[%scan3A_152, %dma_wait3A_1207] : memref<2x128xi32, #tpu.memory_space<vmem>> -> memref<1x128xi32, #tpu.memory_space<vmem>>
        %dma_wait3A_1209 = tpu.memref_squeeze %dma_wait3A_1208 : memref<1x128xi32, #tpu.memory_space<vmem>> -> memref<128xi32, #tpu.memory_space<vmem>>
        %dma_wait3A_1210 = arith.constant 0 : i32
        %dma_wait3A_1211 = arith.constant 0 : i32
        %dma_wait3A_1212 = tpu.memref_slice %arg17[%dma_wait3A_1210, %dma_wait3A_1211] : memref<10000x128xf32, #tpu.memory_space<vmem_shared>> -> memref<10000x128xf32, #tpu.memory_space<vmem_shared>>
        tpu.wait_indirect_dma semaphore(%run_scoped3A_1192 : memref<!tpu.dma_semaphore, #tpu.memory_space<semaphore_mem>>) src(%arg7 : memref<128x128xf32, #tpu.memory_space<vmem>>) dst(%dma_wait3A_1212 : memref<10000x128xf32, #tpu.memory_space<vmem_shared>>)
        tpu.yield
      }) : () -> ()
      %add3A_458 = arith.constant 3 : i32
      %add3A_459 = arith.addi %add3A_427, %add3A_458 : i32
      %mul3A_460 = arith.constant 32 : i32
      %mul3A_461 = arith.muli %add3A_459, %mul3A_460 : i32
      %add3A_462 = arith.addi %add3A, %mul3A_461 : i32
      %mul3A_463 = arith.constant 128 : i32
      %mul3A_464 = arith.muli %add3A_462, %mul3A_463 : i32
      %dma_wait3A_465 = arith.constant 3 : i32
      %dma_wait3A_466 = arith.constant 0 : i32
      %dma_wait3A_467 = arith.constant 0 : i32
      %dma_wait3A_468 = tpu.memref_slice %arg6[%dma_wait3A_465, %dma_wait3A_466, %dma_wait3A_467] : memref<4x2x128xi32, #tpu.memory_space<vmem>> -> memref<1x2x128xi32, #tpu.memory_space<vmem>>
      %dma_wait3A_469 = tpu.memref_squeeze %dma_wait3A_468 : memref<1x2x128xi32, #tpu.memory_space<vmem>> -> memref<2x128xi32, #tpu.memory_space<vmem>>
      %dma_wait3A_470 = arith.constant 0 : i32
      %dma_wait3A_471 = tpu.memref_slice %arg3[%dma_wait3A_470, %mul3A_464] : memref<2x320000xi32, #tpu.memory_space<hbm>> -> memref<2x128xi32, #tpu.memory_space<hbm>>
      %dma_wait3A_472 = arith.constant 0 : i32
      %dma_wait3A_473 = arith.constant 0 : i32
      %dma_wait3A_474 = tpu.memref_slice %arg6[%dma_wait3A_465, %dma_wait3A_472, %dma_wait3A_473] : memref<4x2x128xi32, #tpu.memory_space<vmem>> -> memref<1x2x128xi32, #tpu.memory_space<vmem>>
      %dma_wait3A_475 = tpu.memref_squeeze %dma_wait3A_474 : memref<1x2x128xi32, #tpu.memory_space<vmem>> -> memref<2x128xi32, #tpu.memory_space<vmem>>
      %dma_wait3A_476 = arith.constant 0 : i32
      %dma_wait3A_477 = tpu.memref_slice %arg3[%dma_wait3A_476, %mul3A_464] : memref<2x320000xi32, #tpu.memory_space<hbm>> -> memref<2x128xi32, #tpu.memory_space<hbm>>
      tpu.wait_dma2 semaphore(%arg16 : memref<!tpu.dma_semaphore, #tpu.memory_space<semaphore_mem>>) src(%dma_wait3A_477 : memref<2x128xi32, #tpu.memory_space<hbm>>) dst(%dma_wait3A_475 : memref<2x128xi32, #tpu.memory_space<vmem>>)
      %dma_start3A_478 = arith.constant 0 : i32
      %dma_start3A_479 = arith.constant 0 : i32
      %dma_start3A_480 = tpu.memref_slice %arg6[%scan3A_153, %dma_start3A_478, %dma_start3A_479] : memref<4x2x128xi32, #tpu.memory_space<vmem>> -> memref<1x2x128xi32, #tpu.memory_space<vmem>>
      %dma_start3A_481 = tpu.memref_squeeze %dma_start3A_480 : memref<1x2x128xi32, #tpu.memory_space<vmem>> -> memref<2x128xi32, #tpu.memory_space<vmem>>
      %dma_start3A_482 = arith.constant 0 : i32
      %dma_start3A_483 = tpu.memref_slice %dma_start3A_481[%scan3A_154, %dma_start3A_482] : memref<2x128xi32, #tpu.memory_space<vmem>> -> memref<1x128xi32, #tpu.memory_space<vmem>>
      %dma_start3A_484 = tpu.memref_squeeze %dma_start3A_483 : memref<1x128xi32, #tpu.memory_space<vmem>> -> memref<128xi32, #tpu.memory_space<vmem>>
      %dma_start3A_485 = arith.constant 0 : i32
      %dma_start3A_486 = arith.constant 0 : i32
      %dma_start3A_487 = tpu.memref_slice %arg2[%dma_start3A_485, %dma_start3A_486] : memref<10000x128xf32, #tpu.memory_space<hbm>> -> memref<10000x128xf32, #tpu.memory_space<hbm>>
      tpu.enqueue_indirect_dma source(%dma_start3A_487 : memref<10000x128xf32, #tpu.memory_space<hbm>>) target(%arg7 : memref<128x128xf32, #tpu.memory_space<vmem>>) offsets(%dma_start3A_484 : memref<128xi32, #tpu.memory_space<vmem>>) semaphore(%arg10 : memref<!tpu.dma_semaphore, #tpu.memory_space<semaphore_mem>>)
      %mul3A_488 = arith.constant 12 : i32
      %mul3A_489 = arith.muli %scan3A_423, %mul3A_488 : i32
      %add3A_490 = arith.constant 1 : i32
      %add3A_491 = arith.addi %mul3A_489, %add3A_490 : i32
      %add3A_492 = arith.constant 3 : i32
      %add3A_493 = arith.addi %add3A_491, %add3A_492 : i32
      %mul3A_494 = arith.constant 32 : i32
      %mul3A_495 = arith.muli %add3A_493, %mul3A_494 : i32
      %add3A_496 = arith.addi %add3A, %mul3A_495 : i32
      %mul3A_497 = arith.constant 128 : i32
      %mul3A_498 = arith.muli %add3A_496, %mul3A_497 : i32
      %dma_start3A_499 = arith.constant 0 : i32
      %dma_start3A_500 = arith.constant 0 : i32
      %dma_start3A_501 = arith.constant 0 : i32
      %dma_start3A_502 = tpu.memref_slice %arg6[%dma_start3A_499, %dma_start3A_500, %dma_start3A_501] : memref<4x2x128xi32, #tpu.memory_space<vmem>> -> memref<1x2x128xi32, #tpu.memory_space<vmem>>
      %dma_start3A_503 = tpu.memref_squeeze %dma_start3A_502 : memref<1x2x128xi32, #tpu.memory_space<vmem>> -> memref<2x128xi32, #tpu.memory_space<vmem>>
      %dma_start3A_504 = arith.constant 0 : i32
      %dma_start3A_505 = tpu.memref_slice %arg3[%dma_start3A_504, %mul3A_498] : memref<2x320000xi32, #tpu.memory_space<hbm>> -> memref<2x128xi32, #tpu.memory_space<hbm>>
      %dma_start3A_506 = arith.constant 0 : i32
      %dma_start3A_507 = arith.constant 0 : i32
      %dma_start3A_508 = tpu.memref_slice %arg6[%dma_start3A_499, %dma_start3A_506, %dma_start3A_507] : memref<4x2x128xi32, #tpu.memory_space<vmem>> -> memref<1x2x128xi32, #tpu.memory_space<vmem>>
      %dma_start3A_509 = tpu.memref_squeeze %dma_start3A_508 : memref<1x2x128xi32, #tpu.memory_space<vmem>> -> memref<2x128xi32, #tpu.memory_space<vmem>>
      %dma_start3A_510 = arith.constant 0 : i32
      %dma_start3A_511 = tpu.memref_slice %arg3[%dma_start3A_510, %mul3A_498] : memref<2x320000xi32, #tpu.memory_space<hbm>> -> memref<2x128xi32, #tpu.memory_space<hbm>>
      tpu.enqueue_dma source(%dma_start3A_511 : memref<2x128xi32, #tpu.memory_space<hbm>>) target(%dma_start3A_509 : memref<2x128xi32, #tpu.memory_space<vmem>>) target_semaphore(%arg13 : memref<!tpu.dma_semaphore, #tpu.memory_space<semaphore_mem>>)
      %dma_wait3A_512 = arith.constant 0 : i32
      %dma_wait3A_513 = arith.constant 0 : i32
      %dma_wait3A_514 = tpu.memref_slice %arg6[%scan3A_155, %dma_wait3A_512, %dma_wait3A_513] : memref<4x2x128xi32, #tpu.memory_space<vmem>> -> memref<1x2x128xi32, #tpu.memory_space<vmem>>
      %dma_wait3A_515 = tpu.memref_squeeze %dma_wait3A_514 : memref<1x2x128xi32, #tpu.memory_space<vmem>> -> memref<2x128xi32, #tpu.memory_space<vmem>>
      %dma_wait3A_516 = arith.constant 0 : i32
      %dma_wait3A_517 = tpu.memref_slice %dma_wait3A_515[%scan3A_156, %dma_wait3A_516] : memref<2x128xi32, #tpu.memory_space<vmem>> -> memref<1x128xi32, #tpu.memory_space<vmem>>
      %dma_wait3A_518 = tpu.memref_squeeze %dma_wait3A_517 : memref<1x128xi32, #tpu.memory_space<vmem>> -> memref<128xi32, #tpu.memory_space<vmem>>
      %dma_wait3A_519 = arith.constant 0 : i32
      %dma_wait3A_520 = arith.constant 0 : i32
      %dma_wait3A_521 = tpu.memref_slice %arg2[%dma_wait3A_519, %dma_wait3A_520] : memref<10000x128xf32, #tpu.memory_space<hbm>> -> memref<10000x128xf32, #tpu.memory_space<hbm>>
      tpu.wait_indirect_dma semaphore(%arg11 : memref<!tpu.dma_semaphore, #tpu.memory_space<semaphore_mem>>) src(%dma_wait3A_521 : memref<10000x128xf32, #tpu.memory_space<hbm>>) dst(%arg8 : memref<128x128xf32, #tpu.memory_space<vmem>>)
      "tpu.region"() ({
        %run_scoped3A_1192 = tpu.sem_alloc : memref<!tpu.dma_semaphore, #tpu.memory_space<semaphore_mem>>
        %dma_start3A_1193 = arith.constant 0 : i32
        %dma_start3A_1194 = arith.constant 0 : i32
        %dma_start3A_1195 = tpu.memref_slice %arg6[%scan3A_157, %dma_start3A_1193, %dma_start3A_1194] : memref<4x2x128xi32, #tpu.memory_space<vmem>> -> memref<1x2x128xi32, #tpu.memory_space<vmem>>
        %dma_start3A_1196 = tpu.memref_squeeze %dma_start3A_1195 : memref<1x2x128xi32, #tpu.memory_space<vmem>> -> memref<2x128xi32, #tpu.memory_space<vmem>>
        %dma_start3A_1197 = arith.constant 0 : i32
        %dma_start3A_1198 = tpu.memref_slice %dma_start3A_1196[%scan3A_158, %dma_start3A_1197] : memref<2x128xi32, #tpu.memory_space<vmem>> -> memref<1x128xi32, #tpu.memory_space<vmem>>
        %dma_start3A_1199 = tpu.memref_squeeze %dma_start3A_1198 : memref<1x128xi32, #tpu.memory_space<vmem>> -> memref<128xi32, #tpu.memory_space<vmem>>
        %dma_start3A_1200 = arith.constant 0 : i32
        %dma_start3A_1201 = arith.constant 0 : i32
        %dma_start3A_1202 = tpu.memref_slice %arg17[%dma_start3A_1200, %dma_start3A_1201] : memref<10000x128xf32, #tpu.memory_space<vmem_shared>> -> memref<10000x128xf32, #tpu.memory_space<vmem_shared>>
        tpu.enqueue_indirect_dma source(%arg8 : memref<128x128xf32, #tpu.memory_space<vmem>>) target(%dma_start3A_1202 : memref<10000x128xf32, #tpu.memory_space<vmem_shared>>) offsets(%dma_start3A_1199 : memref<128xi32, #tpu.memory_space<vmem>>) semaphore(%run_scoped3A_1192 : memref<!tpu.dma_semaphore, #tpu.memory_space<semaphore_mem>>) {add = true}
        %dma_wait3A_1203 = arith.constant 0 : i32
        %dma_wait3A_1204 = arith.constant 0 : i32
        %dma_wait3A_1205 = tpu.memref_slice %arg6[%scan3A_157, %dma_wait3A_1203, %dma_wait3A_1204] : memref<4x2x128xi32, #tpu.memory_space<vmem>> -> memref<1x2x128xi32, #tpu.memory_space<vmem>>
        %dma_wait3A_1206 = tpu.memref_squeeze %dma_wait3A_1205 : memref<1x2x128xi32, #tpu.memory_space<vmem>> -> memref<2x128xi32, #tpu.memory_space<vmem>>
        %dma_wait3A_1207 = arith.constant 0 : i32
        %dma_wait3A_1208 = tpu.memref_slice %dma_wait3A_1206[%scan3A_158, %dma_wait3A_1207] : memref<2x128xi32, #tpu.memory_space<vmem>> -> memref<1x128xi32, #tpu.memory_space<vmem>>
        %dma_wait3A_1209 = tpu.memref_squeeze %dma_wait3A_1208 : memref<1x128xi32, #tpu.memory_space<vmem>> -> memref<128xi32, #tpu.memory_space<vmem>>
        %dma_wait3A_1210 = arith.constant 0 : i32
        %dma_wait3A_1211 = arith.constant 0 : i32
        %dma_wait3A_1212 = tpu.memref_slice %arg17[%dma_wait3A_1210, %dma_wait3A_1211] : memref<10000x128xf32, #tpu.memory_space<vmem_shared>> -> memref<10000x128xf32, #tpu.memory_space<vmem_shared>>
        tpu.wait_indirect_dma semaphore(%run_scoped3A_1192 : memref<!tpu.dma_semaphore, #tpu.memory_space<semaphore_mem>>) src(%arg8 : memref<128x128xf32, #tpu.memory_space<vmem>>) dst(%dma_wait3A_1212 : memref<10000x128xf32, #tpu.memory_space<vmem_shared>>)
        tpu.yield
      }) : () -> ()
      %add3A_522 = arith.constant 3 : i32
      %add3A_523 = arith.addi %add3A_491, %add3A_522 : i32
      %mul3A_524 = arith.constant 32 : i32
      %mul3A_525 = arith.muli %add3A_523, %mul3A_524 : i32
      %add3A_526 = arith.addi %add3A, %mul3A_525 : i32
      %mul3A_527 = arith.constant 128 : i32
      %mul3A_528 = arith.muli %add3A_526, %mul3A_527 : i32
      %dma_wait3A_529 = arith.constant 0 : i32
      %dma_wait3A_530 = arith.constant 0 : i32
      %dma_wait3A_531 = arith.constant 0 : i32
      %dma_wait3A_532 = tpu.memref_slice %arg6[%dma_wait3A_529, %dma_wait3A_530, %dma_wait3A_531] : memref<4x2x128xi32, #tpu.memory_space<vmem>> -> memref<1x2x128xi32, #tpu.memory_space<vmem>>
      %dma_wait3A_533 = tpu.memref_squeeze %dma_wait3A_532 : memref<1x2x128xi32, #tpu.memory_space<vmem>> -> memref<2x128xi32, #tpu.memory_space<vmem>>
      %dma_wait3A_534 = arith.constant 0 : i32
      %dma_wait3A_535 = tpu.memref_slice %arg3[%dma_wait3A_534, %mul3A_528] : memref<2x320000xi32, #tpu.memory_space<hbm>> -> memref<2x128xi32, #tpu.memory_space<hbm>>
      %dma_wait3A_536 = arith.constant 0 : i32
      %dma_wait3A_537 = arith.constant 0 : i32
      %dma_wait3A_538 = tpu.memref_slice %arg6[%dma_wait3A_529, %dma_wait3A_536, %dma_wait3A_537] : memref<4x2x128xi32, #tpu.memory_space<vmem>> -> memref<1x2x128xi32, #tpu.memory_space<vmem>>
      %dma_wait3A_539 = tpu.memref_squeeze %dma_wait3A_538 : memref<1x2x128xi32, #tpu.memory_space<vmem>> -> memref<2x128xi32, #tpu.memory_space<vmem>>
      %dma_wait3A_540 = arith.constant 0 : i32
      %dma_wait3A_541 = tpu.memref_slice %arg3[%dma_wait3A_540, %mul3A_528] : memref<2x320000xi32, #tpu.memory_space<hbm>> -> memref<2x128xi32, #tpu.memory_space<hbm>>
      tpu.wait_dma2 semaphore(%arg13 : memref<!tpu.dma_semaphore, #tpu.memory_space<semaphore_mem>>) src(%dma_wait3A_541 : memref<2x128xi32, #tpu.memory_space<hbm>>) dst(%dma_wait3A_539 : memref<2x128xi32, #tpu.memory_space<vmem>>)
      %dma_start3A_542 = arith.constant 0 : i32
      %dma_start3A_543 = arith.constant 0 : i32
      %dma_start3A_544 = tpu.memref_slice %arg6[%scan3A_149, %dma_start3A_542, %dma_start3A_543] : memref<4x2x128xi32, #tpu.memory_space<vmem>> -> memref<1x2x128xi32, #tpu.memory_space<vmem>>
      %dma_start3A_545 = tpu.memref_squeeze %dma_start3A_544 : memref<1x2x128xi32, #tpu.memory_space<vmem>> -> memref<2x128xi32, #tpu.memory_space<vmem>>
      %dma_start3A_546 = arith.constant 0 : i32
      %dma_start3A_547 = tpu.memref_slice %dma_start3A_545[%scan3A_150, %dma_start3A_546] : memref<2x128xi32, #tpu.memory_space<vmem>> -> memref<1x128xi32, #tpu.memory_space<vmem>>
      %dma_start3A_548 = tpu.memref_squeeze %dma_start3A_547 : memref<1x128xi32, #tpu.memory_space<vmem>> -> memref<128xi32, #tpu.memory_space<vmem>>
      %dma_start3A_549 = arith.constant 0 : i32
      %dma_start3A_550 = arith.constant 0 : i32
      %dma_start3A_551 = tpu.memref_slice %arg2[%dma_start3A_549, %dma_start3A_550] : memref<10000x128xf32, #tpu.memory_space<hbm>> -> memref<10000x128xf32, #tpu.memory_space<hbm>>
      tpu.enqueue_indirect_dma source(%dma_start3A_551 : memref<10000x128xf32, #tpu.memory_space<hbm>>) target(%arg8 : memref<128x128xf32, #tpu.memory_space<vmem>>) offsets(%dma_start3A_548 : memref<128xi32, #tpu.memory_space<vmem>>) semaphore(%arg11 : memref<!tpu.dma_semaphore, #tpu.memory_space<semaphore_mem>>)
      %mul3A_552 = arith.constant 12 : i32
      %mul3A_553 = arith.muli %scan3A_423, %mul3A_552 : i32
      %add3A_554 = arith.constant 2 : i32
      %add3A_555 = arith.addi %mul3A_553, %add3A_554 : i32
      %add3A_556 = arith.constant 3 : i32
      %add3A_557 = arith.addi %add3A_555, %add3A_556 : i32
      %mul3A_558 = arith.constant 32 : i32
      %mul3A_559 = arith.muli %add3A_557, %mul3A_558 : i32
      %add3A_560 = arith.addi %add3A, %mul3A_559 : i32
      %mul3A_561 = arith.constant 128 : i32
      %mul3A_562 = arith.muli %add3A_560, %mul3A_561 : i32
      %dma_start3A_563 = arith.constant 1 : i32
      %dma_start3A_564 = arith.constant 0 : i32
      %dma_start3A_565 = arith.constant 0 : i32
      %dma_start3A_566 = tpu.memref_slice %arg6[%dma_start3A_563, %dma_start3A_564, %dma_start3A_565] : memref<4x2x128xi32, #tpu.memory_space<vmem>> -> memref<1x2x128xi32, #tpu.memory_space<vmem>>
      %dma_start3A_567 = tpu.memref_squeeze %dma_start3A_566 : memref<1x2x128xi32, #tpu.memory_space<vmem>> -> memref<2x128xi32, #tpu.memory_space<vmem>>
      %dma_start3A_568 = arith.constant 0 : i32
      %dma_start3A_569 = tpu.memref_slice %arg3[%dma_start3A_568, %mul3A_562] : memref<2x320000xi32, #tpu.memory_space<hbm>> -> memref<2x128xi32, #tpu.memory_space<hbm>>
      %dma_start3A_570 = arith.constant 0 : i32
      %dma_start3A_571 = arith.constant 0 : i32
      %dma_start3A_572 = tpu.memref_slice %arg6[%dma_start3A_563, %dma_start3A_570, %dma_start3A_571] : memref<4x2x128xi32, #tpu.memory_space<vmem>> -> memref<1x2x128xi32, #tpu.memory_space<vmem>>
      %dma_start3A_573 = tpu.memref_squeeze %dma_start3A_572 : memref<1x2x128xi32, #tpu.memory_space<vmem>> -> memref<2x128xi32, #tpu.memory_space<vmem>>
      %dma_start3A_574 = arith.constant 0 : i32
      %dma_start3A_575 = tpu.memref_slice %arg3[%dma_start3A_574, %mul3A_562] : memref<2x320000xi32, #tpu.memory_space<hbm>> -> memref<2x128xi32, #tpu.memory_space<hbm>>
      tpu.enqueue_dma source(%dma_start3A_575 : memref<2x128xi32, #tpu.memory_space<hbm>>) target(%dma_start3A_573 : memref<2x128xi32, #tpu.memory_space<vmem>>) target_semaphore(%arg14 : memref<!tpu.dma_semaphore, #tpu.memory_space<semaphore_mem>>)
      %dma_wait3A_576 = arith.constant 0 : i32
      %dma_wait3A_577 = arith.constant 0 : i32
      %dma_wait3A_578 = tpu.memref_slice %arg6[%scan3A_159, %dma_wait3A_576, %dma_wait3A_577] : memref<4x2x128xi32, #tpu.memory_space<vmem>> -> memref<1x2x128xi32, #tpu.memory_space<vmem>>
      %dma_wait3A_579 = tpu.memref_squeeze %dma_wait3A_578 : memref<1x2x128xi32, #tpu.memory_space<vmem>> -> memref<2x128xi32, #tpu.memory_space<vmem>>
      %dma_wait3A_580 = arith.constant 0 : i32
      %dma_wait3A_581 = tpu.memref_slice %dma_wait3A_579[%scan3A_160, %dma_wait3A_580] : memref<2x128xi32, #tpu.memory_space<vmem>> -> memref<1x128xi32, #tpu.memory_space<vmem>>
      %dma_wait3A_582 = tpu.memref_squeeze %dma_wait3A_581 : memref<1x128xi32, #tpu.memory_space<vmem>> -> memref<128xi32, #tpu.memory_space<vmem>>
      %dma_wait3A_583 = arith.constant 0 : i32
      %dma_wait3A_584 = arith.constant 0 : i32
      %dma_wait3A_585 = tpu.memref_slice %arg2[%dma_wait3A_583, %dma_wait3A_584] : memref<10000x128xf32, #tpu.memory_space<hbm>> -> memref<10000x128xf32, #tpu.memory_space<hbm>>
      tpu.wait_indirect_dma semaphore(%arg12 : memref<!tpu.dma_semaphore, #tpu.memory_space<semaphore_mem>>) src(%dma_wait3A_585 : memref<10000x128xf32, #tpu.memory_space<hbm>>) dst(%arg9 : memref<128x128xf32, #tpu.memory_space<vmem>>)
      "tpu.region"() ({
        %run_scoped3A_1192 = tpu.sem_alloc : memref<!tpu.dma_semaphore, #tpu.memory_space<semaphore_mem>>
        %dma_start3A_1193 = arith.constant 0 : i32
        %dma_start3A_1194 = arith.constant 0 : i32
        %dma_start3A_1195 = tpu.memref_slice %arg6[%scan3A_161, %dma_start3A_1193, %dma_start3A_1194] : memref<4x2x128xi32, #tpu.memory_space<vmem>> -> memref<1x2x128xi32, #tpu.memory_space<vmem>>
        %dma_start3A_1196 = tpu.memref_squeeze %dma_start3A_1195 : memref<1x2x128xi32, #tpu.memory_space<vmem>> -> memref<2x128xi32, #tpu.memory_space<vmem>>
        %dma_start3A_1197 = arith.constant 0 : i32
        %dma_start3A_1198 = tpu.memref_slice %dma_start3A_1196[%scan3A_162, %dma_start3A_1197] : memref<2x128xi32, #tpu.memory_space<vmem>> -> memref<1x128xi32, #tpu.memory_space<vmem>>
        %dma_start3A_1199 = tpu.memref_squeeze %dma_start3A_1198 : memref<1x128xi32, #tpu.memory_space<vmem>> -> memref<128xi32, #tpu.memory_space<vmem>>
        %dma_start3A_1200 = arith.constant 0 : i32
        %dma_start3A_1201 = arith.constant 0 : i32
        %dma_start3A_1202 = tpu.memref_slice %arg17[%dma_start3A_1200, %dma_start3A_1201] : memref<10000x128xf32, #tpu.memory_space<vmem_shared>> -> memref<10000x128xf32, #tpu.memory_space<vmem_shared>>
        tpu.enqueue_indirect_dma source(%arg9 : memref<128x128xf32, #tpu.memory_space<vmem>>) target(%dma_start3A_1202 : memref<10000x128xf32, #tpu.memory_space<vmem_shared>>) offsets(%dma_start3A_1199 : memref<128xi32, #tpu.memory_space<vmem>>) semaphore(%run_scoped3A_1192 : memref<!tpu.dma_semaphore, #tpu.memory_space<semaphore_mem>>) {add = true}
        %dma_wait3A_1203 = arith.constant 0 : i32
        %dma_wait3A_1204 = arith.constant 0 : i32
        %dma_wait3A_1205 = tpu.memref_slice %arg6[%scan3A_161, %dma_wait3A_1203, %dma_wait3A_1204] : memref<4x2x128xi32, #tpu.memory_space<vmem>> -> memref<1x2x128xi32, #tpu.memory_space<vmem>>
        %dma_wait3A_1206 = tpu.memref_squeeze %dma_wait3A_1205 : memref<1x2x128xi32, #tpu.memory_space<vmem>> -> memref<2x128xi32, #tpu.memory_space<vmem>>
        %dma_wait3A_1207 = arith.constant 0 : i32
        %dma_wait3A_1208 = tpu.memref_slice %dma_wait3A_1206[%scan3A_162, %dma_wait3A_1207] : memref<2x128xi32, #tpu.memory_space<vmem>> -> memref<1x128xi32, #tpu.memory_space<vmem>>
        %dma_wait3A_1209 = tpu.memref_squeeze %dma_wait3A_1208 : memref<1x128xi32, #tpu.memory_space<vmem>> -> memref<128xi32, #tpu.memory_space<vmem>>
        %dma_wait3A_1210 = arith.constant 0 : i32
        %dma_wait3A_1211 = arith.constant 0 : i32
        %dma_wait3A_1212 = tpu.memref_slice %arg17[%dma_wait3A_1210, %dma_wait3A_1211] : memref<10000x128xf32, #tpu.memory_space<vmem_shared>> -> memref<10000x128xf32, #tpu.memory_space<vmem_shared>>
        tpu.wait_indirect_dma semaphore(%run_scoped3A_1192 : memref<!tpu.dma_semaphore, #tpu.memory_space<semaphore_mem>>) src(%arg9 : memref<128x128xf32, #tpu.memory_space<vmem>>) dst(%dma_wait3A_1212 : memref<10000x128xf32, #tpu.memory_space<vmem_shared>>)
        tpu.yield
      }) : () -> ()
      %add3A_586 = arith.constant 3 : i32
      %add3A_587 = arith.addi %add3A_555, %add3A_586 : i32
      %mul3A_588 = arith.constant 32 : i32
      %mul3A_589 = arith.muli %add3A_587, %mul3A_588 : i32
      %add3A_590 = arith.addi %add3A, %mul3A_589 : i32
      %mul3A_591 = arith.constant 128 : i32
      %mul3A_592 = arith.muli %add3A_590, %mul3A_591 : i32
      %dma_wait3A_593 = arith.constant 1 : i32
      %dma_wait3A_594 = arith.constant 0 : i32
      %dma_wait3A_595 = arith.constant 0 : i32
      %dma_wait3A_596 = tpu.memref_slice %arg6[%dma_wait3A_593, %dma_wait3A_594, %dma_wait3A_595] : memref<4x2x128xi32, #tpu.memory_space<vmem>> -> memref<1x2x128xi32, #tpu.memory_space<vmem>>
      %dma_wait3A_597 = tpu.memref_squeeze %dma_wait3A_596 : memref<1x2x128xi32, #tpu.memory_space<vmem>> -> memref<2x128xi32, #tpu.memory_space<vmem>>
      %dma_wait3A_598 = arith.constant 0 : i32
      %dma_wait3A_599 = tpu.memref_slice %arg3[%dma_wait3A_598, %mul3A_592] : memref<2x320000xi32, #tpu.memory_space<hbm>> -> memref<2x128xi32, #tpu.memory_space<hbm>>
      %dma_wait3A_600 = arith.constant 0 : i32
      %dma_wait3A_601 = arith.constant 0 : i32
      %dma_wait3A_602 = tpu.memref_slice %arg6[%dma_wait3A_593, %dma_wait3A_600, %dma_wait3A_601] : memref<4x2x128xi32, #tpu.memory_space<vmem>> -> memref<1x2x128xi32, #tpu.memory_space<vmem>>
      %dma_wait3A_603 = tpu.memref_squeeze %dma_wait3A_602 : memref<1x2x128xi32, #tpu.memory_space<vmem>> -> memref<2x128xi32, #tpu.memory_space<vmem>>
      %dma_wait3A_604 = arith.constant 0 : i32
      %dma_wait3A_605 = tpu.memref_slice %arg3[%dma_wait3A_604, %mul3A_592] : memref<2x320000xi32, #tpu.memory_space<hbm>> -> memref<2x128xi32, #tpu.memory_space<hbm>>
      tpu.wait_dma2 semaphore(%arg14 : memref<!tpu.dma_semaphore, #tpu.memory_space<semaphore_mem>>) src(%dma_wait3A_605 : memref<2x128xi32, #tpu.memory_space<hbm>>) dst(%dma_wait3A_603 : memref<2x128xi32, #tpu.memory_space<vmem>>)
      %dma_start3A_606 = arith.constant 0 : i32
      %dma_start3A_607 = arith.constant 0 : i32
      %dma_start3A_608 = tpu.memref_slice %arg6[%scan3A_155, %dma_start3A_606, %dma_start3A_607] : memref<4x2x128xi32, #tpu.memory_space<vmem>> -> memref<1x2x128xi32, #tpu.memory_space<vmem>>
      %dma_start3A_609 = tpu.memref_squeeze %dma_start3A_608 : memref<1x2x128xi32, #tpu.memory_space<vmem>> -> memref<2x128xi32, #tpu.memory_space<vmem>>
      %dma_start3A_610 = arith.constant 0 : i32
      %dma_start3A_611 = tpu.memref_slice %dma_start3A_609[%scan3A_156, %dma_start3A_610] : memref<2x128xi32, #tpu.memory_space<vmem>> -> memref<1x128xi32, #tpu.memory_space<vmem>>
      %dma_start3A_612 = tpu.memref_squeeze %dma_start3A_611 : memref<1x128xi32, #tpu.memory_space<vmem>> -> memref<128xi32, #tpu.memory_space<vmem>>
      %dma_start3A_613 = arith.constant 0 : i32
      %dma_start3A_614 = arith.constant 0 : i32
      %dma_start3A_615 = tpu.memref_slice %arg2[%dma_start3A_613, %dma_start3A_614] : memref<10000x128xf32, #tpu.memory_space<hbm>> -> memref<10000x128xf32, #tpu.memory_space<hbm>>
      tpu.enqueue_indirect_dma source(%dma_start3A_615 : memref<10000x128xf32, #tpu.memory_space<hbm>>) target(%arg9 : memref<128x128xf32, #tpu.memory_space<vmem>>) offsets(%dma_start3A_612 : memref<128xi32, #tpu.memory_space<vmem>>) semaphore(%arg12 : memref<!tpu.dma_semaphore, #tpu.memory_space<semaphore_mem>>)
      %mul3A_616 = arith.constant 12 : i32
      %mul3A_617 = arith.muli %scan3A_423, %mul3A_616 : i32
      %add3A_618 = arith.constant 3 : i32
      %add3A_619 = arith.addi %mul3A_617, %add3A_618 : i32
      %add3A_620 = arith.constant 3 : i32
      %add3A_621 = arith.addi %add3A_619, %add3A_620 : i32
      %mul3A_622 = arith.constant 32 : i32
      %mul3A_623 = arith.muli %add3A_621, %mul3A_622 : i32
      %add3A_624 = arith.addi %add3A, %mul3A_623 : i32
      %mul3A_625 = arith.constant 128 : i32
      %mul3A_626 = arith.muli %add3A_624, %mul3A_625 : i32
      %dma_start3A_627 = arith.constant 2 : i32
      %dma_start3A_628 = arith.constant 0 : i32
      %dma_start3A_629 = arith.constant 0 : i32
      %dma_start3A_630 = tpu.memref_slice %arg6[%dma_start3A_627, %dma_start3A_628, %dma_start3A_629] : memref<4x2x128xi32, #tpu.memory_space<vmem>> -> memref<1x2x128xi32, #tpu.memory_space<vmem>>
      %dma_start3A_631 = tpu.memref_squeeze %dma_start3A_630 : memref<1x2x128xi32, #tpu.memory_space<vmem>> -> memref<2x128xi32, #tpu.memory_space<vmem>>
      %dma_start3A_632 = arith.constant 0 : i32
      %dma_start3A_633 = tpu.memref_slice %arg3[%dma_start3A_632, %mul3A_626] : memref<2x320000xi32, #tpu.memory_space<hbm>> -> memref<2x128xi32, #tpu.memory_space<hbm>>
      %dma_start3A_634 = arith.constant 0 : i32
      %dma_start3A_635 = arith.constant 0 : i32
      %dma_start3A_636 = tpu.memref_slice %arg6[%dma_start3A_627, %dma_start3A_634, %dma_start3A_635] : memref<4x2x128xi32, #tpu.memory_space<vmem>> -> memref<1x2x128xi32, #tpu.memory_space<vmem>>
      %dma_start3A_637 = tpu.memref_squeeze %dma_start3A_636 : memref<1x2x128xi32, #tpu.memory_space<vmem>> -> memref<2x128xi32, #tpu.memory_space<vmem>>
      %dma_start3A_638 = arith.constant 0 : i32
      %dma_start3A_639 = tpu.memref_slice %arg3[%dma_start3A_638, %mul3A_626] : memref<2x320000xi32, #tpu.memory_space<hbm>> -> memref<2x128xi32, #tpu.memory_space<hbm>>
      tpu.enqueue_dma source(%dma_start3A_639 : memref<2x128xi32, #tpu.memory_space<hbm>>) target(%dma_start3A_637 : memref<2x128xi32, #tpu.memory_space<vmem>>) target_semaphore(%arg15 : memref<!tpu.dma_semaphore, #tpu.memory_space<semaphore_mem>>)
      %dma_wait3A_640 = arith.constant 0 : i32
      %dma_wait3A_641 = arith.constant 0 : i32
      %dma_wait3A_642 = tpu.memref_slice %arg6[%scan3A_153, %dma_wait3A_640, %dma_wait3A_641] : memref<4x2x128xi32, #tpu.memory_space<vmem>> -> memref<1x2x128xi32, #tpu.memory_space<vmem>>
      %dma_wait3A_643 = tpu.memref_squeeze %dma_wait3A_642 : memref<1x2x128xi32, #tpu.memory_space<vmem>> -> memref<2x128xi32, #tpu.memory_space<vmem>>
      %dma_wait3A_644 = arith.constant 0 : i32
      %dma_wait3A_645 = tpu.memref_slice %dma_wait3A_643[%scan3A_154, %dma_wait3A_644] : memref<2x128xi32, #tpu.memory_space<vmem>> -> memref<1x128xi32, #tpu.memory_space<vmem>>
      %dma_wait3A_646 = tpu.memref_squeeze %dma_wait3A_645 : memref<1x128xi32, #tpu.memory_space<vmem>> -> memref<128xi32, #tpu.memory_space<vmem>>
      %dma_wait3A_647 = arith.constant 0 : i32
      %dma_wait3A_648 = arith.constant 0 : i32
      %dma_wait3A_649 = tpu.memref_slice %arg2[%dma_wait3A_647, %dma_wait3A_648] : memref<10000x128xf32, #tpu.memory_space<hbm>> -> memref<10000x128xf32, #tpu.memory_space<hbm>>
      tpu.wait_indirect_dma semaphore(%arg10 : memref<!tpu.dma_semaphore, #tpu.memory_space<semaphore_mem>>) src(%dma_wait3A_649 : memref<10000x128xf32, #tpu.memory_space<hbm>>) dst(%arg7 : memref<128x128xf32, #tpu.memory_space<vmem>>)
      "tpu.region"() ({
        %run_scoped3A_1192 = tpu.sem_alloc : memref<!tpu.dma_semaphore, #tpu.memory_space<semaphore_mem>>
        %dma_start3A_1193 = arith.constant 0 : i32
        %dma_start3A_1194 = arith.constant 0 : i32
        %dma_start3A_1195 = tpu.memref_slice %arg6[%scan3A_163, %dma_start3A_1193, %dma_start3A_1194] : memref<4x2x128xi32, #tpu.memory_space<vmem>> -> memref<1x2x128xi32, #tpu.memory_space<vmem>>
        %dma_start3A_1196 = tpu.memref_squeeze %dma_start3A_1195 : memref<1x2x128xi32, #tpu.memory_space<vmem>> -> memref<2x128xi32, #tpu.memory_space<vmem>>
        %dma_start3A_1197 = arith.constant 0 : i32
        %dma_start3A_1198 = tpu.memref_slice %dma_start3A_1196[%scan3A_164, %dma_start3A_1197] : memref<2x128xi32, #tpu.memory_space<vmem>> -> memref<1x128xi32, #tpu.memory_space<vmem>>
        %dma_start3A_1199 = tpu.memref_squeeze %dma_start3A_1198 : memref<1x128xi32, #tpu.memory_space<vmem>> -> memref<128xi32, #tpu.memory_space<vmem>>
        %dma_start3A_1200 = arith.constant 0 : i32
        %dma_start3A_1201 = arith.constant 0 : i32
        %dma_start3A_1202 = tpu.memref_slice %arg17[%dma_start3A_1200, %dma_start3A_1201] : memref<10000x128xf32, #tpu.memory_space<vmem_shared>> -> memref<10000x128xf32, #tpu.memory_space<vmem_shared>>
        tpu.enqueue_indirect_dma source(%arg7 : memref<128x128xf32, #tpu.memory_space<vmem>>) target(%dma_start3A_1202 : memref<10000x128xf32, #tpu.memory_space<vmem_shared>>) offsets(%dma_start3A_1199 : memref<128xi32, #tpu.memory_space<vmem>>) semaphore(%run_scoped3A_1192 : memref<!tpu.dma_semaphore, #tpu.memory_space<semaphore_mem>>) {add = true}
        %dma_wait3A_1203 = arith.constant 0 : i32
        %dma_wait3A_1204 = arith.constant 0 : i32
        %dma_wait3A_1205 = tpu.memref_slice %arg6[%scan3A_163, %dma_wait3A_1203, %dma_wait3A_1204] : memref<4x2x128xi32, #tpu.memory_space<vmem>> -> memref<1x2x128xi32, #tpu.memory_space<vmem>>
        %dma_wait3A_1206 = tpu.memref_squeeze %dma_wait3A_1205 : memref<1x2x128xi32, #tpu.memory_space<vmem>> -> memref<2x128xi32, #tpu.memory_space<vmem>>
        %dma_wait3A_1207 = arith.constant 0 : i32
        %dma_wait3A_1208 = tpu.memref_slice %dma_wait3A_1206[%scan3A_164, %dma_wait3A_1207] : memref<2x128xi32, #tpu.memory_space<vmem>> -> memref<1x128xi32, #tpu.memory_space<vmem>>
        %dma_wait3A_1209 = tpu.memref_squeeze %dma_wait3A_1208 : memref<1x128xi32, #tpu.memory_space<vmem>> -> memref<128xi32, #tpu.memory_space<vmem>>
        %dma_wait3A_1210 = arith.constant 0 : i32
        %dma_wait3A_1211 = arith.constant 0 : i32
        %dma_wait3A_1212 = tpu.memref_slice %arg17[%dma_wait3A_1210, %dma_wait3A_1211] : memref<10000x128xf32, #tpu.memory_space<vmem_shared>> -> memref<10000x128xf32, #tpu.memory_space<vmem_shared>>
        tpu.wait_indirect_dma semaphore(%run_scoped3A_1192 : memref<!tpu.dma_semaphore, #tpu.memory_space<semaphore_mem>>) src(%arg7 : memref<128x128xf32, #tpu.memory_space<vmem>>) dst(%dma_wait3A_1212 : memref<10000x128xf32, #tpu.memory_space<vmem_shared>>)
        tpu.yield
      }) : () -> ()
      %add3A_650 = arith.constant 3 : i32
      %add3A_651 = arith.addi %add3A_619, %add3A_650 : i32
      %mul3A_652 = arith.constant 32 : i32
      %mul3A_653 = arith.muli %add3A_651, %mul3A_652 : i32
      %add3A_654 = arith.addi %add3A, %mul3A_653 : i32
      %mul3A_655 = arith.constant 128 : i32
      %mul3A_656 = arith.muli %add3A_654, %mul3A_655 : i32
      %dma_wait3A_657 = arith.constant 2 : i32
      %dma_wait3A_658 = arith.constant 0 : i32
      %dma_wait3A_659 = arith.constant 0 : i32
      %dma_wait3A_660 = tpu.memref_slice %arg6[%dma_wait3A_657, %dma_wait3A_658, %dma_wait3A_659] : memref<4x2x128xi32, #tpu.memory_space<vmem>> -> memref<1x2x128xi32, #tpu.memory_space<vmem>>
      %dma_wait3A_661 = tpu.memref_squeeze %dma_wait3A_660 : memref<1x2x128xi32, #tpu.memory_space<vmem>> -> memref<2x128xi32, #tpu.memory_space<vmem>>
      %dma_wait3A_662 = arith.constant 0 : i32
      %dma_wait3A_663 = tpu.memref_slice %arg3[%dma_wait3A_662, %mul3A_656] : memref<2x320000xi32, #tpu.memory_space<hbm>> -> memref<2x128xi32, #tpu.memory_space<hbm>>
      %dma_wait3A_664 = arith.constant 0 : i32
      %dma_wait3A_665 = arith.constant 0 : i32
      %dma_wait3A_666 = tpu.memref_slice %arg6[%dma_wait3A_657, %dma_wait3A_664, %dma_wait3A_665] : memref<4x2x128xi32, #tpu.memory_space<vmem>> -> memref<1x2x128xi32, #tpu.memory_space<vmem>>
      %dma_wait3A_667 = tpu.memref_squeeze %dma_wait3A_666 : memref<1x2x128xi32, #tpu.memory_space<vmem>> -> memref<2x128xi32, #tpu.memory_space<vmem>>
      %dma_wait3A_668 = arith.constant 0 : i32
      %dma_wait3A_669 = tpu.memref_slice %arg3[%dma_wait3A_668, %mul3A_656] : memref<2x320000xi32, #tpu.memory_space<hbm>> -> memref<2x128xi32, #tpu.memory_space<hbm>>
      tpu.wait_dma2 semaphore(%arg15 : memref<!tpu.dma_semaphore, #tpu.memory_space<semaphore_mem>>) src(%dma_wait3A_669 : memref<2x128xi32, #tpu.memory_space<hbm>>) dst(%dma_wait3A_667 : memref<2x128xi32, #tpu.memory_space<vmem>>)
      %dma_start3A_670 = arith.constant 0 : i32
      %dma_start3A_671 = arith.constant 0 : i32
      %dma_start3A_672 = tpu.memref_slice %arg6[%scan3A_159, %dma_start3A_670, %dma_start3A_671] : memref<4x2x128xi32, #tpu.memory_space<vmem>> -> memref<1x2x128xi32, #tpu.memory_space<vmem>>
      %dma_start3A_673 = tpu.memref_squeeze %dma_start3A_672 : memref<1x2x128xi32, #tpu.memory_space<vmem>> -> memref<2x128xi32, #tpu.memory_space<vmem>>
      %dma_start3A_674 = arith.constant 0 : i32
      %dma_start3A_675 = tpu.memref_slice %dma_start3A_673[%scan3A_160, %dma_start3A_674] : memref<2x128xi32, #tpu.memory_space<vmem>> -> memref<1x128xi32, #tpu.memory_space<vmem>>
      %dma_start3A_676 = tpu.memref_squeeze %dma_start3A_675 : memref<1x128xi32, #tpu.memory_space<vmem>> -> memref<128xi32, #tpu.memory_space<vmem>>
      %dma_start3A_677 = arith.constant 0 : i32
      %dma_start3A_678 = arith.constant 0 : i32
      %dma_start3A_679 = tpu.memref_slice %arg2[%dma_start3A_677, %dma_start3A_678] : memref<10000x128xf32, #tpu.memory_space<hbm>> -> memref<10000x128xf32, #tpu.memory_space<hbm>>
      tpu.enqueue_indirect_dma source(%dma_start3A_679 : memref<10000x128xf32, #tpu.memory_space<hbm>>) target(%arg7 : memref<128x128xf32, #tpu.memory_space<vmem>>) offsets(%dma_start3A_676 : memref<128xi32, #tpu.memory_space<vmem>>) semaphore(%arg10 : memref<!tpu.dma_semaphore, #tpu.memory_space<semaphore_mem>>)
      %mul3A_680 = arith.constant 12 : i32
      %mul3A_681 = arith.muli %scan3A_423, %mul3A_680 : i32
      %add3A_682 = arith.constant 4 : i32
      %add3A_683 = arith.addi %mul3A_681, %add3A_682 : i32
      %add3A_684 = arith.constant 3 : i32
      %add3A_685 = arith.addi %add3A_683, %add3A_684 : i32
      %mul3A_686 = arith.constant 32 : i32
      %mul3A_687 = arith.muli %add3A_685, %mul3A_686 : i32
      %add3A_688 = arith.addi %add3A, %mul3A_687 : i32
      %mul3A_689 = arith.constant 128 : i32
      %mul3A_690 = arith.muli %add3A_688, %mul3A_689 : i32
      %dma_start3A_691 = arith.constant 3 : i32
      %dma_start3A_692 = arith.constant 0 : i32
      %dma_start3A_693 = arith.constant 0 : i32
      %dma_start3A_694 = tpu.memref_slice %arg6[%dma_start3A_691, %dma_start3A_692, %dma_start3A_693] : memref<4x2x128xi32, #tpu.memory_space<vmem>> -> memref<1x2x128xi32, #tpu.memory_space<vmem>>
      %dma_start3A_695 = tpu.memref_squeeze %dma_start3A_694 : memref<1x2x128xi32, #tpu.memory_space<vmem>> -> memref<2x128xi32, #tpu.memory_space<vmem>>
      %dma_start3A_696 = arith.constant 0 : i32
      %dma_start3A_697 = tpu.memref_slice %arg3[%dma_start3A_696, %mul3A_690] : memref<2x320000xi32, #tpu.memory_space<hbm>> -> memref<2x128xi32, #tpu.memory_space<hbm>>
      %dma_start3A_698 = arith.constant 0 : i32
      %dma_start3A_699 = arith.constant 0 : i32
      %dma_start3A_700 = tpu.memref_slice %arg6[%dma_start3A_691, %dma_start3A_698, %dma_start3A_699] : memref<4x2x128xi32, #tpu.memory_space<vmem>> -> memref<1x2x128xi32, #tpu.memory_space<vmem>>
      %dma_start3A_701 = tpu.memref_squeeze %dma_start3A_700 : memref<1x2x128xi32, #tpu.memory_space<vmem>> -> memref<2x128xi32, #tpu.memory_space<vmem>>
      %dma_start3A_702 = arith.constant 0 : i32
      %dma_start3A_703 = tpu.memref_slice %arg3[%dma_start3A_702, %mul3A_690] : memref<2x320000xi32, #tpu.memory_space<hbm>> -> memref<2x128xi32, #tpu.memory_space<hbm>>
      tpu.enqueue_dma source(%dma_start3A_703 : memref<2x128xi32, #tpu.memory_space<hbm>>) target(%dma_start3A_701 : memref<2x128xi32, #tpu.memory_space<vmem>>) target_semaphore(%arg16 : memref<!tpu.dma_semaphore, #tpu.memory_space<semaphore_mem>>)
      %dma_wait3A_704 = arith.constant 0 : i32
      %dma_wait3A_705 = arith.constant 0 : i32
      %dma_wait3A_706 = tpu.memref_slice %arg6[%scan3A_149, %dma_wait3A_704, %dma_wait3A_705] : memref<4x2x128xi32, #tpu.memory_space<vmem>> -> memref<1x2x128xi32, #tpu.memory_space<vmem>>
      %dma_wait3A_707 = tpu.memref_squeeze %dma_wait3A_706 : memref<1x2x128xi32, #tpu.memory_space<vmem>> -> memref<2x128xi32, #tpu.memory_space<vmem>>
      %dma_wait3A_708 = arith.constant 0 : i32
      %dma_wait3A_709 = tpu.memref_slice %dma_wait3A_707[%scan3A_150, %dma_wait3A_708] : memref<2x128xi32, #tpu.memory_space<vmem>> -> memref<1x128xi32, #tpu.memory_space<vmem>>
      %dma_wait3A_710 = tpu.memref_squeeze %dma_wait3A_709 : memref<1x128xi32, #tpu.memory_space<vmem>> -> memref<128xi32, #tpu.memory_space<vmem>>
      %dma_wait3A_711 = arith.constant 0 : i32
      %dma_wait3A_712 = arith.constant 0 : i32
      %dma_wait3A_713 = tpu.memref_slice %arg2[%dma_wait3A_711, %dma_wait3A_712] : memref<10000x128xf32, #tpu.memory_space<hbm>> -> memref<10000x128xf32, #tpu.memory_space<hbm>>
      tpu.wait_indirect_dma semaphore(%arg11 : memref<!tpu.dma_semaphore, #tpu.memory_space<semaphore_mem>>) src(%dma_wait3A_713 : memref<10000x128xf32, #tpu.memory_space<hbm>>) dst(%arg8 : memref<128x128xf32, #tpu.memory_space<vmem>>)
      "tpu.region"() ({
        %run_scoped3A_1192 = tpu.sem_alloc : memref<!tpu.dma_semaphore, #tpu.memory_space<semaphore_mem>>
        %dma_start3A_1193 = arith.constant 0 : i32
        %dma_start3A_1194 = arith.constant 0 : i32
        %dma_start3A_1195 = tpu.memref_slice %arg6[%scan3A_151, %dma_start3A_1193, %dma_start3A_1194] : memref<4x2x128xi32, #tpu.memory_space<vmem>> -> memref<1x2x128xi32, #tpu.memory_space<vmem>>
        %dma_start3A_1196 = tpu.memref_squeeze %dma_start3A_1195 : memref<1x2x128xi32, #tpu.memory_space<vmem>> -> memref<2x128xi32, #tpu.memory_space<vmem>>
        %dma_start3A_1197 = arith.constant 0 : i32
        %dma_start3A_1198 = tpu.memref_slice %dma_start3A_1196[%scan3A_152, %dma_start3A_1197] : memref<2x128xi32, #tpu.memory_space<vmem>> -> memref<1x128xi32, #tpu.memory_space<vmem>>
        %dma_start3A_1199 = tpu.memref_squeeze %dma_start3A_1198 : memref<1x128xi32, #tpu.memory_space<vmem>> -> memref<128xi32, #tpu.memory_space<vmem>>
        %dma_start3A_1200 = arith.constant 0 : i32
        %dma_start3A_1201 = arith.constant 0 : i32
        %dma_start3A_1202 = tpu.memref_slice %arg17[%dma_start3A_1200, %dma_start3A_1201] : memref<10000x128xf32, #tpu.memory_space<vmem_shared>> -> memref<10000x128xf32, #tpu.memory_space<vmem_shared>>
        tpu.enqueue_indirect_dma source(%arg8 : memref<128x128xf32, #tpu.memory_space<vmem>>) target(%dma_start3A_1202 : memref<10000x128xf32, #tpu.memory_space<vmem_shared>>) offsets(%dma_start3A_1199 : memref<128xi32, #tpu.memory_space<vmem>>) semaphore(%run_scoped3A_1192 : memref<!tpu.dma_semaphore, #tpu.memory_space<semaphore_mem>>) {add = true}
        %dma_wait3A_1203 = arith.constant 0 : i32
        %dma_wait3A_1204 = arith.constant 0 : i32
        %dma_wait3A_1205 = tpu.memref_slice %arg6[%scan3A_151, %dma_wait3A_1203, %dma_wait3A_1204] : memref<4x2x128xi32, #tpu.memory_space<vmem>> -> memref<1x2x128xi32, #tpu.memory_space<vmem>>
        %dma_wait3A_1206 = tpu.memref_squeeze %dma_wait3A_1205 : memref<1x2x128xi32, #tpu.memory_space<vmem>> -> memref<2x128xi32, #tpu.memory_space<vmem>>
        %dma_wait3A_1207 = arith.constant 0 : i32
        %dma_wait3A_1208 = tpu.memref_slice %dma_wait3A_1206[%scan3A_152, %dma_wait3A_1207] : memref<2x128xi32, #tpu.memory_space<vmem>> -> memref<1x128xi32, #tpu.memory_space<vmem>>
        %dma_wait3A_1209 = tpu.memref_squeeze %dma_wait3A_1208 : memref<1x128xi32, #tpu.memory_space<vmem>> -> memref<128xi32, #tpu.memory_space<vmem>>
        %dma_wait3A_1210 = arith.constant 0 : i32
        %dma_wait3A_1211 = arith.constant 0 : i32
        %dma_wait3A_1212 = tpu.memref_slice %arg17[%dma_wait3A_1210, %dma_wait3A_1211] : memref<10000x128xf32, #tpu.memory_space<vmem_shared>> -> memref<10000x128xf32, #tpu.memory_space<vmem_shared>>
        tpu.wait_indirect_dma semaphore(%run_scoped3A_1192 : memref<!tpu.dma_semaphore, #tpu.memory_space<semaphore_mem>>) src(%arg8 : memref<128x128xf32, #tpu.memory_space<vmem>>) dst(%dma_wait3A_1212 : memref<10000x128xf32, #tpu.memory_space<vmem_shared>>)
        tpu.yield
      }) : () -> ()
      %add3A_714 = arith.constant 3 : i32
      %add3A_715 = arith.addi %add3A_683, %add3A_714 : i32
      %mul3A_716 = arith.constant 32 : i32
      %mul3A_717 = arith.muli %add3A_715, %mul3A_716 : i32
      %add3A_718 = arith.addi %add3A, %mul3A_717 : i32
      %mul3A_719 = arith.constant 128 : i32
      %mul3A_720 = arith.muli %add3A_718, %mul3A_719 : i32
      %dma_wait3A_721 = arith.constant 3 : i32
      %dma_wait3A_722 = arith.constant 0 : i32
      %dma_wait3A_723 = arith.constant 0 : i32
      %dma_wait3A_724 = tpu.memref_slice %arg6[%dma_wait3A_721, %dma_wait3A_722, %dma_wait3A_723] : memref<4x2x128xi32, #tpu.memory_space<vmem>> -> memref<1x2x128xi32, #tpu.memory_space<vmem>>
      %dma_wait3A_725 = tpu.memref_squeeze %dma_wait3A_724 : memref<1x2x128xi32, #tpu.memory_space<vmem>> -> memref<2x128xi32, #tpu.memory_space<vmem>>
      %dma_wait3A_726 = arith.constant 0 : i32
      %dma_wait3A_727 = tpu.memref_slice %arg3[%dma_wait3A_726, %mul3A_720] : memref<2x320000xi32, #tpu.memory_space<hbm>> -> memref<2x128xi32, #tpu.memory_space<hbm>>
      %dma_wait3A_728 = arith.constant 0 : i32
      %dma_wait3A_729 = arith.constant 0 : i32
      %dma_wait3A_730 = tpu.memref_slice %arg6[%dma_wait3A_721, %dma_wait3A_728, %dma_wait3A_729] : memref<4x2x128xi32, #tpu.memory_space<vmem>> -> memref<1x2x128xi32, #tpu.memory_space<vmem>>
      %dma_wait3A_731 = tpu.memref_squeeze %dma_wait3A_730 : memref<1x2x128xi32, #tpu.memory_space<vmem>> -> memref<2x128xi32, #tpu.memory_space<vmem>>
      %dma_wait3A_732 = arith.constant 0 : i32
      %dma_wait3A_733 = tpu.memref_slice %arg3[%dma_wait3A_732, %mul3A_720] : memref<2x320000xi32, #tpu.memory_space<hbm>> -> memref<2x128xi32, #tpu.memory_space<hbm>>
      tpu.wait_dma2 semaphore(%arg16 : memref<!tpu.dma_semaphore, #tpu.memory_space<semaphore_mem>>) src(%dma_wait3A_733 : memref<2x128xi32, #tpu.memory_space<hbm>>) dst(%dma_wait3A_731 : memref<2x128xi32, #tpu.memory_space<vmem>>)
      %dma_start3A_734 = arith.constant 0 : i32
      %dma_start3A_735 = arith.constant 0 : i32
      %dma_start3A_736 = tpu.memref_slice %arg6[%scan3A_153, %dma_start3A_734, %dma_start3A_735] : memref<4x2x128xi32, #tpu.memory_space<vmem>> -> memref<1x2x128xi32, #tpu.memory_space<vmem>>
      %dma_start3A_737 = tpu.memref_squeeze %dma_start3A_736 : memref<1x2x128xi32, #tpu.memory_space<vmem>> -> memref<2x128xi32, #tpu.memory_space<vmem>>
      %dma_start3A_738 = arith.constant 0 : i32
      %dma_start3A_739 = tpu.memref_slice %dma_start3A_737[%scan3A_154, %dma_start3A_738] : memref<2x128xi32, #tpu.memory_space<vmem>> -> memref<1x128xi32, #tpu.memory_space<vmem>>
      %dma_start3A_740 = tpu.memref_squeeze %dma_start3A_739 : memref<1x128xi32, #tpu.memory_space<vmem>> -> memref<128xi32, #tpu.memory_space<vmem>>
      %dma_start3A_741 = arith.constant 0 : i32
      %dma_start3A_742 = arith.constant 0 : i32
      %dma_start3A_743 = tpu.memref_slice %arg2[%dma_start3A_741, %dma_start3A_742] : memref<10000x128xf32, #tpu.memory_space<hbm>> -> memref<10000x128xf32, #tpu.memory_space<hbm>>
      tpu.enqueue_indirect_dma source(%dma_start3A_743 : memref<10000x128xf32, #tpu.memory_space<hbm>>) target(%arg8 : memref<128x128xf32, #tpu.memory_space<vmem>>) offsets(%dma_start3A_740 : memref<128xi32, #tpu.memory_space<vmem>>) semaphore(%arg11 : memref<!tpu.dma_semaphore, #tpu.memory_space<semaphore_mem>>)
      %mul3A_744 = arith.constant 12 : i32
      %mul3A_745 = arith.muli %scan3A_423, %mul3A_744 : i32
      %add3A_746 = arith.constant 5 : i32
      %add3A_747 = arith.addi %mul3A_745, %add3A_746 : i32
      %add3A_748 = arith.constant 3 : i32
      %add3A_749 = arith.addi %add3A_747, %add3A_748 : i32
      %mul3A_750 = arith.constant 32 : i32
      %mul3A_751 = arith.muli %add3A_749, %mul3A_750 : i32
      %add3A_752 = arith.addi %add3A, %mul3A_751 : i32
      %mul3A_753 = arith.constant 128 : i32
      %mul3A_754 = arith.muli %add3A_752, %mul3A_753 : i32
      %dma_start3A_755 = arith.constant 0 : i32
      %dma_start3A_756 = arith.constant 0 : i32
      %dma_start3A_757 = arith.constant 0 : i32
      %dma_start3A_758 = tpu.memref_slice %arg6[%dma_start3A_755, %dma_start3A_756, %dma_start3A_757] : memref<4x2x128xi32, #tpu.memory_space<vmem>> -> memref<1x2x128xi32, #tpu.memory_space<vmem>>
      %dma_start3A_759 = tpu.memref_squeeze %dma_start3A_758 : memref<1x2x128xi32, #tpu.memory_space<vmem>> -> memref<2x128xi32, #tpu.memory_space<vmem>>
      %dma_start3A_760 = arith.constant 0 : i32
      %dma_start3A_761 = tpu.memref_slice %arg3[%dma_start3A_760, %mul3A_754] : memref<2x320000xi32, #tpu.memory_space<hbm>> -> memref<2x128xi32, #tpu.memory_space<hbm>>
      %dma_start3A_762 = arith.constant 0 : i32
      %dma_start3A_763 = arith.constant 0 : i32
      %dma_start3A_764 = tpu.memref_slice %arg6[%dma_start3A_755, %dma_start3A_762, %dma_start3A_763] : memref<4x2x128xi32, #tpu.memory_space<vmem>> -> memref<1x2x128xi32, #tpu.memory_space<vmem>>
      %dma_start3A_765 = tpu.memref_squeeze %dma_start3A_764 : memref<1x2x128xi32, #tpu.memory_space<vmem>> -> memref<2x128xi32, #tpu.memory_space<vmem>>
      %dma_start3A_766 = arith.constant 0 : i32
      %dma_start3A_767 = tpu.memref_slice %arg3[%dma_start3A_766, %mul3A_754] : memref<2x320000xi32, #tpu.memory_space<hbm>> -> memref<2x128xi32, #tpu.memory_space<hbm>>
      tpu.enqueue_dma source(%dma_start3A_767 : memref<2x128xi32, #tpu.memory_space<hbm>>) target(%dma_start3A_765 : memref<2x128xi32, #tpu.memory_space<vmem>>) target_semaphore(%arg13 : memref<!tpu.dma_semaphore, #tpu.memory_space<semaphore_mem>>)
      %dma_wait3A_768 = arith.constant 0 : i32
      %dma_wait3A_769 = arith.constant 0 : i32
      %dma_wait3A_770 = tpu.memref_slice %arg6[%scan3A_155, %dma_wait3A_768, %dma_wait3A_769] : memref<4x2x128xi32, #tpu.memory_space<vmem>> -> memref<1x2x128xi32, #tpu.memory_space<vmem>>
      %dma_wait3A_771 = tpu.memref_squeeze %dma_wait3A_770 : memref<1x2x128xi32, #tpu.memory_space<vmem>> -> memref<2x128xi32, #tpu.memory_space<vmem>>
      %dma_wait3A_772 = arith.constant 0 : i32
      %dma_wait3A_773 = tpu.memref_slice %dma_wait3A_771[%scan3A_156, %dma_wait3A_772] : memref<2x128xi32, #tpu.memory_space<vmem>> -> memref<1x128xi32, #tpu.memory_space<vmem>>
      %dma_wait3A_774 = tpu.memref_squeeze %dma_wait3A_773 : memref<1x128xi32, #tpu.memory_space<vmem>> -> memref<128xi32, #tpu.memory_space<vmem>>
      %dma_wait3A_775 = arith.constant 0 : i32
      %dma_wait3A_776 = arith.constant 0 : i32
      %dma_wait3A_777 = tpu.memref_slice %arg2[%dma_wait3A_775, %dma_wait3A_776] : memref<10000x128xf32, #tpu.memory_space<hbm>> -> memref<10000x128xf32, #tpu.memory_space<hbm>>
      tpu.wait_indirect_dma semaphore(%arg12 : memref<!tpu.dma_semaphore, #tpu.memory_space<semaphore_mem>>) src(%dma_wait3A_777 : memref<10000x128xf32, #tpu.memory_space<hbm>>) dst(%arg9 : memref<128x128xf32, #tpu.memory_space<vmem>>)
      "tpu.region"() ({
        %run_scoped3A_1192 = tpu.sem_alloc : memref<!tpu.dma_semaphore, #tpu.memory_space<semaphore_mem>>
        %dma_start3A_1193 = arith.constant 0 : i32
        %dma_start3A_1194 = arith.constant 0 : i32
        %dma_start3A_1195 = tpu.memref_slice %arg6[%scan3A_157, %dma_start3A_1193, %dma_start3A_1194] : memref<4x2x128xi32, #tpu.memory_space<vmem>> -> memref<1x2x128xi32, #tpu.memory_space<vmem>>
        %dma_start3A_1196 = tpu.memref_squeeze %dma_start3A_1195 : memref<1x2x128xi32, #tpu.memory_space<vmem>> -> memref<2x128xi32, #tpu.memory_space<vmem>>
        %dma_start3A_1197 = arith.constant 0 : i32
        %dma_start3A_1198 = tpu.memref_slice %dma_start3A_1196[%scan3A_158, %dma_start3A_1197] : memref<2x128xi32, #tpu.memory_space<vmem>> -> memref<1x128xi32, #tpu.memory_space<vmem>>
        %dma_start3A_1199 = tpu.memref_squeeze %dma_start3A_1198 : memref<1x128xi32, #tpu.memory_space<vmem>> -> memref<128xi32, #tpu.memory_space<vmem>>
        %dma_start3A_1200 = arith.constant 0 : i32
        %dma_start3A_1201 = arith.constant 0 : i32
        %dma_start3A_1202 = tpu.memref_slice %arg17[%dma_start3A_1200, %dma_start3A_1201] : memref<10000x128xf32, #tpu.memory_space<vmem_shared>> -> memref<10000x128xf32, #tpu.memory_space<vmem_shared>>
        tpu.enqueue_indirect_dma source(%arg9 : memref<128x128xf32, #tpu.memory_space<vmem>>) target(%dma_start3A_1202 : memref<10000x128xf32, #tpu.memory_space<vmem_shared>>) offsets(%dma_start3A_1199 : memref<128xi32, #tpu.memory_space<vmem>>) semaphore(%run_scoped3A_1192 : memref<!tpu.dma_semaphore, #tpu.memory_space<semaphore_mem>>) {add = true}
        %dma_wait3A_1203 = arith.constant 0 : i32
        %dma_wait3A_1204 = arith.constant 0 : i32
        %dma_wait3A_1205 = tpu.memref_slice %arg6[%scan3A_157, %dma_wait3A_1203, %dma_wait3A_1204] : memref<4x2x128xi32, #tpu.memory_space<vmem>> -> memref<1x2x128xi32, #tpu.memory_space<vmem>>
        %dma_wait3A_1206 = tpu.memref_squeeze %dma_wait3A_1205 : memref<1x2x128xi32, #tpu.memory_space<vmem>> -> memref<2x128xi32, #tpu.memory_space<vmem>>
        %dma_wait3A_1207 = arith.constant 0 : i32
        %dma_wait3A_1208 = tpu.memref_slice %dma_wait3A_1206[%scan3A_158, %dma_wait3A_1207] : memref<2x128xi32, #tpu.memory_space<vmem>> -> memref<1x128xi32, #tpu.memory_space<vmem>>
        %dma_wait3A_1209 = tpu.memref_squeeze %dma_wait3A_1208 : memref<1x128xi32, #tpu.memory_space<vmem>> -> memref<128xi32, #tpu.memory_space<vmem>>
        %dma_wait3A_1210 = arith.constant 0 : i32
        %dma_wait3A_1211 = arith.constant 0 : i32
        %dma_wait3A_1212 = tpu.memref_slice %arg17[%dma_wait3A_1210, %dma_wait3A_1211] : memref<10000x128xf32, #tpu.memory_space<vmem_shared>> -> memref<10000x128xf32, #tpu.memory_space<vmem_shared>>
        tpu.wait_indirect_dma semaphore(%run_scoped3A_1192 : memref<!tpu.dma_semaphore, #tpu.memory_space<semaphore_mem>>) src(%arg9 : memref<128x128xf32, #tpu.memory_space<vmem>>) dst(%dma_wait3A_1212 : memref<10000x128xf32, #tpu.memory_space<vmem_shared>>)
        tpu.yield
      }) : () -> ()
      %add3A_778 = arith.constant 3 : i32
      %add3A_779 = arith.addi %add3A_747, %add3A_778 : i32
      %mul3A_780 = arith.constant 32 : i32
      %mul3A_781 = arith.muli %add3A_779, %mul3A_780 : i32
      %add3A_782 = arith.addi %add3A, %mul3A_781 : i32
      %mul3A_783 = arith.constant 128 : i32
      %mul3A_784 = arith.muli %add3A_782, %mul3A_783 : i32
      %dma_wait3A_785 = arith.constant 0 : i32
      %dma_wait3A_786 = arith.constant 0 : i32
      %dma_wait3A_787 = arith.constant 0 : i32
      %dma_wait3A_788 = tpu.memref_slice %arg6[%dma_wait3A_785, %dma_wait3A_786, %dma_wait3A_787] : memref<4x2x128xi32, #tpu.memory_space<vmem>> -> memref<1x2x128xi32, #tpu.memory_space<vmem>>
      %dma_wait3A_789 = tpu.memref_squeeze %dma_wait3A_788 : memref<1x2x128xi32, #tpu.memory_space<vmem>> -> memref<2x128xi32, #tpu.memory_space<vmem>>
      %dma_wait3A_790 = arith.constant 0 : i32
      %dma_wait3A_791 = tpu.memref_slice %arg3[%dma_wait3A_790, %mul3A_784] : memref<2x320000xi32, #tpu.memory_space<hbm>> -> memref<2x128xi32, #tpu.memory_space<hbm>>
      %dma_wait3A_792 = arith.constant 0 : i32
      %dma_wait3A_793 = arith.constant 0 : i32
      %dma_wait3A_794 = tpu.memref_slice %arg6[%dma_wait3A_785, %dma_wait3A_792, %dma_wait3A_793] : memref<4x2x128xi32, #tpu.memory_space<vmem>> -> memref<1x2x128xi32, #tpu.memory_space<vmem>>
      %dma_wait3A_795 = tpu.memref_squeeze %dma_wait3A_794 : memref<1x2x128xi32, #tpu.memory_space<vmem>> -> memref<2x128xi32, #tpu.memory_space<vmem>>
      %dma_wait3A_796 = arith.constant 0 : i32
      %dma_wait3A_797 = tpu.memref_slice %arg3[%dma_wait3A_796, %mul3A_784] : memref<2x320000xi32, #tpu.memory_space<hbm>> -> memref<2x128xi32, #tpu.memory_space<hbm>>
      tpu.wait_dma2 semaphore(%arg13 : memref<!tpu.dma_semaphore, #tpu.memory_space<semaphore_mem>>) src(%dma_wait3A_797 : memref<2x128xi32, #tpu.memory_space<hbm>>) dst(%dma_wait3A_795 : memref<2x128xi32, #tpu.memory_space<vmem>>)
      %dma_start3A_798 = arith.constant 0 : i32
      %dma_start3A_799 = arith.constant 0 : i32
      %dma_start3A_800 = tpu.memref_slice %arg6[%scan3A_149, %dma_start3A_798, %dma_start3A_799] : memref<4x2x128xi32, #tpu.memory_space<vmem>> -> memref<1x2x128xi32, #tpu.memory_space<vmem>>
      %dma_start3A_801 = tpu.memref_squeeze %dma_start3A_800 : memref<1x2x128xi32, #tpu.memory_space<vmem>> -> memref<2x128xi32, #tpu.memory_space<vmem>>
      %dma_start3A_802 = arith.constant 0 : i32
      %dma_start3A_803 = tpu.memref_slice %dma_start3A_801[%scan3A_150, %dma_start3A_802] : memref<2x128xi32, #tpu.memory_space<vmem>> -> memref<1x128xi32, #tpu.memory_space<vmem>>
      %dma_start3A_804 = tpu.memref_squeeze %dma_start3A_803 : memref<1x128xi32, #tpu.memory_space<vmem>> -> memref<128xi32, #tpu.memory_space<vmem>>
      %dma_start3A_805 = arith.constant 0 : i32
      %dma_start3A_806 = arith.constant 0 : i32
      %dma_start3A_807 = tpu.memref_slice %arg2[%dma_start3A_805, %dma_start3A_806] : memref<10000x128xf32, #tpu.memory_space<hbm>> -> memref<10000x128xf32, #tpu.memory_space<hbm>>
      tpu.enqueue_indirect_dma source(%dma_start3A_807 : memref<10000x128xf32, #tpu.memory_space<hbm>>) target(%arg9 : memref<128x128xf32, #tpu.memory_space<vmem>>) offsets(%dma_start3A_804 : memref<128xi32, #tpu.memory_space<vmem>>) semaphore(%arg12 : memref<!tpu.dma_semaphore, #tpu.memory_space<semaphore_mem>>)
      %mul3A_808 = arith.constant 12 : i32
      %mul3A_809 = arith.muli %scan3A_423, %mul3A_808 : i32
      %add3A_810 = arith.constant 6 : i32
      %add3A_811 = arith.addi %mul3A_809, %add3A_810 : i32
      %add3A_812 = arith.constant 3 : i32
      %add3A_813 = arith.addi %add3A_811, %add3A_812 : i32
      %mul3A_814 = arith.constant 32 : i32
      %mul3A_815 = arith.muli %add3A_813, %mul3A_814 : i32
      %add3A_816 = arith.addi %add3A, %mul3A_815 : i32
      %mul3A_817 = arith.constant 128 : i32
      %mul3A_818 = arith.muli %add3A_816, %mul3A_817 : i32
      %dma_start3A_819 = arith.constant 1 : i32
      %dma_start3A_820 = arith.constant 0 : i32
      %dma_start3A_821 = arith.constant 0 : i32
      %dma_start3A_822 = tpu.memref_slice %arg6[%dma_start3A_819, %dma_start3A_820, %dma_start3A_821] : memref<4x2x128xi32, #tpu.memory_space<vmem>> -> memref<1x2x128xi32, #tpu.memory_space<vmem>>
      %dma_start3A_823 = tpu.memref_squeeze %dma_start3A_822 : memref<1x2x128xi32, #tpu.memory_space<vmem>> -> memref<2x128xi32, #tpu.memory_space<vmem>>
      %dma_start3A_824 = arith.constant 0 : i32
      %dma_start3A_825 = tpu.memref_slice %arg3[%dma_start3A_824, %mul3A_818] : memref<2x320000xi32, #tpu.memory_space<hbm>> -> memref<2x128xi32, #tpu.memory_space<hbm>>
      %dma_start3A_826 = arith.constant 0 : i32
      %dma_start3A_827 = arith.constant 0 : i32
      %dma_start3A_828 = tpu.memref_slice %arg6[%dma_start3A_819, %dma_start3A_826, %dma_start3A_827] : memref<4x2x128xi32, #tpu.memory_space<vmem>> -> memref<1x2x128xi32, #tpu.memory_space<vmem>>
      %dma_start3A_829 = tpu.memref_squeeze %dma_start3A_828 : memref<1x2x128xi32, #tpu.memory_space<vmem>> -> memref<2x128xi32, #tpu.memory_space<vmem>>
      %dma_start3A_830 = arith.constant 0 : i32
      %dma_start3A_831 = tpu.memref_slice %arg3[%dma_start3A_830, %mul3A_818] : memref<2x320000xi32, #tpu.memory_space<hbm>> -> memref<2x128xi32, #tpu.memory_space<hbm>>
      tpu.enqueue_dma source(%dma_start3A_831 : memref<2x128xi32, #tpu.memory_space<hbm>>) target(%dma_start3A_829 : memref<2x128xi32, #tpu.memory_space<vmem>>) target_semaphore(%arg14 : memref<!tpu.dma_semaphore, #tpu.memory_space<semaphore_mem>>)
      %dma_wait3A_832 = arith.constant 0 : i32
      %dma_wait3A_833 = arith.constant 0 : i32
      %dma_wait3A_834 = tpu.memref_slice %arg6[%scan3A_159, %dma_wait3A_832, %dma_wait3A_833] : memref<4x2x128xi32, #tpu.memory_space<vmem>> -> memref<1x2x128xi32, #tpu.memory_space<vmem>>
      %dma_wait3A_835 = tpu.memref_squeeze %dma_wait3A_834 : memref<1x2x128xi32, #tpu.memory_space<vmem>> -> memref<2x128xi32, #tpu.memory_space<vmem>>
      %dma_wait3A_836 = arith.constant 0 : i32
      %dma_wait3A_837 = tpu.memref_slice %dma_wait3A_835[%scan3A_160, %dma_wait3A_836] : memref<2x128xi32, #tpu.memory_space<vmem>> -> memref<1x128xi32, #tpu.memory_space<vmem>>
      %dma_wait3A_838 = tpu.memref_squeeze %dma_wait3A_837 : memref<1x128xi32, #tpu.memory_space<vmem>> -> memref<128xi32, #tpu.memory_space<vmem>>
      %dma_wait3A_839 = arith.constant 0 : i32
      %dma_wait3A_840 = arith.constant 0 : i32
      %dma_wait3A_841 = tpu.memref_slice %arg2[%dma_wait3A_839, %dma_wait3A_840] : memref<10000x128xf32, #tpu.memory_space<hbm>> -> memref<10000x128xf32, #tpu.memory_space<hbm>>
      tpu.wait_indirect_dma semaphore(%arg10 : memref<!tpu.dma_semaphore, #tpu.memory_space<semaphore_mem>>) src(%dma_wait3A_841 : memref<10000x128xf32, #tpu.memory_space<hbm>>) dst(%arg7 : memref<128x128xf32, #tpu.memory_space<vmem>>)
      "tpu.region"() ({
        %run_scoped3A_1192 = tpu.sem_alloc : memref<!tpu.dma_semaphore, #tpu.memory_space<semaphore_mem>>
        %dma_start3A_1193 = arith.constant 0 : i32
        %dma_start3A_1194 = arith.constant 0 : i32
        %dma_start3A_1195 = tpu.memref_slice %arg6[%scan3A_161, %dma_start3A_1193, %dma_start3A_1194] : memref<4x2x128xi32, #tpu.memory_space<vmem>> -> memref<1x2x128xi32, #tpu.memory_space<vmem>>
        %dma_start3A_1196 = tpu.memref_squeeze %dma_start3A_1195 : memref<1x2x128xi32, #tpu.memory_space<vmem>> -> memref<2x128xi32, #tpu.memory_space<vmem>>
        %dma_start3A_1197 = arith.constant 0 : i32
        %dma_start3A_1198 = tpu.memref_slice %dma_start3A_1196[%scan3A_162, %dma_start3A_1197] : memref<2x128xi32, #tpu.memory_space<vmem>> -> memref<1x128xi32, #tpu.memory_space<vmem>>
        %dma_start3A_1199 = tpu.memref_squeeze %dma_start3A_1198 : memref<1x128xi32, #tpu.memory_space<vmem>> -> memref<128xi32, #tpu.memory_space<vmem>>
        %dma_start3A_1200 = arith.constant 0 : i32
        %dma_start3A_1201 = arith.constant 0 : i32
        %dma_start3A_1202 = tpu.memref_slice %arg17[%dma_start3A_1200, %dma_start3A_1201] : memref<10000x128xf32, #tpu.memory_space<vmem_shared>> -> memref<10000x128xf32, #tpu.memory_space<vmem_shared>>
        tpu.enqueue_indirect_dma source(%arg7 : memref<128x128xf32, #tpu.memory_space<vmem>>) target(%dma_start3A_1202 : memref<10000x128xf32, #tpu.memory_space<vmem_shared>>) offsets(%dma_start3A_1199 : memref<128xi32, #tpu.memory_space<vmem>>) semaphore(%run_scoped3A_1192 : memref<!tpu.dma_semaphore, #tpu.memory_space<semaphore_mem>>) {add = true}
        %dma_wait3A_1203 = arith.constant 0 : i32
        %dma_wait3A_1204 = arith.constant 0 : i32
        %dma_wait3A_1205 = tpu.memref_slice %arg6[%scan3A_161, %dma_wait3A_1203, %dma_wait3A_1204] : memref<4x2x128xi32, #tpu.memory_space<vmem>> -> memref<1x2x128xi32, #tpu.memory_space<vmem>>
        %dma_wait3A_1206 = tpu.memref_squeeze %dma_wait3A_1205 : memref<1x2x128xi32, #tpu.memory_space<vmem>> -> memref<2x128xi32, #tpu.memory_space<vmem>>
        %dma_wait3A_1207 = arith.constant 0 : i32
        %dma_wait3A_1208 = tpu.memref_slice %dma_wait3A_1206[%scan3A_162, %dma_wait3A_1207] : memref<2x128xi32, #tpu.memory_space<vmem>> -> memref<1x128xi32, #tpu.memory_space<vmem>>
        %dma_wait3A_1209 = tpu.memref_squeeze %dma_wait3A_1208 : memref<1x128xi32, #tpu.memory_space<vmem>> -> memref<128xi32, #tpu.memory_space<vmem>>
        %dma_wait3A_1210 = arith.constant 0 : i32
        %dma_wait3A_1211 = arith.constant 0 : i32
        %dma_wait3A_1212 = tpu.memref_slice %arg17[%dma_wait3A_1210, %dma_wait3A_1211] : memref<10000x128xf32, #tpu.memory_space<vmem_shared>> -> memref<10000x128xf32, #tpu.memory_space<vmem_shared>>
        tpu.wait_indirect_dma semaphore(%run_scoped3A_1192 : memref<!tpu.dma_semaphore, #tpu.memory_space<semaphore_mem>>) src(%arg7 : memref<128x128xf32, #tpu.memory_space<vmem>>) dst(%dma_wait3A_1212 : memref<10000x128xf32, #tpu.memory_space<vmem_shared>>)
        tpu.yield
      }) : () -> ()
      %add3A_842 = arith.constant 3 : i32
      %add3A_843 = arith.addi %add3A_811, %add3A_842 : i32
      %mul3A_844 = arith.constant 32 : i32
      %mul3A_845 = arith.muli %add3A_843, %mul3A_844 : i32
      %add3A_846 = arith.addi %add3A, %mul3A_845 : i32
      %mul3A_847 = arith.constant 128 : i32
      %mul3A_848 = arith.muli %add3A_846, %mul3A_847 : i32
      %dma_wait3A_849 = arith.constant 1 : i32
      %dma_wait3A_850 = arith.constant 0 : i32
      %dma_wait3A_851 = arith.constant 0 : i32
      %dma_wait3A_852 = tpu.memref_slice %arg6[%dma_wait3A_849, %dma_wait3A_850, %dma_wait3A_851] : memref<4x2x128xi32, #tpu.memory_space<vmem>> -> memref<1x2x128xi32, #tpu.memory_space<vmem>>
      %dma_wait3A_853 = tpu.memref_squeeze %dma_wait3A_852 : memref<1x2x128xi32, #tpu.memory_space<vmem>> -> memref<2x128xi32, #tpu.memory_space<vmem>>
      %dma_wait3A_854 = arith.constant 0 : i32
      %dma_wait3A_855 = tpu.memref_slice %arg3[%dma_wait3A_854, %mul3A_848] : memref<2x320000xi32, #tpu.memory_space<hbm>> -> memref<2x128xi32, #tpu.memory_space<hbm>>
      %dma_wait3A_856 = arith.constant 0 : i32
      %dma_wait3A_857 = arith.constant 0 : i32
      %dma_wait3A_858 = tpu.memref_slice %arg6[%dma_wait3A_849, %dma_wait3A_856, %dma_wait3A_857] : memref<4x2x128xi32, #tpu.memory_space<vmem>> -> memref<1x2x128xi32, #tpu.memory_space<vmem>>
      %dma_wait3A_859 = tpu.memref_squeeze %dma_wait3A_858 : memref<1x2x128xi32, #tpu.memory_space<vmem>> -> memref<2x128xi32, #tpu.memory_space<vmem>>
      %dma_wait3A_860 = arith.constant 0 : i32
      %dma_wait3A_861 = tpu.memref_slice %arg3[%dma_wait3A_860, %mul3A_848] : memref<2x320000xi32, #tpu.memory_space<hbm>> -> memref<2x128xi32, #tpu.memory_space<hbm>>
      tpu.wait_dma2 semaphore(%arg14 : memref<!tpu.dma_semaphore, #tpu.memory_space<semaphore_mem>>) src(%dma_wait3A_861 : memref<2x128xi32, #tpu.memory_space<hbm>>) dst(%dma_wait3A_859 : memref<2x128xi32, #tpu.memory_space<vmem>>)
      %dma_start3A_862 = arith.constant 0 : i32
      %dma_start3A_863 = arith.constant 0 : i32
      %dma_start3A_864 = tpu.memref_slice %arg6[%scan3A_155, %dma_start3A_862, %dma_start3A_863] : memref<4x2x128xi32, #tpu.memory_space<vmem>> -> memref<1x2x128xi32, #tpu.memory_space<vmem>>
      %dma_start3A_865 = tpu.memref_squeeze %dma_start3A_864 : memref<1x2x128xi32, #tpu.memory_space<vmem>> -> memref<2x128xi32, #tpu.memory_space<vmem>>
      %dma_start3A_866 = arith.constant 0 : i32
      %dma_start3A_867 = tpu.memref_slice %dma_start3A_865[%scan3A_156, %dma_start3A_866] : memref<2x128xi32, #tpu.memory_space<vmem>> -> memref<1x128xi32, #tpu.memory_space<vmem>>
      %dma_start3A_868 = tpu.memref_squeeze %dma_start3A_867 : memref<1x128xi32, #tpu.memory_space<vmem>> -> memref<128xi32, #tpu.memory_space<vmem>>
      %dma_start3A_869 = arith.constant 0 : i32
      %dma_start3A_870 = arith.constant 0 : i32
      %dma_start3A_871 = tpu.memref_slice %arg2[%dma_start3A_869, %dma_start3A_870] : memref<10000x128xf32, #tpu.memory_space<hbm>> -> memref<10000x128xf32, #tpu.memory_space<hbm>>
      tpu.enqueue_indirect_dma source(%dma_start3A_871 : memref<10000x128xf32, #tpu.memory_space<hbm>>) target(%arg7 : memref<128x128xf32, #tpu.memory_space<vmem>>) offsets(%dma_start3A_868 : memref<128xi32, #tpu.memory_space<vmem>>) semaphore(%arg10 : memref<!tpu.dma_semaphore, #tpu.memory_space<semaphore_mem>>)
      %mul3A_872 = arith.constant 12 : i32
      %mul3A_873 = arith.muli %scan3A_423, %mul3A_872 : i32
      %add3A_874 = arith.constant 7 : i32
      %add3A_875 = arith.addi %mul3A_873, %add3A_874 : i32
      %add3A_876 = arith.constant 3 : i32
      %add3A_877 = arith.addi %add3A_875, %add3A_876 : i32
      %mul3A_878 = arith.constant 32 : i32
      %mul3A_879 = arith.muli %add3A_877, %mul3A_878 : i32
      %add3A_880 = arith.addi %add3A, %mul3A_879 : i32
      %mul3A_881 = arith.constant 128 : i32
      %mul3A_882 = arith.muli %add3A_880, %mul3A_881 : i32
      %dma_start3A_883 = arith.constant 2 : i32
      %dma_start3A_884 = arith.constant 0 : i32
      %dma_start3A_885 = arith.constant 0 : i32
      %dma_start3A_886 = tpu.memref_slice %arg6[%dma_start3A_883, %dma_start3A_884, %dma_start3A_885] : memref<4x2x128xi32, #tpu.memory_space<vmem>> -> memref<1x2x128xi32, #tpu.memory_space<vmem>>
      %dma_start3A_887 = tpu.memref_squeeze %dma_start3A_886 : memref<1x2x128xi32, #tpu.memory_space<vmem>> -> memref<2x128xi32, #tpu.memory_space<vmem>>
      %dma_start3A_888 = arith.constant 0 : i32
      %dma_start3A_889 = tpu.memref_slice %arg3[%dma_start3A_888, %mul3A_882] : memref<2x320000xi32, #tpu.memory_space<hbm>> -> memref<2x128xi32, #tpu.memory_space<hbm>>
      %dma_start3A_890 = arith.constant 0 : i32
      %dma_start3A_891 = arith.constant 0 : i32
      %dma_start3A_892 = tpu.memref_slice %arg6[%dma_start3A_883, %dma_start3A_890, %dma_start3A_891] : memref<4x2x128xi32, #tpu.memory_space<vmem>> -> memref<1x2x128xi32, #tpu.memory_space<vmem>>
      %dma_start3A_893 = tpu.memref_squeeze %dma_start3A_892 : memref<1x2x128xi32, #tpu.memory_space<vmem>> -> memref<2x128xi32, #tpu.memory_space<vmem>>
      %dma_start3A_894 = arith.constant 0 : i32
      %dma_start3A_895 = tpu.memref_slice %arg3[%dma_start3A_894, %mul3A_882] : memref<2x320000xi32, #tpu.memory_space<hbm>> -> memref<2x128xi32, #tpu.memory_space<hbm>>
      tpu.enqueue_dma source(%dma_start3A_895 : memref<2x128xi32, #tpu.memory_space<hbm>>) target(%dma_start3A_893 : memref<2x128xi32, #tpu.memory_space<vmem>>) target_semaphore(%arg15 : memref<!tpu.dma_semaphore, #tpu.memory_space<semaphore_mem>>)
      %dma_wait3A_896 = arith.constant 0 : i32
      %dma_wait3A_897 = arith.constant 0 : i32
      %dma_wait3A_898 = tpu.memref_slice %arg6[%scan3A_153, %dma_wait3A_896, %dma_wait3A_897] : memref<4x2x128xi32, #tpu.memory_space<vmem>> -> memref<1x2x128xi32, #tpu.memory_space<vmem>>
      %dma_wait3A_899 = tpu.memref_squeeze %dma_wait3A_898 : memref<1x2x128xi32, #tpu.memory_space<vmem>> -> memref<2x128xi32, #tpu.memory_space<vmem>>
      %dma_wait3A_900 = arith.constant 0 : i32
      %dma_wait3A_901 = tpu.memref_slice %dma_wait3A_899[%scan3A_154, %dma_wait3A_900] : memref<2x128xi32, #tpu.memory_space<vmem>> -> memref<1x128xi32, #tpu.memory_space<vmem>>
      %dma_wait3A_902 = tpu.memref_squeeze %dma_wait3A_901 : memref<1x128xi32, #tpu.memory_space<vmem>> -> memref<128xi32, #tpu.memory_space<vmem>>
      %dma_wait3A_903 = arith.constant 0 : i32
      %dma_wait3A_904 = arith.constant 0 : i32
      %dma_wait3A_905 = tpu.memref_slice %arg2[%dma_wait3A_903, %dma_wait3A_904] : memref<10000x128xf32, #tpu.memory_space<hbm>> -> memref<10000x128xf32, #tpu.memory_space<hbm>>
      tpu.wait_indirect_dma semaphore(%arg11 : memref<!tpu.dma_semaphore, #tpu.memory_space<semaphore_mem>>) src(%dma_wait3A_905 : memref<10000x128xf32, #tpu.memory_space<hbm>>) dst(%arg8 : memref<128x128xf32, #tpu.memory_space<vmem>>)
      "tpu.region"() ({
        %run_scoped3A_1192 = tpu.sem_alloc : memref<!tpu.dma_semaphore, #tpu.memory_space<semaphore_mem>>
        %dma_start3A_1193 = arith.constant 0 : i32
        %dma_start3A_1194 = arith.constant 0 : i32
        %dma_start3A_1195 = tpu.memref_slice %arg6[%scan3A_163, %dma_start3A_1193, %dma_start3A_1194] : memref<4x2x128xi32, #tpu.memory_space<vmem>> -> memref<1x2x128xi32, #tpu.memory_space<vmem>>
        %dma_start3A_1196 = tpu.memref_squeeze %dma_start3A_1195 : memref<1x2x128xi32, #tpu.memory_space<vmem>> -> memref<2x128xi32, #tpu.memory_space<vmem>>
        %dma_start3A_1197 = arith.constant 0 : i32
        %dma_start3A_1198 = tpu.memref_slice %dma_start3A_1196[%scan3A_164, %dma_start3A_1197] : memref<2x128xi32, #tpu.memory_space<vmem>> -> memref<1x128xi32, #tpu.memory_space<vmem>>
        %dma_start3A_1199 = tpu.memref_squeeze %dma_start3A_1198 : memref<1x128xi32, #tpu.memory_space<vmem>> -> memref<128xi32, #tpu.memory_space<vmem>>
        %dma_start3A_1200 = arith.constant 0 : i32
        %dma_start3A_1201 = arith.constant 0 : i32
        %dma_start3A_1202 = tpu.memref_slice %arg17[%dma_start3A_1200, %dma_start3A_1201] : memref<10000x128xf32, #tpu.memory_space<vmem_shared>> -> memref<10000x128xf32, #tpu.memory_space<vmem_shared>>
        tpu.enqueue_indirect_dma source(%arg8 : memref<128x128xf32, #tpu.memory_space<vmem>>) target(%dma_start3A_1202 : memref<10000x128xf32, #tpu.memory_space<vmem_shared>>) offsets(%dma_start3A_1199 : memref<128xi32, #tpu.memory_space<vmem>>) semaphore(%run_scoped3A_1192 : memref<!tpu.dma_semaphore, #tpu.memory_space<semaphore_mem>>) {add = true}
        %dma_wait3A_1203 = arith.constant 0 : i32
        %dma_wait3A_1204 = arith.constant 0 : i32
        %dma_wait3A_1205 = tpu.memref_slice %arg6[%scan3A_163, %dma_wait3A_1203, %dma_wait3A_1204] : memref<4x2x128xi32, #tpu.memory_space<vmem>> -> memref<1x2x128xi32, #tpu.memory_space<vmem>>
        %dma_wait3A_1206 = tpu.memref_squeeze %dma_wait3A_1205 : memref<1x2x128xi32, #tpu.memory_space<vmem>> -> memref<2x128xi32, #tpu.memory_space<vmem>>
        %dma_wait3A_1207 = arith.constant 0 : i32
        %dma_wait3A_1208 = tpu.memref_slice %dma_wait3A_1206[%scan3A_164, %dma_wait3A_1207] : memref<2x128xi32, #tpu.memory_space<vmem>> -> memref<1x128xi32, #tpu.memory_space<vmem>>
        %dma_wait3A_1209 = tpu.memref_squeeze %dma_wait3A_1208 : memref<1x128xi32, #tpu.memory_space<vmem>> -> memref<128xi32, #tpu.memory_space<vmem>>
        %dma_wait3A_1210 = arith.constant 0 : i32
        %dma_wait3A_1211 = arith.constant 0 : i32
        %dma_wait3A_1212 = tpu.memref_slice %arg17[%dma_wait3A_1210, %dma_wait3A_1211] : memref<10000x128xf32, #tpu.memory_space<vmem_shared>> -> memref<10000x128xf32, #tpu.memory_space<vmem_shared>>
        tpu.wait_indirect_dma semaphore(%run_scoped3A_1192 : memref<!tpu.dma_semaphore, #tpu.memory_space<semaphore_mem>>) src(%arg8 : memref<128x128xf32, #tpu.memory_space<vmem>>) dst(%dma_wait3A_1212 : memref<10000x128xf32, #tpu.memory_space<vmem_shared>>)
        tpu.yield
      }) : () -> ()
      %add3A_906 = arith.constant 3 : i32
      %add3A_907 = arith.addi %add3A_875, %add3A_906 : i32
      %mul3A_908 = arith.constant 32 : i32
      %mul3A_909 = arith.muli %add3A_907, %mul3A_908 : i32
      %add3A_910 = arith.addi %add3A, %mul3A_909 : i32
      %mul3A_911 = arith.constant 128 : i32
      %mul3A_912 = arith.muli %add3A_910, %mul3A_911 : i32
      %dma_wait3A_913 = arith.constant 2 : i32
      %dma_wait3A_914 = arith.constant 0 : i32
      %dma_wait3A_915 = arith.constant 0 : i32
      %dma_wait3A_916 = tpu.memref_slice %arg6[%dma_wait3A_913, %dma_wait3A_914, %dma_wait3A_915] : memref<4x2x128xi32, #tpu.memory_space<vmem>> -> memref<1x2x128xi32, #tpu.memory_space<vmem>>
      %dma_wait3A_917 = tpu.memref_squeeze %dma_wait3A_916 : memref<1x2x128xi32, #tpu.memory_space<vmem>> -> memref<2x128xi32, #tpu.memory_space<vmem>>
      %dma_wait3A_918 = arith.constant 0 : i32
      %dma_wait3A_919 = tpu.memref_slice %arg3[%dma_wait3A_918, %mul3A_912] : memref<2x320000xi32, #tpu.memory_space<hbm>> -> memref<2x128xi32, #tpu.memory_space<hbm>>
      %dma_wait3A_920 = arith.constant 0 : i32
      %dma_wait3A_921 = arith.constant 0 : i32
      %dma_wait3A_922 = tpu.memref_slice %arg6[%dma_wait3A_913, %dma_wait3A_920, %dma_wait3A_921] : memref<4x2x128xi32, #tpu.memory_space<vmem>> -> memref<1x2x128xi32, #tpu.memory_space<vmem>>
      %dma_wait3A_923 = tpu.memref_squeeze %dma_wait3A_922 : memref<1x2x128xi32, #tpu.memory_space<vmem>> -> memref<2x128xi32, #tpu.memory_space<vmem>>
      %dma_wait3A_924 = arith.constant 0 : i32
      %dma_wait3A_925 = tpu.memref_slice %arg3[%dma_wait3A_924, %mul3A_912] : memref<2x320000xi32, #tpu.memory_space<hbm>> -> memref<2x128xi32, #tpu.memory_space<hbm>>
      tpu.wait_dma2 semaphore(%arg15 : memref<!tpu.dma_semaphore, #tpu.memory_space<semaphore_mem>>) src(%dma_wait3A_925 : memref<2x128xi32, #tpu.memory_space<hbm>>) dst(%dma_wait3A_923 : memref<2x128xi32, #tpu.memory_space<vmem>>)
      %dma_start3A_926 = arith.constant 0 : i32
      %dma_start3A_927 = arith.constant 0 : i32
      %dma_start3A_928 = tpu.memref_slice %arg6[%scan3A_159, %dma_start3A_926, %dma_start3A_927] : memref<4x2x128xi32, #tpu.memory_space<vmem>> -> memref<1x2x128xi32, #tpu.memory_space<vmem>>
      %dma_start3A_929 = tpu.memref_squeeze %dma_start3A_928 : memref<1x2x128xi32, #tpu.memory_space<vmem>> -> memref<2x128xi32, #tpu.memory_space<vmem>>
      %dma_start3A_930 = arith.constant 0 : i32
      %dma_start3A_931 = tpu.memref_slice %dma_start3A_929[%scan3A_160, %dma_start3A_930] : memref<2x128xi32, #tpu.memory_space<vmem>> -> memref<1x128xi32, #tpu.memory_space<vmem>>
      %dma_start3A_932 = tpu.memref_squeeze %dma_start3A_931 : memref<1x128xi32, #tpu.memory_space<vmem>> -> memref<128xi32, #tpu.memory_space<vmem>>
      %dma_start3A_933 = arith.constant 0 : i32
      %dma_start3A_934 = arith.constant 0 : i32
      %dma_start3A_935 = tpu.memref_slice %arg2[%dma_start3A_933, %dma_start3A_934] : memref<10000x128xf32, #tpu.memory_space<hbm>> -> memref<10000x128xf32, #tpu.memory_space<hbm>>
      tpu.enqueue_indirect_dma source(%dma_start3A_935 : memref<10000x128xf32, #tpu.memory_space<hbm>>) target(%arg8 : memref<128x128xf32, #tpu.memory_space<vmem>>) offsets(%dma_start3A_932 : memref<128xi32, #tpu.memory_space<vmem>>) semaphore(%arg11 : memref<!tpu.dma_semaphore, #tpu.memory_space<semaphore_mem>>)
      %mul3A_936 = arith.constant 12 : i32
      %mul3A_937 = arith.muli %scan3A_423, %mul3A_936 : i32
      %add3A_938 = arith.constant 8 : i32
      %add3A_939 = arith.addi %mul3A_937, %add3A_938 : i32
      %add3A_940 = arith.constant 3 : i32
      %add3A_941 = arith.addi %add3A_939, %add3A_940 : i32
      %mul3A_942 = arith.constant 32 : i32
      %mul3A_943 = arith.muli %add3A_941, %mul3A_942 : i32
      %add3A_944 = arith.addi %add3A, %mul3A_943 : i32
      %mul3A_945 = arith.constant 128 : i32
      %mul3A_946 = arith.muli %add3A_944, %mul3A_945 : i32
      %dma_start3A_947 = arith.constant 3 : i32
      %dma_start3A_948 = arith.constant 0 : i32
      %dma_start3A_949 = arith.constant 0 : i32
      %dma_start3A_950 = tpu.memref_slice %arg6[%dma_start3A_947, %dma_start3A_948, %dma_start3A_949] : memref<4x2x128xi32, #tpu.memory_space<vmem>> -> memref<1x2x128xi32, #tpu.memory_space<vmem>>
      %dma_start3A_951 = tpu.memref_squeeze %dma_start3A_950 : memref<1x2x128xi32, #tpu.memory_space<vmem>> -> memref<2x128xi32, #tpu.memory_space<vmem>>
      %dma_start3A_952 = arith.constant 0 : i32
      %dma_start3A_953 = tpu.memref_slice %arg3[%dma_start3A_952, %mul3A_946] : memref<2x320000xi32, #tpu.memory_space<hbm>> -> memref<2x128xi32, #tpu.memory_space<hbm>>
      %dma_start3A_954 = arith.constant 0 : i32
      %dma_start3A_955 = arith.constant 0 : i32
      %dma_start3A_956 = tpu.memref_slice %arg6[%dma_start3A_947, %dma_start3A_954, %dma_start3A_955] : memref<4x2x128xi32, #tpu.memory_space<vmem>> -> memref<1x2x128xi32, #tpu.memory_space<vmem>>
      %dma_start3A_957 = tpu.memref_squeeze %dma_start3A_956 : memref<1x2x128xi32, #tpu.memory_space<vmem>> -> memref<2x128xi32, #tpu.memory_space<vmem>>
      %dma_start3A_958 = arith.constant 0 : i32
      %dma_start3A_959 = tpu.memref_slice %arg3[%dma_start3A_958, %mul3A_946] : memref<2x320000xi32, #tpu.memory_space<hbm>> -> memref<2x128xi32, #tpu.memory_space<hbm>>
      tpu.enqueue_dma source(%dma_start3A_959 : memref<2x128xi32, #tpu.memory_space<hbm>>) target(%dma_start3A_957 : memref<2x128xi32, #tpu.memory_space<vmem>>) target_semaphore(%arg16 : memref<!tpu.dma_semaphore, #tpu.memory_space<semaphore_mem>>)
      %dma_wait3A_960 = arith.constant 0 : i32
      %dma_wait3A_961 = arith.constant 0 : i32
      %dma_wait3A_962 = tpu.memref_slice %arg6[%scan3A_149, %dma_wait3A_960, %dma_wait3A_961] : memref<4x2x128xi32, #tpu.memory_space<vmem>> -> memref<1x2x128xi32, #tpu.memory_space<vmem>>
      %dma_wait3A_963 = tpu.memref_squeeze %dma_wait3A_962 : memref<1x2x128xi32, #tpu.memory_space<vmem>> -> memref<2x128xi32, #tpu.memory_space<vmem>>
      %dma_wait3A_964 = arith.constant 0 : i32
      %dma_wait3A_965 = tpu.memref_slice %dma_wait3A_963[%scan3A_150, %dma_wait3A_964] : memref<2x128xi32, #tpu.memory_space<vmem>> -> memref<1x128xi32, #tpu.memory_space<vmem>>
      %dma_wait3A_966 = tpu.memref_squeeze %dma_wait3A_965 : memref<1x128xi32, #tpu.memory_space<vmem>> -> memref<128xi32, #tpu.memory_space<vmem>>
      %dma_wait3A_967 = arith.constant 0 : i32
      %dma_wait3A_968 = arith.constant 0 : i32
      %dma_wait3A_969 = tpu.memref_slice %arg2[%dma_wait3A_967, %dma_wait3A_968] : memref<10000x128xf32, #tpu.memory_space<hbm>> -> memref<10000x128xf32, #tpu.memory_space<hbm>>
      tpu.wait_indirect_dma semaphore(%arg12 : memref<!tpu.dma_semaphore, #tpu.memory_space<semaphore_mem>>) src(%dma_wait3A_969 : memref<10000x128xf32, #tpu.memory_space<hbm>>) dst(%arg9 : memref<128x128xf32, #tpu.memory_space<vmem>>)
      "tpu.region"() ({
        %run_scoped3A_1192 = tpu.sem_alloc : memref<!tpu.dma_semaphore, #tpu.memory_space<semaphore_mem>>
        %dma_start3A_1193 = arith.constant 0 : i32
        %dma_start3A_1194 = arith.constant 0 : i32
        %dma_start3A_1195 = tpu.memref_slice %arg6[%scan3A_151, %dma_start3A_1193, %dma_start3A_1194] : memref<4x2x128xi32, #tpu.memory_space<vmem>> -> memref<1x2x128xi32, #tpu.memory_space<vmem>>
        %dma_start3A_1196 = tpu.memref_squeeze %dma_start3A_1195 : memref<1x2x128xi32, #tpu.memory_space<vmem>> -> memref<2x128xi32, #tpu.memory_space<vmem>>
        %dma_start3A_1197 = arith.constant 0 : i32
        %dma_start3A_1198 = tpu.memref_slice %dma_start3A_1196[%scan3A_152, %dma_start3A_1197] : memref<2x128xi32, #tpu.memory_space<vmem>> -> memref<1x128xi32, #tpu.memory_space<vmem>>
        %dma_start3A_1199 = tpu.memref_squeeze %dma_start3A_1198 : memref<1x128xi32, #tpu.memory_space<vmem>> -> memref<128xi32, #tpu.memory_space<vmem>>
        %dma_start3A_1200 = arith.constant 0 : i32
        %dma_start3A_1201 = arith.constant 0 : i32
        %dma_start3A_1202 = tpu.memref_slice %arg17[%dma_start3A_1200, %dma_start3A_1201] : memref<10000x128xf32, #tpu.memory_space<vmem_shared>> -> memref<10000x128xf32, #tpu.memory_space<vmem_shared>>
        tpu.enqueue_indirect_dma source(%arg9 : memref<128x128xf32, #tpu.memory_space<vmem>>) target(%dma_start3A_1202 : memref<10000x128xf32, #tpu.memory_space<vmem_shared>>) offsets(%dma_start3A_1199 : memref<128xi32, #tpu.memory_space<vmem>>) semaphore(%run_scoped3A_1192 : memref<!tpu.dma_semaphore, #tpu.memory_space<semaphore_mem>>) {add = true}
        %dma_wait3A_1203 = arith.constant 0 : i32
        %dma_wait3A_1204 = arith.constant 0 : i32
        %dma_wait3A_1205 = tpu.memref_slice %arg6[%scan3A_151, %dma_wait3A_1203, %dma_wait3A_1204] : memref<4x2x128xi32, #tpu.memory_space<vmem>> -> memref<1x2x128xi32, #tpu.memory_space<vmem>>
        %dma_wait3A_1206 = tpu.memref_squeeze %dma_wait3A_1205 : memref<1x2x128xi32, #tpu.memory_space<vmem>> -> memref<2x128xi32, #tpu.memory_space<vmem>>
        %dma_wait3A_1207 = arith.constant 0 : i32
        %dma_wait3A_1208 = tpu.memref_slice %dma_wait3A_1206[%scan3A_152, %dma_wait3A_1207] : memref<2x128xi32, #tpu.memory_space<vmem>> -> memref<1x128xi32, #tpu.memory_space<vmem>>
        %dma_wait3A_1209 = tpu.memref_squeeze %dma_wait3A_1208 : memref<1x128xi32, #tpu.memory_space<vmem>> -> memref<128xi32, #tpu.memory_space<vmem>>
        %dma_wait3A_1210 = arith.constant 0 : i32
        %dma_wait3A_1211 = arith.constant 0 : i32
        %dma_wait3A_1212 = tpu.memref_slice %arg17[%dma_wait3A_1210, %dma_wait3A_1211] : memref<10000x128xf32, #tpu.memory_space<vmem_shared>> -> memref<10000x128xf32, #tpu.memory_space<vmem_shared>>
        tpu.wait_indirect_dma semaphore(%run_scoped3A_1192 : memref<!tpu.dma_semaphore, #tpu.memory_space<semaphore_mem>>) src(%arg9 : memref<128x128xf32, #tpu.memory_space<vmem>>) dst(%dma_wait3A_1212 : memref<10000x128xf32, #tpu.memory_space<vmem_shared>>)
        tpu.yield
      }) : () -> ()
      %add3A_970 = arith.constant 3 : i32
      %add3A_971 = arith.addi %add3A_939, %add3A_970 : i32
      %mul3A_972 = arith.constant 32 : i32
      %mul3A_973 = arith.muli %add3A_971, %mul3A_972 : i32
      %add3A_974 = arith.addi %add3A, %mul3A_973 : i32
      %mul3A_975 = arith.constant 128 : i32
      %mul3A_976 = arith.muli %add3A_974, %mul3A_975 : i32
      %dma_wait3A_977 = arith.constant 3 : i32
      %dma_wait3A_978 = arith.constant 0 : i32
      %dma_wait3A_979 = arith.constant 0 : i32
      %dma_wait3A_980 = tpu.memref_slice %arg6[%dma_wait3A_977, %dma_wait3A_978, %dma_wait3A_979] : memref<4x2x128xi32, #tpu.memory_space<vmem>> -> memref<1x2x128xi32, #tpu.memory_space<vmem>>
      %dma_wait3A_981 = tpu.memref_squeeze %dma_wait3A_980 : memref<1x2x128xi32, #tpu.memory_space<vmem>> -> memref<2x128xi32, #tpu.memory_space<vmem>>
      %dma_wait3A_982 = arith.constant 0 : i32
      %dma_wait3A_983 = tpu.memref_slice %arg3[%dma_wait3A_982, %mul3A_976] : memref<2x320000xi32, #tpu.memory_space<hbm>> -> memref<2x128xi32, #tpu.memory_space<hbm>>
      %dma_wait3A_984 = arith.constant 0 : i32
      %dma_wait3A_985 = arith.constant 0 : i32
      %dma_wait3A_986 = tpu.memref_slice %arg6[%dma_wait3A_977, %dma_wait3A_984, %dma_wait3A_985] : memref<4x2x128xi32, #tpu.memory_space<vmem>> -> memref<1x2x128xi32, #tpu.memory_space<vmem>>
      %dma_wait3A_987 = tpu.memref_squeeze %dma_wait3A_986 : memref<1x2x128xi32, #tpu.memory_space<vmem>> -> memref<2x128xi32, #tpu.memory_space<vmem>>
      %dma_wait3A_988 = arith.constant 0 : i32
      %dma_wait3A_989 = tpu.memref_slice %arg3[%dma_wait3A_988, %mul3A_976] : memref<2x320000xi32, #tpu.memory_space<hbm>> -> memref<2x128xi32, #tpu.memory_space<hbm>>
      tpu.wait_dma2 semaphore(%arg16 : memref<!tpu.dma_semaphore, #tpu.memory_space<semaphore_mem>>) src(%dma_wait3A_989 : memref<2x128xi32, #tpu.memory_space<hbm>>) dst(%dma_wait3A_987 : memref<2x128xi32, #tpu.memory_space<vmem>>)
      %dma_start3A_990 = arith.constant 0 : i32
      %dma_start3A_991 = arith.constant 0 : i32
      %dma_start3A_992 = tpu.memref_slice %arg6[%scan3A_153, %dma_start3A_990, %dma_start3A_991] : memref<4x2x128xi32, #tpu.memory_space<vmem>> -> memref<1x2x128xi32, #tpu.memory_space<vmem>>
      %dma_start3A_993 = tpu.memref_squeeze %dma_start3A_992 : memref<1x2x128xi32, #tpu.memory_space<vmem>> -> memref<2x128xi32, #tpu.memory_space<vmem>>
      %dma_start3A_994 = arith.constant 0 : i32
      %dma_start3A_995 = tpu.memref_slice %dma_start3A_993[%scan3A_154, %dma_start3A_994] : memref<2x128xi32, #tpu.memory_space<vmem>> -> memref<1x128xi32, #tpu.memory_space<vmem>>
      %dma_start3A_996 = tpu.memref_squeeze %dma_start3A_995 : memref<1x128xi32, #tpu.memory_space<vmem>> -> memref<128xi32, #tpu.memory_space<vmem>>
      %dma_start3A_997 = arith.constant 0 : i32
      %dma_start3A_998 = arith.constant 0 : i32
      %dma_start3A_999 = tpu.memref_slice %arg2[%dma_start3A_997, %dma_start3A_998] : memref<10000x128xf32, #tpu.memory_space<hbm>> -> memref<10000x128xf32, #tpu.memory_space<hbm>>
      tpu.enqueue_indirect_dma source(%dma_start3A_999 : memref<10000x128xf32, #tpu.memory_space<hbm>>) target(%arg9 : memref<128x128xf32, #tpu.memory_space<vmem>>) offsets(%dma_start3A_996 : memref<128xi32, #tpu.memory_space<vmem>>) semaphore(%arg12 : memref<!tpu.dma_semaphore, #tpu.memory_space<semaphore_mem>>)
      %mul3A_1000 = arith.constant 12 : i32
      %mul3A_1001 = arith.muli %scan3A_423, %mul3A_1000 : i32
      %add3A_1002 = arith.constant 9 : i32
      %add3A_1003 = arith.addi %mul3A_1001, %add3A_1002 : i32
      %add3A_1004 = arith.constant 3 : i32
      %add3A_1005 = arith.addi %add3A_1003, %add3A_1004 : i32
      %mul3A_1006 = arith.constant 32 : i32
      %mul3A_1007 = arith.muli %add3A_1005, %mul3A_1006 : i32
      %add3A_1008 = arith.addi %add3A, %mul3A_1007 : i32
      %mul3A_1009 = arith.constant 128 : i32
      %mul3A_1010 = arith.muli %add3A_1008, %mul3A_1009 : i32
      %dma_start3A_1011 = arith.constant 0 : i32
      %dma_start3A_1012 = arith.constant 0 : i32
      %dma_start3A_1013 = arith.constant 0 : i32
      %dma_start3A_1014 = tpu.memref_slice %arg6[%dma_start3A_1011, %dma_start3A_1012, %dma_start3A_1013] : memref<4x2x128xi32, #tpu.memory_space<vmem>> -> memref<1x2x128xi32, #tpu.memory_space<vmem>>
      %dma_start3A_1015 = tpu.memref_squeeze %dma_start3A_1014 : memref<1x2x128xi32, #tpu.memory_space<vmem>> -> memref<2x128xi32, #tpu.memory_space<vmem>>
      %dma_start3A_1016 = arith.constant 0 : i32
      %dma_start3A_1017 = tpu.memref_slice %arg3[%dma_start3A_1016, %mul3A_1010] : memref<2x320000xi32, #tpu.memory_space<hbm>> -> memref<2x128xi32, #tpu.memory_space<hbm>>
      %dma_start3A_1018 = arith.constant 0 : i32
      %dma_start3A_1019 = arith.constant 0 : i32
      %dma_start3A_1020 = tpu.memref_slice %arg6[%dma_start3A_1011, %dma_start3A_1018, %dma_start3A_1019] : memref<4x2x128xi32, #tpu.memory_space<vmem>> -> memref<1x2x128xi32, #tpu.memory_space<vmem>>
      %dma_start3A_1021 = tpu.memref_squeeze %dma_start3A_1020 : memref<1x2x128xi32, #tpu.memory_space<vmem>> -> memref<2x128xi32, #tpu.memory_space<vmem>>
      %dma_start3A_1022 = arith.constant 0 : i32
      %dma_start3A_1023 = tpu.memref_slice %arg3[%dma_start3A_1022, %mul3A_1010] : memref<2x320000xi32, #tpu.memory_space<hbm>> -> memref<2x128xi32, #tpu.memory_space<hbm>>
      tpu.enqueue_dma source(%dma_start3A_1023 : memref<2x128xi32, #tpu.memory_space<hbm>>) target(%dma_start3A_1021 : memref<2x128xi32, #tpu.memory_space<vmem>>) target_semaphore(%arg13 : memref<!tpu.dma_semaphore, #tpu.memory_space<semaphore_mem>>)
      %dma_wait3A_1024 = arith.constant 0 : i32
      %dma_wait3A_1025 = arith.constant 0 : i32
      %dma_wait3A_1026 = tpu.memref_slice %arg6[%scan3A_155, %dma_wait3A_1024, %dma_wait3A_1025] : memref<4x2x128xi32, #tpu.memory_space<vmem>> -> memref<1x2x128xi32, #tpu.memory_space<vmem>>
      %dma_wait3A_1027 = tpu.memref_squeeze %dma_wait3A_1026 : memref<1x2x128xi32, #tpu.memory_space<vmem>> -> memref<2x128xi32, #tpu.memory_space<vmem>>
      %dma_wait3A_1028 = arith.constant 0 : i32
      %dma_wait3A_1029 = tpu.memref_slice %dma_wait3A_1027[%scan3A_156, %dma_wait3A_1028] : memref<2x128xi32, #tpu.memory_space<vmem>> -> memref<1x128xi32, #tpu.memory_space<vmem>>
      %dma_wait3A_1030 = tpu.memref_squeeze %dma_wait3A_1029 : memref<1x128xi32, #tpu.memory_space<vmem>> -> memref<128xi32, #tpu.memory_space<vmem>>
      %dma_wait3A_1031 = arith.constant 0 : i32
      %dma_wait3A_1032 = arith.constant 0 : i32
      %dma_wait3A_1033 = tpu.memref_slice %arg2[%dma_wait3A_1031, %dma_wait3A_1032] : memref<10000x128xf32, #tpu.memory_space<hbm>> -> memref<10000x128xf32, #tpu.memory_space<hbm>>
      tpu.wait_indirect_dma semaphore(%arg10 : memref<!tpu.dma_semaphore, #tpu.memory_space<semaphore_mem>>) src(%dma_wait3A_1033 : memref<10000x128xf32, #tpu.memory_space<hbm>>) dst(%arg7 : memref<128x128xf32, #tpu.memory_space<vmem>>)
      "tpu.region"() ({
        %run_scoped3A_1192 = tpu.sem_alloc : memref<!tpu.dma_semaphore, #tpu.memory_space<semaphore_mem>>
        %dma_start3A_1193 = arith.constant 0 : i32
        %dma_start3A_1194 = arith.constant 0 : i32
        %dma_start3A_1195 = tpu.memref_slice %arg6[%scan3A_157, %dma_start3A_1193, %dma_start3A_1194] : memref<4x2x128xi32, #tpu.memory_space<vmem>> -> memref<1x2x128xi32, #tpu.memory_space<vmem>>
        %dma_start3A_1196 = tpu.memref_squeeze %dma_start3A_1195 : memref<1x2x128xi32, #tpu.memory_space<vmem>> -> memref<2x128xi32, #tpu.memory_space<vmem>>
        %dma_start3A_1197 = arith.constant 0 : i32
        %dma_start3A_1198 = tpu.memref_slice %dma_start3A_1196[%scan3A_158, %dma_start3A_1197] : memref<2x128xi32, #tpu.memory_space<vmem>> -> memref<1x128xi32, #tpu.memory_space<vmem>>
        %dma_start3A_1199 = tpu.memref_squeeze %dma_start3A_1198 : memref<1x128xi32, #tpu.memory_space<vmem>> -> memref<128xi32, #tpu.memory_space<vmem>>
        %dma_start3A_1200 = arith.constant 0 : i32
        %dma_start3A_1201 = arith.constant 0 : i32
        %dma_start3A_1202 = tpu.memref_slice %arg17[%dma_start3A_1200, %dma_start3A_1201] : memref<10000x128xf32, #tpu.memory_space<vmem_shared>> -> memref<10000x128xf32, #tpu.memory_space<vmem_shared>>
        tpu.enqueue_indirect_dma source(%arg7 : memref<128x128xf32, #tpu.memory_space<vmem>>) target(%dma_start3A_1202 : memref<10000x128xf32, #tpu.memory_space<vmem_shared>>) offsets(%dma_start3A_1199 : memref<128xi32, #tpu.memory_space<vmem>>) semaphore(%run_scoped3A_1192 : memref<!tpu.dma_semaphore, #tpu.memory_space<semaphore_mem>>) {add = true}
        %dma_wait3A_1203 = arith.constant 0 : i32
        %dma_wait3A_1204 = arith.constant 0 : i32
        %dma_wait3A_1205 = tpu.memref_slice %arg6[%scan3A_157, %dma_wait3A_1203, %dma_wait3A_1204] : memref<4x2x128xi32, #tpu.memory_space<vmem>> -> memref<1x2x128xi32, #tpu.memory_space<vmem>>
        %dma_wait3A_1206 = tpu.memref_squeeze %dma_wait3A_1205 : memref<1x2x128xi32, #tpu.memory_space<vmem>> -> memref<2x128xi32, #tpu.memory_space<vmem>>
        %dma_wait3A_1207 = arith.constant 0 : i32
        %dma_wait3A_1208 = tpu.memref_slice %dma_wait3A_1206[%scan3A_158, %dma_wait3A_1207] : memref<2x128xi32, #tpu.memory_space<vmem>> -> memref<1x128xi32, #tpu.memory_space<vmem>>
        %dma_wait3A_1209 = tpu.memref_squeeze %dma_wait3A_1208 : memref<1x128xi32, #tpu.memory_space<vmem>> -> memref<128xi32, #tpu.memory_space<vmem>>
        %dma_wait3A_1210 = arith.constant 0 : i32
        %dma_wait3A_1211 = arith.constant 0 : i32
        %dma_wait3A_1212 = tpu.memref_slice %arg17[%dma_wait3A_1210, %dma_wait3A_1211] : memref<10000x128xf32, #tpu.memory_space<vmem_shared>> -> memref<10000x128xf32, #tpu.memory_space<vmem_shared>>
        tpu.wait_indirect_dma semaphore(%run_scoped3A_1192 : memref<!tpu.dma_semaphore, #tpu.memory_space<semaphore_mem>>) src(%arg7 : memref<128x128xf32, #tpu.memory_space<vmem>>) dst(%dma_wait3A_1212 : memref<10000x128xf32, #tpu.memory_space<vmem_shared>>)
        tpu.yield
      }) : () -> ()
      %add3A_1034 = arith.constant 3 : i32
      %add3A_1035 = arith.addi %add3A_1003, %add3A_1034 : i32
      %mul3A_1036 = arith.constant 32 : i32
      %mul3A_1037 = arith.muli %add3A_1035, %mul3A_1036 : i32
      %add3A_1038 = arith.addi %add3A, %mul3A_1037 : i32
      %mul3A_1039 = arith.constant 128 : i32
      %mul3A_1040 = arith.muli %add3A_1038, %mul3A_1039 : i32
      %dma_wait3A_1041 = arith.constant 0 : i32
      %dma_wait3A_1042 = arith.constant 0 : i32
      %dma_wait3A_1043 = arith.constant 0 : i32
      %dma_wait3A_1044 = tpu.memref_slice %arg6[%dma_wait3A_1041, %dma_wait3A_1042, %dma_wait3A_1043] : memref<4x2x128xi32, #tpu.memory_space<vmem>> -> memref<1x2x128xi32, #tpu.memory_space<vmem>>
      %dma_wait3A_1045 = tpu.memref_squeeze %dma_wait3A_1044 : memref<1x2x128xi32, #tpu.memory_space<vmem>> -> memref<2x128xi32, #tpu.memory_space<vmem>>
      %dma_wait3A_1046 = arith.constant 0 : i32
      %dma_wait3A_1047 = tpu.memref_slice %arg3[%dma_wait3A_1046, %mul3A_1040] : memref<2x320000xi32, #tpu.memory_space<hbm>> -> memref<2x128xi32, #tpu.memory_space<hbm>>
      %dma_wait3A_1048 = arith.constant 0 : i32
      %dma_wait3A_1049 = arith.constant 0 : i32
      %dma_wait3A_1050 = tpu.memref_slice %arg6[%dma_wait3A_1041, %dma_wait3A_1048, %dma_wait3A_1049] : memref<4x2x128xi32, #tpu.memory_space<vmem>> -> memref<1x2x128xi32, #tpu.memory_space<vmem>>
      %dma_wait3A_1051 = tpu.memref_squeeze %dma_wait3A_1050 : memref<1x2x128xi32, #tpu.memory_space<vmem>> -> memref<2x128xi32, #tpu.memory_space<vmem>>
      %dma_wait3A_1052 = arith.constant 0 : i32
      %dma_wait3A_1053 = tpu.memref_slice %arg3[%dma_wait3A_1052, %mul3A_1040] : memref<2x320000xi32, #tpu.memory_space<hbm>> -> memref<2x128xi32, #tpu.memory_space<hbm>>
      tpu.wait_dma2 semaphore(%arg13 : memref<!tpu.dma_semaphore, #tpu.memory_space<semaphore_mem>>) src(%dma_wait3A_1053 : memref<2x128xi32, #tpu.memory_space<hbm>>) dst(%dma_wait3A_1051 : memref<2x128xi32, #tpu.memory_space<vmem>>)
      %dma_start3A_1054 = arith.constant 0 : i32
      %dma_start3A_1055 = arith.constant 0 : i32
      %dma_start3A_1056 = tpu.memref_slice %arg6[%scan3A_149, %dma_start3A_1054, %dma_start3A_1055] : memref<4x2x128xi32, #tpu.memory_space<vmem>> -> memref<1x2x128xi32, #tpu.memory_space<vmem>>
      %dma_start3A_1057 = tpu.memref_squeeze %dma_start3A_1056 : memref<1x2x128xi32, #tpu.memory_space<vmem>> -> memref<2x128xi32, #tpu.memory_space<vmem>>
      %dma_start3A_1058 = arith.constant 0 : i32
      %dma_start3A_1059 = tpu.memref_slice %dma_start3A_1057[%scan3A_150, %dma_start3A_1058] : memref<2x128xi32, #tpu.memory_space<vmem>> -> memref<1x128xi32, #tpu.memory_space<vmem>>
      %dma_start3A_1060 = tpu.memref_squeeze %dma_start3A_1059 : memref<1x128xi32, #tpu.memory_space<vmem>> -> memref<128xi32, #tpu.memory_space<vmem>>
      %dma_start3A_1061 = arith.constant 0 : i32
      %dma_start3A_1062 = arith.constant 0 : i32
      %dma_start3A_1063 = tpu.memref_slice %arg2[%dma_start3A_1061, %dma_start3A_1062] : memref<10000x128xf32, #tpu.memory_space<hbm>> -> memref<10000x128xf32, #tpu.memory_space<hbm>>
      tpu.enqueue_indirect_dma source(%dma_start3A_1063 : memref<10000x128xf32, #tpu.memory_space<hbm>>) target(%arg7 : memref<128x128xf32, #tpu.memory_space<vmem>>) offsets(%dma_start3A_1060 : memref<128xi32, #tpu.memory_space<vmem>>) semaphore(%arg10 : memref<!tpu.dma_semaphore, #tpu.memory_space<semaphore_mem>>)
      %mul3A_1064 = arith.constant 12 : i32
      %mul3A_1065 = arith.muli %scan3A_423, %mul3A_1064 : i32
      %add3A_1066 = arith.constant 10 : i32
      %add3A_1067 = arith.addi %mul3A_1065, %add3A_1066 : i32
      %add3A_1068 = arith.constant 3 : i32
      %add3A_1069 = arith.addi %add3A_1067, %add3A_1068 : i32
      %mul3A_1070 = arith.constant 32 : i32
      %mul3A_1071 = arith.muli %add3A_1069, %mul3A_1070 : i32
      %add3A_1072 = arith.addi %add3A, %mul3A_1071 : i32
      %mul3A_1073 = arith.constant 128 : i32
      %mul3A_1074 = arith.muli %add3A_1072, %mul3A_1073 : i32
      %dma_start3A_1075 = arith.constant 1 : i32
      %dma_start3A_1076 = arith.constant 0 : i32
      %dma_start3A_1077 = arith.constant 0 : i32
      %dma_start3A_1078 = tpu.memref_slice %arg6[%dma_start3A_1075, %dma_start3A_1076, %dma_start3A_1077] : memref<4x2x128xi32, #tpu.memory_space<vmem>> -> memref<1x2x128xi32, #tpu.memory_space<vmem>>
      %dma_start3A_1079 = tpu.memref_squeeze %dma_start3A_1078 : memref<1x2x128xi32, #tpu.memory_space<vmem>> -> memref<2x128xi32, #tpu.memory_space<vmem>>
      %dma_start3A_1080 = arith.constant 0 : i32
      %dma_start3A_1081 = tpu.memref_slice %arg3[%dma_start3A_1080, %mul3A_1074] : memref<2x320000xi32, #tpu.memory_space<hbm>> -> memref<2x128xi32, #tpu.memory_space<hbm>>
      %dma_start3A_1082 = arith.constant 0 : i32
      %dma_start3A_1083 = arith.constant 0 : i32
      %dma_start3A_1084 = tpu.memref_slice %arg6[%dma_start3A_1075, %dma_start3A_1082, %dma_start3A_1083] : memref<4x2x128xi32, #tpu.memory_space<vmem>> -> memref<1x2x128xi32, #tpu.memory_space<vmem>>
      %dma_start3A_1085 = tpu.memref_squeeze %dma_start3A_1084 : memref<1x2x128xi32, #tpu.memory_space<vmem>> -> memref<2x128xi32, #tpu.memory_space<vmem>>
      %dma_start3A_1086 = arith.constant 0 : i32
      %dma_start3A_1087 = tpu.memref_slice %arg3[%dma_start3A_1086, %mul3A_1074] : memref<2x320000xi32, #tpu.memory_space<hbm>> -> memref<2x128xi32, #tpu.memory_space<hbm>>
      tpu.enqueue_dma source(%dma_start3A_1087 : memref<2x128xi32, #tpu.memory_space<hbm>>) target(%dma_start3A_1085 : memref<2x128xi32, #tpu.memory_space<vmem>>) target_semaphore(%arg14 : memref<!tpu.dma_semaphore, #tpu.memory_space<semaphore_mem>>)
      %dma_wait3A_1088 = arith.constant 0 : i32
      %dma_wait3A_1089 = arith.constant 0 : i32
      %dma_wait3A_1090 = tpu.memref_slice %arg6[%scan3A_159, %dma_wait3A_1088, %dma_wait3A_1089] : memref<4x2x128xi32, #tpu.memory_space<vmem>> -> memref<1x2x128xi32, #tpu.memory_space<vmem>>
      %dma_wait3A_1091 = tpu.memref_squeeze %dma_wait3A_1090 : memref<1x2x128xi32, #tpu.memory_space<vmem>> -> memref<2x128xi32, #tpu.memory_space<vmem>>
      %dma_wait3A_1092 = arith.constant 0 : i32
      %dma_wait3A_1093 = tpu.memref_slice %dma_wait3A_1091[%scan3A_160, %dma_wait3A_1092] : memref<2x128xi32, #tpu.memory_space<vmem>> -> memref<1x128xi32, #tpu.memory_space<vmem>>
      %dma_wait3A_1094 = tpu.memref_squeeze %dma_wait3A_1093 : memref<1x128xi32, #tpu.memory_space<vmem>> -> memref<128xi32, #tpu.memory_space<vmem>>
      %dma_wait3A_1095 = arith.constant 0 : i32
      %dma_wait3A_1096 = arith.constant 0 : i32
      %dma_wait3A_1097 = tpu.memref_slice %arg2[%dma_wait3A_1095, %dma_wait3A_1096] : memref<10000x128xf32, #tpu.memory_space<hbm>> -> memref<10000x128xf32, #tpu.memory_space<hbm>>
      tpu.wait_indirect_dma semaphore(%arg11 : memref<!tpu.dma_semaphore, #tpu.memory_space<semaphore_mem>>) src(%dma_wait3A_1097 : memref<10000x128xf32, #tpu.memory_space<hbm>>) dst(%arg8 : memref<128x128xf32, #tpu.memory_space<vmem>>)
      "tpu.region"() ({
        %run_scoped3A_1192 = tpu.sem_alloc : memref<!tpu.dma_semaphore, #tpu.memory_space<semaphore_mem>>
        %dma_start3A_1193 = arith.constant 0 : i32
        %dma_start3A_1194 = arith.constant 0 : i32
        %dma_start3A_1195 = tpu.memref_slice %arg6[%scan3A_161, %dma_start3A_1193, %dma_start3A_1194] : memref<4x2x128xi32, #tpu.memory_space<vmem>> -> memref<1x2x128xi32, #tpu.memory_space<vmem>>
        %dma_start3A_1196 = tpu.memref_squeeze %dma_start3A_1195 : memref<1x2x128xi32, #tpu.memory_space<vmem>> -> memref<2x128xi32, #tpu.memory_space<vmem>>
        %dma_start3A_1197 = arith.constant 0 : i32
        %dma_start3A_1198 = tpu.memref_slice %dma_start3A_1196[%scan3A_162, %dma_start3A_1197] : memref<2x128xi32, #tpu.memory_space<vmem>> -> memref<1x128xi32, #tpu.memory_space<vmem>>
        %dma_start3A_1199 = tpu.memref_squeeze %dma_start3A_1198 : memref<1x128xi32, #tpu.memory_space<vmem>> -> memref<128xi32, #tpu.memory_space<vmem>>
        %dma_start3A_1200 = arith.constant 0 : i32
        %dma_start3A_1201 = arith.constant 0 : i32
        %dma_start3A_1202 = tpu.memref_slice %arg17[%dma_start3A_1200, %dma_start3A_1201] : memref<10000x128xf32, #tpu.memory_space<vmem_shared>> -> memref<10000x128xf32, #tpu.memory_space<vmem_shared>>
        tpu.enqueue_indirect_dma source(%arg8 : memref<128x128xf32, #tpu.memory_space<vmem>>) target(%dma_start3A_1202 : memref<10000x128xf32, #tpu.memory_space<vmem_shared>>) offsets(%dma_start3A_1199 : memref<128xi32, #tpu.memory_space<vmem>>) semaphore(%run_scoped3A_1192 : memref<!tpu.dma_semaphore, #tpu.memory_space<semaphore_mem>>) {add = true}
        %dma_wait3A_1203 = arith.constant 0 : i32
        %dma_wait3A_1204 = arith.constant 0 : i32
        %dma_wait3A_1205 = tpu.memref_slice %arg6[%scan3A_161, %dma_wait3A_1203, %dma_wait3A_1204] : memref<4x2x128xi32, #tpu.memory_space<vmem>> -> memref<1x2x128xi32, #tpu.memory_space<vmem>>
        %dma_wait3A_1206 = tpu.memref_squeeze %dma_wait3A_1205 : memref<1x2x128xi32, #tpu.memory_space<vmem>> -> memref<2x128xi32, #tpu.memory_space<vmem>>
        %dma_wait3A_1207 = arith.constant 0 : i32
        %dma_wait3A_1208 = tpu.memref_slice %dma_wait3A_1206[%scan3A_162, %dma_wait3A_1207] : memref<2x128xi32, #tpu.memory_space<vmem>> -> memref<1x128xi32, #tpu.memory_space<vmem>>
        %dma_wait3A_1209 = tpu.memref_squeeze %dma_wait3A_1208 : memref<1x128xi32, #tpu.memory_space<vmem>> -> memref<128xi32, #tpu.memory_space<vmem>>
        %dma_wait3A_1210 = arith.constant 0 : i32
        %dma_wait3A_1211 = arith.constant 0 : i32
        %dma_wait3A_1212 = tpu.memref_slice %arg17[%dma_wait3A_1210, %dma_wait3A_1211] : memref<10000x128xf32, #tpu.memory_space<vmem_shared>> -> memref<10000x128xf32, #tpu.memory_space<vmem_shared>>
        tpu.wait_indirect_dma semaphore(%run_scoped3A_1192 : memref<!tpu.dma_semaphore, #tpu.memory_space<semaphore_mem>>) src(%arg8 : memref<128x128xf32, #tpu.memory_space<vmem>>) dst(%dma_wait3A_1212 : memref<10000x128xf32, #tpu.memory_space<vmem_shared>>)
        tpu.yield
      }) : () -> ()
      %add3A_1098 = arith.constant 3 : i32
      %add3A_1099 = arith.addi %add3A_1067, %add3A_1098 : i32
      %mul3A_1100 = arith.constant 32 : i32
      %mul3A_1101 = arith.muli %add3A_1099, %mul3A_1100 : i32
      %add3A_1102 = arith.addi %add3A, %mul3A_1101 : i32
      %mul3A_1103 = arith.constant 128 : i32
      %mul3A_1104 = arith.muli %add3A_1102, %mul3A_1103 : i32
      %dma_wait3A_1105 = arith.constant 1 : i32
      %dma_wait3A_1106 = arith.constant 0 : i32
      %dma_wait3A_1107 = arith.constant 0 : i32
      %dma_wait3A_1108 = tpu.memref_slice %arg6[%dma_wait3A_1105, %dma_wait3A_1106, %dma_wait3A_1107] : memref<4x2x128xi32, #tpu.memory_space<vmem>> -> memref<1x2x128xi32, #tpu.memory_space<vmem>>
      %dma_wait3A_1109 = tpu.memref_squeeze %dma_wait3A_1108 : memref<1x2x128xi32, #tpu.memory_space<vmem>> -> memref<2x128xi32, #tpu.memory_space<vmem>>
      %dma_wait3A_1110 = arith.constant 0 : i32
      %dma_wait3A_1111 = tpu.memref_slice %arg3[%dma_wait3A_1110, %mul3A_1104] : memref<2x320000xi32, #tpu.memory_space<hbm>> -> memref<2x128xi32, #tpu.memory_space<hbm>>
      %dma_wait3A_1112 = arith.constant 0 : i32
      %dma_wait3A_1113 = arith.constant 0 : i32
      %dma_wait3A_1114 = tpu.memref_slice %arg6[%dma_wait3A_1105, %dma_wait3A_1112, %dma_wait3A_1113] : memref<4x2x128xi32, #tpu.memory_space<vmem>> -> memref<1x2x128xi32, #tpu.memory_space<vmem>>
      %dma_wait3A_1115 = tpu.memref_squeeze %dma_wait3A_1114 : memref<1x2x128xi32, #tpu.memory_space<vmem>> -> memref<2x128xi32, #tpu.memory_space<vmem>>
      %dma_wait3A_1116 = arith.constant 0 : i32
      %dma_wait3A_1117 = tpu.memref_slice %arg3[%dma_wait3A_1116, %mul3A_1104] : memref<2x320000xi32, #tpu.memory_space<hbm>> -> memref<2x128xi32, #tpu.memory_space<hbm>>
      tpu.wait_dma2 semaphore(%arg14 : memref<!tpu.dma_semaphore, #tpu.memory_space<semaphore_mem>>) src(%dma_wait3A_1117 : memref<2x128xi32, #tpu.memory_space<hbm>>) dst(%dma_wait3A_1115 : memref<2x128xi32, #tpu.memory_space<vmem>>)
      %dma_start3A_1118 = arith.constant 0 : i32
      %dma_start3A_1119 = arith.constant 0 : i32
      %dma_start3A_1120 = tpu.memref_slice %arg6[%scan3A_155, %dma_start3A_1118, %dma_start3A_1119] : memref<4x2x128xi32, #tpu.memory_space<vmem>> -> memref<1x2x128xi32, #tpu.memory_space<vmem>>
      %dma_start3A_1121 = tpu.memref_squeeze %dma_start3A_1120 : memref<1x2x128xi32, #tpu.memory_space<vmem>> -> memref<2x128xi32, #tpu.memory_space<vmem>>
      %dma_start3A_1122 = arith.constant 0 : i32
      %dma_start3A_1123 = tpu.memref_slice %dma_start3A_1121[%scan3A_156, %dma_start3A_1122] : memref<2x128xi32, #tpu.memory_space<vmem>> -> memref<1x128xi32, #tpu.memory_space<vmem>>
      %dma_start3A_1124 = tpu.memref_squeeze %dma_start3A_1123 : memref<1x128xi32, #tpu.memory_space<vmem>> -> memref<128xi32, #tpu.memory_space<vmem>>
      %dma_start3A_1125 = arith.constant 0 : i32
      %dma_start3A_1126 = arith.constant 0 : i32
      %dma_start3A_1127 = tpu.memref_slice %arg2[%dma_start3A_1125, %dma_start3A_1126] : memref<10000x128xf32, #tpu.memory_space<hbm>> -> memref<10000x128xf32, #tpu.memory_space<hbm>>
      tpu.enqueue_indirect_dma source(%dma_start3A_1127 : memref<10000x128xf32, #tpu.memory_space<hbm>>) target(%arg8 : memref<128x128xf32, #tpu.memory_space<vmem>>) offsets(%dma_start3A_1124 : memref<128xi32, #tpu.memory_space<vmem>>) semaphore(%arg11 : memref<!tpu.dma_semaphore, #tpu.memory_space<semaphore_mem>>)
      %mul3A_1128 = arith.constant 12 : i32
      %mul3A_1129 = arith.muli %scan3A_423, %mul3A_1128 : i32
      %add3A_1130 = arith.constant 11 : i32
      %add3A_1131 = arith.addi %mul3A_1129, %add3A_1130 : i32
      %add3A_1132 = arith.constant 3 : i32
      %add3A_1133 = arith.addi %add3A_1131, %add3A_1132 : i32
      %mul3A_1134 = arith.constant 32 : i32
      %mul3A_1135 = arith.muli %add3A_1133, %mul3A_1134 : i32
      %add3A_1136 = arith.addi %add3A, %mul3A_1135 : i32
      %mul3A_1137 = arith.constant 128 : i32
      %mul3A_1138 = arith.muli %add3A_1136, %mul3A_1137 : i32
      %dma_start3A_1139 = arith.constant 2 : i32
      %dma_start3A_1140 = arith.constant 0 : i32
      %dma_start3A_1141 = arith.constant 0 : i32
      %dma_start3A_1142 = tpu.memref_slice %arg6[%dma_start3A_1139, %dma_start3A_1140, %dma_start3A_1141] : memref<4x2x128xi32, #tpu.memory_space<vmem>> -> memref<1x2x128xi32, #tpu.memory_space<vmem>>
      %dma_start3A_1143 = tpu.memref_squeeze %dma_start3A_1142 : memref<1x2x128xi32, #tpu.memory_space<vmem>> -> memref<2x128xi32, #tpu.memory_space<vmem>>
      %dma_start3A_1144 = arith.constant 0 : i32
      %dma_start3A_1145 = tpu.memref_slice %arg3[%dma_start3A_1144, %mul3A_1138] : memref<2x320000xi32, #tpu.memory_space<hbm>> -> memref<2x128xi32, #tpu.memory_space<hbm>>
      %dma_start3A_1146 = arith.constant 0 : i32
      %dma_start3A_1147 = arith.constant 0 : i32
      %dma_start3A_1148 = tpu.memref_slice %arg6[%dma_start3A_1139, %dma_start3A_1146, %dma_start3A_1147] : memref<4x2x128xi32, #tpu.memory_space<vmem>> -> memref<1x2x128xi32, #tpu.memory_space<vmem>>
      %dma_start3A_1149 = tpu.memref_squeeze %dma_start3A_1148 : memref<1x2x128xi32, #tpu.memory_space<vmem>> -> memref<2x128xi32, #tpu.memory_space<vmem>>
      %dma_start3A_1150 = arith.constant 0 : i32
      %dma_start3A_1151 = tpu.memref_slice %arg3[%dma_start3A_1150, %mul3A_1138] : memref<2x320000xi32, #tpu.memory_space<hbm>> -> memref<2x128xi32, #tpu.memory_space<hbm>>
      tpu.enqueue_dma source(%dma_start3A_1151 : memref<2x128xi32, #tpu.memory_space<hbm>>) target(%dma_start3A_1149 : memref<2x128xi32, #tpu.memory_space<vmem>>) target_semaphore(%arg15 : memref<!tpu.dma_semaphore, #tpu.memory_space<semaphore_mem>>)
      %dma_wait3A_1152 = arith.constant 0 : i32
      %dma_wait3A_1153 = arith.constant 0 : i32
      %dma_wait3A_1154 = tpu.memref_slice %arg6[%scan3A_153, %dma_wait3A_1152, %dma_wait3A_1153] : memref<4x2x128xi32, #tpu.memory_space<vmem>> -> memref<1x2x128xi32, #tpu.memory_space<vmem>>
      %dma_wait3A_1155 = tpu.memref_squeeze %dma_wait3A_1154 : memref<1x2x128xi32, #tpu.memory_space<vmem>> -> memref<2x128xi32, #tpu.memory_space<vmem>>
      %dma_wait3A_1156 = arith.constant 0 : i32
      %dma_wait3A_1157 = tpu.memref_slice %dma_wait3A_1155[%scan3A_154, %dma_wait3A_1156] : memref<2x128xi32, #tpu.memory_space<vmem>> -> memref<1x128xi32, #tpu.memory_space<vmem>>
      %dma_wait3A_1158 = tpu.memref_squeeze %dma_wait3A_1157 : memref<1x128xi32, #tpu.memory_space<vmem>> -> memref<128xi32, #tpu.memory_space<vmem>>
      %dma_wait3A_1159 = arith.constant 0 : i32
      %dma_wait3A_1160 = arith.constant 0 : i32
      %dma_wait3A_1161 = tpu.memref_slice %arg2[%dma_wait3A_1159, %dma_wait3A_1160] : memref<10000x128xf32, #tpu.memory_space<hbm>> -> memref<10000x128xf32, #tpu.memory_space<hbm>>
      tpu.wait_indirect_dma semaphore(%arg12 : memref<!tpu.dma_semaphore, #tpu.memory_space<semaphore_mem>>) src(%dma_wait3A_1161 : memref<10000x128xf32, #tpu.memory_space<hbm>>) dst(%arg9 : memref<128x128xf32, #tpu.memory_space<vmem>>)
      "tpu.region"() ({
        %run_scoped3A_1192 = tpu.sem_alloc : memref<!tpu.dma_semaphore, #tpu.memory_space<semaphore_mem>>
        %dma_start3A_1193 = arith.constant 0 : i32
        %dma_start3A_1194 = arith.constant 0 : i32
        %dma_start3A_1195 = tpu.memref_slice %arg6[%scan3A_163, %dma_start3A_1193, %dma_start3A_1194] : memref<4x2x128xi32, #tpu.memory_space<vmem>> -> memref<1x2x128xi32, #tpu.memory_space<vmem>>
        %dma_start3A_1196 = tpu.memref_squeeze %dma_start3A_1195 : memref<1x2x128xi32, #tpu.memory_space<vmem>> -> memref<2x128xi32, #tpu.memory_space<vmem>>
        %dma_start3A_1197 = arith.constant 0 : i32
        %dma_start3A_1198 = tpu.memref_slice %dma_start3A_1196[%scan3A_164, %dma_start3A_1197] : memref<2x128xi32, #tpu.memory_space<vmem>> -> memref<1x128xi32, #tpu.memory_space<vmem>>
        %dma_start3A_1199 = tpu.memref_squeeze %dma_start3A_1198 : memref<1x128xi32, #tpu.memory_space<vmem>> -> memref<128xi32, #tpu.memory_space<vmem>>
        %dma_start3A_1200 = arith.constant 0 : i32
        %dma_start3A_1201 = arith.constant 0 : i32
        %dma_start3A_1202 = tpu.memref_slice %arg17[%dma_start3A_1200, %dma_start3A_1201] : memref<10000x128xf32, #tpu.memory_space<vmem_shared>> -> memref<10000x128xf32, #tpu.memory_space<vmem_shared>>
        tpu.enqueue_indirect_dma source(%arg9 : memref<128x128xf32, #tpu.memory_space<vmem>>) target(%dma_start3A_1202 : memref<10000x128xf32, #tpu.memory_space<vmem_shared>>) offsets(%dma_start3A_1199 : memref<128xi32, #tpu.memory_space<vmem>>) semaphore(%run_scoped3A_1192 : memref<!tpu.dma_semaphore, #tpu.memory_space<semaphore_mem>>) {add = true}
        %dma_wait3A_1203 = arith.constant 0 : i32
        %dma_wait3A_1204 = arith.constant 0 : i32
        %dma_wait3A_1205 = tpu.memref_slice %arg6[%scan3A_163, %dma_wait3A_1203, %dma_wait3A_1204] : memref<4x2x128xi32, #tpu.memory_space<vmem>> -> memref<1x2x128xi32, #tpu.memory_space<vmem>>
        %dma_wait3A_1206 = tpu.memref_squeeze %dma_wait3A_1205 : memref<1x2x128xi32, #tpu.memory_space<vmem>> -> memref<2x128xi32, #tpu.memory_space<vmem>>
        %dma_wait3A_1207 = arith.constant 0 : i32
        %dma_wait3A_1208 = tpu.memref_slice %dma_wait3A_1206[%scan3A_164, %dma_wait3A_1207] : memref<2x128xi32, #tpu.memory_space<vmem>> -> memref<1x128xi32, #tpu.memory_space<vmem>>
        %dma_wait3A_1209 = tpu.memref_squeeze %dma_wait3A_1208 : memref<1x128xi32, #tpu.memory_space<vmem>> -> memref<128xi32, #tpu.memory_space<vmem>>
        %dma_wait3A_1210 = arith.constant 0 : i32
        %dma_wait3A_1211 = arith.constant 0 : i32
        %dma_wait3A_1212 = tpu.memref_slice %arg17[%dma_wait3A_1210, %dma_wait3A_1211] : memref<10000x128xf32, #tpu.memory_space<vmem_shared>> -> memref<10000x128xf32, #tpu.memory_space<vmem_shared>>
        tpu.wait_indirect_dma semaphore(%run_scoped3A_1192 : memref<!tpu.dma_semaphore, #tpu.memory_space<semaphore_mem>>) src(%arg9 : memref<128x128xf32, #tpu.memory_space<vmem>>) dst(%dma_wait3A_1212 : memref<10000x128xf32, #tpu.memory_space<vmem_shared>>)
        tpu.yield
      }) : () -> ()
      %add3A_1162 = arith.constant 3 : i32
      %add3A_1163 = arith.addi %add3A_1131, %add3A_1162 : i32
      %mul3A_1164 = arith.constant 32 : i32
      %mul3A_1165 = arith.muli %add3A_1163, %mul3A_1164 : i32
      %add3A_1166 = arith.addi %add3A, %mul3A_1165 : i32
      %mul3A_1167 = arith.constant 128 : i32
      %mul3A_1168 = arith.muli %add3A_1166, %mul3A_1167 : i32
      %dma_wait3A_1169 = arith.constant 2 : i32
      %dma_wait3A_1170 = arith.constant 0 : i32
      %dma_wait3A_1171 = arith.constant 0 : i32
      %dma_wait3A_1172 = tpu.memref_slice %arg6[%dma_wait3A_1169, %dma_wait3A_1170, %dma_wait3A_1171] : memref<4x2x128xi32, #tpu.memory_space<vmem>> -> memref<1x2x128xi32, #tpu.memory_space<vmem>>
      %dma_wait3A_1173 = tpu.memref_squeeze %dma_wait3A_1172 : memref<1x2x128xi32, #tpu.memory_space<vmem>> -> memref<2x128xi32, #tpu.memory_space<vmem>>
      %dma_wait3A_1174 = arith.constant 0 : i32
      %dma_wait3A_1175 = tpu.memref_slice %arg3[%dma_wait3A_1174, %mul3A_1168] : memref<2x320000xi32, #tpu.memory_space<hbm>> -> memref<2x128xi32, #tpu.memory_space<hbm>>
      %dma_wait3A_1176 = arith.constant 0 : i32
      %dma_wait3A_1177 = arith.constant 0 : i32
      %dma_wait3A_1178 = tpu.memref_slice %arg6[%dma_wait3A_1169, %dma_wait3A_1176, %dma_wait3A_1177] : memref<4x2x128xi32, #tpu.memory_space<vmem>> -> memref<1x2x128xi32, #tpu.memory_space<vmem>>
      %dma_wait3A_1179 = tpu.memref_squeeze %dma_wait3A_1178 : memref<1x2x128xi32, #tpu.memory_space<vmem>> -> memref<2x128xi32, #tpu.memory_space<vmem>>
      %dma_wait3A_1180 = arith.constant 0 : i32
      %dma_wait3A_1181 = tpu.memref_slice %arg3[%dma_wait3A_1180, %mul3A_1168] : memref<2x320000xi32, #tpu.memory_space<hbm>> -> memref<2x128xi32, #tpu.memory_space<hbm>>
      tpu.wait_dma2 semaphore(%arg15 : memref<!tpu.dma_semaphore, #tpu.memory_space<semaphore_mem>>) src(%dma_wait3A_1181 : memref<2x128xi32, #tpu.memory_space<hbm>>) dst(%dma_wait3A_1179 : memref<2x128xi32, #tpu.memory_space<vmem>>)
      %dma_start3A_1182 = arith.constant 0 : i32
      %dma_start3A_1183 = arith.constant 0 : i32
      %dma_start3A_1184 = tpu.memref_slice %arg6[%scan3A_159, %dma_start3A_1182, %dma_start3A_1183] : memref<4x2x128xi32, #tpu.memory_space<vmem>> -> memref<1x2x128xi32, #tpu.memory_space<vmem>>
      %dma_start3A_1185 = tpu.memref_squeeze %dma_start3A_1184 : memref<1x2x128xi32, #tpu.memory_space<vmem>> -> memref<2x128xi32, #tpu.memory_space<vmem>>
      %dma_start3A_1186 = arith.constant 0 : i32
      %dma_start3A_1187 = tpu.memref_slice %dma_start3A_1185[%scan3A_160, %dma_start3A_1186] : memref<2x128xi32, #tpu.memory_space<vmem>> -> memref<1x128xi32, #tpu.memory_space<vmem>>
      %dma_start3A_1188 = tpu.memref_squeeze %dma_start3A_1187 : memref<1x128xi32, #tpu.memory_space<vmem>> -> memref<128xi32, #tpu.memory_space<vmem>>
      %dma_start3A_1189 = arith.constant 0 : i32
      %dma_start3A_1190 = arith.constant 0 : i32
      %dma_start3A_1191 = tpu.memref_slice %arg2[%dma_start3A_1189, %dma_start3A_1190] : memref<10000x128xf32, #tpu.memory_space<hbm>> -> memref<10000x128xf32, #tpu.memory_space<hbm>>
      tpu.enqueue_indirect_dma source(%dma_start3A_1191 : memref<10000x128xf32, #tpu.memory_space<hbm>>) target(%arg9 : memref<128x128xf32, #tpu.memory_space<vmem>>) offsets(%dma_start3A_1188 : memref<128xi32, #tpu.memory_space<vmem>>) semaphore(%arg12 : memref<!tpu.dma_semaphore, #tpu.memory_space<semaphore_mem>>)
    }
    %scan3A_169 = arith.constant 6 : i32
    %dma_wait3A_170 = arith.constant 0 : i32
    %dma_wait3A_171 = arith.constant 0 : i32
    %dma_wait3A_172 = arith.constant 0 : i32
    %dma_wait3A_173 = arith.constant 0 : i32
    %dma_wait3A_174 = tpu.memref_slice %arg6[%dma_wait3A_170, %dma_wait3A_172, %dma_wait3A_173] : memref<4x2x128xi32, #tpu.memory_space<vmem>> -> memref<1x2x128xi32, #tpu.memory_space<vmem>>
    %dma_wait3A_175 = tpu.memref_squeeze %dma_wait3A_174 : memref<1x2x128xi32, #tpu.memory_space<vmem>> -> memref<2x128xi32, #tpu.memory_space<vmem>>
    %dma_wait3A_176 = arith.constant 0 : i32
    %dma_wait3A_177 = tpu.memref_slice %dma_wait3A_175[%dma_wait3A_171, %dma_wait3A_176] : memref<2x128xi32, #tpu.memory_space<vmem>> -> memref<1x128xi32, #tpu.memory_space<vmem>>
    %dma_wait3A_178 = tpu.memref_squeeze %dma_wait3A_177 : memref<1x128xi32, #tpu.memory_space<vmem>> -> memref<128xi32, #tpu.memory_space<vmem>>
    %dma_wait3A_179 = arith.constant 0 : i32
    %dma_wait3A_180 = arith.constant 0 : i32
    %dma_wait3A_181 = tpu.memref_slice %arg2[%dma_wait3A_179, %dma_wait3A_180] : memref<10000x128xf32, #tpu.memory_space<hbm>> -> memref<10000x128xf32, #tpu.memory_space<hbm>>
    tpu.wait_indirect_dma semaphore(%arg10 : memref<!tpu.dma_semaphore, #tpu.memory_space<semaphore_mem>>) src(%dma_wait3A_181 : memref<10000x128xf32, #tpu.memory_space<hbm>>) dst(%arg7 : memref<128x128xf32, #tpu.memory_space<vmem>>)
    %run_scoped3A = arith.constant 0 : i32
    %run_scoped3A_182 = arith.constant 1 : i32
    "tpu.region"() ({
      %run_scoped3A_423 = tpu.sem_alloc : memref<!tpu.dma_semaphore, #tpu.memory_space<semaphore_mem>>
      %dma_start3A_424 = arith.constant 0 : i32
      %dma_start3A_425 = arith.constant 0 : i32
      %dma_start3A_426 = tpu.memref_slice %arg6[%run_scoped3A, %dma_start3A_424, %dma_start3A_425] : memref<4x2x128xi32, #tpu.memory_space<vmem>> -> memref<1x2x128xi32, #tpu.memory_space<vmem>>
      %dma_start3A_427 = tpu.memref_squeeze %dma_start3A_426 : memref<1x2x128xi32, #tpu.memory_space<vmem>> -> memref<2x128xi32, #tpu.memory_space<vmem>>
      %dma_start3A_428 = arith.constant 0 : i32
      %dma_start3A_429 = tpu.memref_slice %dma_start3A_427[%run_scoped3A_182, %dma_start3A_428] : memref<2x128xi32, #tpu.memory_space<vmem>> -> memref<1x128xi32, #tpu.memory_space<vmem>>
      %dma_start3A_430 = tpu.memref_squeeze %dma_start3A_429 : memref<1x128xi32, #tpu.memory_space<vmem>> -> memref<128xi32, #tpu.memory_space<vmem>>
      %dma_start3A_431 = arith.constant 0 : i32
      %dma_start3A_432 = arith.constant 0 : i32
      %dma_start3A_433 = tpu.memref_slice %arg17[%dma_start3A_431, %dma_start3A_432] : memref<10000x128xf32, #tpu.memory_space<vmem_shared>> -> memref<10000x128xf32, #tpu.memory_space<vmem_shared>>
      tpu.enqueue_indirect_dma source(%arg7 : memref<128x128xf32, #tpu.memory_space<vmem>>) target(%dma_start3A_433 : memref<10000x128xf32, #tpu.memory_space<vmem_shared>>) offsets(%dma_start3A_430 : memref<128xi32, #tpu.memory_space<vmem>>) semaphore(%run_scoped3A_423 : memref<!tpu.dma_semaphore, #tpu.memory_space<semaphore_mem>>) {add = true}
      %dma_wait3A_434 = arith.constant 0 : i32
      %dma_wait3A_435 = arith.constant 0 : i32
      %dma_wait3A_436 = tpu.memref_slice %arg6[%run_scoped3A, %dma_wait3A_434, %dma_wait3A_435] : memref<4x2x128xi32, #tpu.memory_space<vmem>> -> memref<1x2x128xi32, #tpu.memory_space<vmem>>
      %dma_wait3A_437 = tpu.memref_squeeze %dma_wait3A_436 : memref<1x2x128xi32, #tpu.memory_space<vmem>> -> memref<2x128xi32, #tpu.memory_space<vmem>>
      %dma_wait3A_438 = arith.constant 0 : i32
      %dma_wait3A_439 = tpu.memref_slice %dma_wait3A_437[%run_scoped3A_182, %dma_wait3A_438] : memref<2x128xi32, #tpu.memory_space<vmem>> -> memref<1x128xi32, #tpu.memory_space<vmem>>
      %dma_wait3A_440 = tpu.memref_squeeze %dma_wait3A_439 : memref<1x128xi32, #tpu.memory_space<vmem>> -> memref<128xi32, #tpu.memory_space<vmem>>
      %dma_wait3A_441 = arith.constant 0 : i32
      %dma_wait3A_442 = arith.constant 0 : i32
      %dma_wait3A_443 = tpu.memref_slice %arg17[%dma_wait3A_441, %dma_wait3A_442] : memref<10000x128xf32, #tpu.memory_space<vmem_shared>> -> memref<10000x128xf32, #tpu.memory_space<vmem_shared>>
      tpu.wait_indirect_dma semaphore(%run_scoped3A_423 : memref<!tpu.dma_semaphore, #tpu.memory_space<semaphore_mem>>) src(%arg7 : memref<128x128xf32, #tpu.memory_space<vmem>>) dst(%dma_wait3A_443 : memref<10000x128xf32, #tpu.memory_space<vmem_shared>>)
      tpu.yield
    }) : () -> ()
    %add3A_183 = arith.constant 2400 : i32
    %add3A_184 = arith.addi %add3A, %add3A_183 : i32
    %mul3A_185 = arith.constant 128 : i32
    %mul3A_186 = arith.muli %add3A_184, %mul3A_185 : i32
    %dma_start3A_187 = arith.constant 3 : i32
    %dma_start3A_188 = arith.constant 0 : i32
    %dma_start3A_189 = arith.constant 0 : i32
    %dma_start3A_190 = tpu.memref_slice %arg6[%dma_start3A_187, %dma_start3A_188, %dma_start3A_189] : memref<4x2x128xi32, #tpu.memory_space<vmem>> -> memref<1x2x128xi32, #tpu.memory_space<vmem>>
    %dma_start3A_191 = tpu.memref_squeeze %dma_start3A_190 : memref<1x2x128xi32, #tpu.memory_space<vmem>> -> memref<2x128xi32, #tpu.memory_space<vmem>>
    %dma_start3A_192 = arith.constant 0 : i32
    %dma_start3A_193 = tpu.memref_slice %arg3[%dma_start3A_192, %mul3A_186] : memref<2x320000xi32, #tpu.memory_space<hbm>> -> memref<2x128xi32, #tpu.memory_space<hbm>>
    %dma_start3A_194 = arith.constant 0 : i32
    %dma_start3A_195 = arith.constant 0 : i32
    %dma_start3A_196 = tpu.memref_slice %arg6[%dma_start3A_187, %dma_start3A_194, %dma_start3A_195] : memref<4x2x128xi32, #tpu.memory_space<vmem>> -> memref<1x2x128xi32, #tpu.memory_space<vmem>>
    %dma_start3A_197 = tpu.memref_squeeze %dma_start3A_196 : memref<1x2x128xi32, #tpu.memory_space<vmem>> -> memref<2x128xi32, #tpu.memory_space<vmem>>
    %dma_start3A_198 = arith.constant 0 : i32
    %dma_start3A_199 = tpu.memref_slice %arg3[%dma_start3A_198, %mul3A_186] : memref<2x320000xi32, #tpu.memory_space<hbm>> -> memref<2x128xi32, #tpu.memory_space<hbm>>
    tpu.enqueue_dma source(%dma_start3A_199 : memref<2x128xi32, #tpu.memory_space<hbm>>) target(%dma_start3A_197 : memref<2x128xi32, #tpu.memory_space<vmem>>) target_semaphore(%arg16 : memref<!tpu.dma_semaphore, #tpu.memory_space<semaphore_mem>>)
    %add3A_200 = arith.constant 2400 : i32
    %add3A_201 = arith.addi %add3A, %add3A_200 : i32
    %mul3A_202 = arith.constant 128 : i32
    %mul3A_203 = arith.muli %add3A_201, %mul3A_202 : i32
    %dma_wait3A_204 = arith.constant 3 : i32
    %dma_wait3A_205 = arith.constant 0 : i32
    %dma_wait3A_206 = arith.constant 0 : i32
    %dma_wait3A_207 = tpu.memref_slice %arg6[%dma_wait3A_204, %dma_wait3A_205, %dma_wait3A_206] : memref<4x2x128xi32, #tpu.memory_space<vmem>> -> memref<1x2x128xi32, #tpu.memory_space<vmem>>
    %dma_wait3A_208 = tpu.memref_squeeze %dma_wait3A_207 : memref<1x2x128xi32, #tpu.memory_space<vmem>> -> memref<2x128xi32, #tpu.memory_space<vmem>>
    %dma_wait3A_209 = arith.constant 0 : i32
    %dma_wait3A_210 = tpu.memref_slice %arg3[%dma_wait3A_209, %mul3A_203] : memref<2x320000xi32, #tpu.memory_space<hbm>> -> memref<2x128xi32, #tpu.memory_space<hbm>>
    %dma_wait3A_211 = arith.constant 0 : i32
    %dma_wait3A_212 = arith.constant 0 : i32
    %dma_wait3A_213 = tpu.memref_slice %arg6[%dma_wait3A_204, %dma_wait3A_211, %dma_wait3A_212] : memref<4x2x128xi32, #tpu.memory_space<vmem>> -> memref<1x2x128xi32, #tpu.memory_space<vmem>>
    %dma_wait3A_214 = tpu.memref_squeeze %dma_wait3A_213 : memref<1x2x128xi32, #tpu.memory_space<vmem>> -> memref<2x128xi32, #tpu.memory_space<vmem>>
    %dma_wait3A_215 = arith.constant 0 : i32
    %dma_wait3A_216 = tpu.memref_slice %arg3[%dma_wait3A_215, %mul3A_203] : memref<2x320000xi32, #tpu.memory_space<hbm>> -> memref<2x128xi32, #tpu.memory_space<hbm>>
    tpu.wait_dma2 semaphore(%arg16 : memref<!tpu.dma_semaphore, #tpu.memory_space<semaphore_mem>>) src(%dma_wait3A_216 : memref<2x128xi32, #tpu.memory_space<hbm>>) dst(%dma_wait3A_214 : memref<2x128xi32, #tpu.memory_space<vmem>>)
    %dma_start3A_217 = arith.constant 3 : i32
    %dma_start3A_218 = arith.constant 0 : i32
    %dma_start3A_219 = arith.constant 0 : i32
    %dma_start3A_220 = arith.constant 0 : i32
    %dma_start3A_221 = tpu.memref_slice %arg6[%dma_start3A_217, %dma_start3A_219, %dma_start3A_220] : memref<4x2x128xi32, #tpu.memory_space<vmem>> -> memref<1x2x128xi32, #tpu.memory_space<vmem>>
    %dma_start3A_222 = tpu.memref_squeeze %dma_start3A_221 : memref<1x2x128xi32, #tpu.memory_space<vmem>> -> memref<2x128xi32, #tpu.memory_space<vmem>>
    %dma_start3A_223 = arith.constant 0 : i32
    %dma_start3A_224 = tpu.memref_slice %dma_start3A_222[%dma_start3A_218, %dma_start3A_223] : memref<2x128xi32, #tpu.memory_space<vmem>> -> memref<1x128xi32, #tpu.memory_space<vmem>>
    %dma_start3A_225 = tpu.memref_squeeze %dma_start3A_224 : memref<1x128xi32, #tpu.memory_space<vmem>> -> memref<128xi32, #tpu.memory_space<vmem>>
    %dma_start3A_226 = arith.constant 0 : i32
    %dma_start3A_227 = arith.constant 0 : i32
    %dma_start3A_228 = tpu.memref_slice %arg2[%dma_start3A_226, %dma_start3A_227] : memref<10000x128xf32, #tpu.memory_space<hbm>> -> memref<10000x128xf32, #tpu.memory_space<hbm>>
    tpu.enqueue_indirect_dma source(%dma_start3A_228 : memref<10000x128xf32, #tpu.memory_space<hbm>>) target(%arg7 : memref<128x128xf32, #tpu.memory_space<vmem>>) offsets(%dma_start3A_225 : memref<128xi32, #tpu.memory_space<vmem>>) semaphore(%arg10 : memref<!tpu.dma_semaphore, #tpu.memory_space<semaphore_mem>>)
    %dma_wait3A_229 = arith.constant 1 : i32
    %dma_wait3A_230 = arith.constant 0 : i32
    %dma_wait3A_231 = arith.constant 0 : i32
    %dma_wait3A_232 = arith.constant 0 : i32
    %dma_wait3A_233 = tpu.memref_slice %arg6[%dma_wait3A_229, %dma_wait3A_231, %dma_wait3A_232] : memref<4x2x128xi32, #tpu.memory_space<vmem>> -> memref<1x2x128xi32, #tpu.memory_space<vmem>>
    %dma_wait3A_234 = tpu.memref_squeeze %dma_wait3A_233 : memref<1x2x128xi32, #tpu.memory_space<vmem>> -> memref<2x128xi32, #tpu.memory_space<vmem>>
    %dma_wait3A_235 = arith.constant 0 : i32
    %dma_wait3A_236 = tpu.memref_slice %dma_wait3A_234[%dma_wait3A_230, %dma_wait3A_235] : memref<2x128xi32, #tpu.memory_space<vmem>> -> memref<1x128xi32, #tpu.memory_space<vmem>>
    %dma_wait3A_237 = tpu.memref_squeeze %dma_wait3A_236 : memref<1x128xi32, #tpu.memory_space<vmem>> -> memref<128xi32, #tpu.memory_space<vmem>>
    %dma_wait3A_238 = arith.constant 0 : i32
    %dma_wait3A_239 = arith.constant 0 : i32
    %dma_wait3A_240 = tpu.memref_slice %arg2[%dma_wait3A_238, %dma_wait3A_239] : memref<10000x128xf32, #tpu.memory_space<hbm>> -> memref<10000x128xf32, #tpu.memory_space<hbm>>
    tpu.wait_indirect_dma semaphore(%arg11 : memref<!tpu.dma_semaphore, #tpu.memory_space<semaphore_mem>>) src(%dma_wait3A_240 : memref<10000x128xf32, #tpu.memory_space<hbm>>) dst(%arg8 : memref<128x128xf32, #tpu.memory_space<vmem>>)
    %run_scoped3A_241 = arith.constant 1 : i32
    %run_scoped3A_242 = arith.constant 1 : i32
    "tpu.region"() ({
      %run_scoped3A_423 = tpu.sem_alloc : memref<!tpu.dma_semaphore, #tpu.memory_space<semaphore_mem>>
      %dma_start3A_424 = arith.constant 0 : i32
      %dma_start3A_425 = arith.constant 0 : i32
      %dma_start3A_426 = tpu.memref_slice %arg6[%run_scoped3A_241, %dma_start3A_424, %dma_start3A_425] : memref<4x2x128xi32, #tpu.memory_space<vmem>> -> memref<1x2x128xi32, #tpu.memory_space<vmem>>
      %dma_start3A_427 = tpu.memref_squeeze %dma_start3A_426 : memref<1x2x128xi32, #tpu.memory_space<vmem>> -> memref<2x128xi32, #tpu.memory_space<vmem>>
      %dma_start3A_428 = arith.constant 0 : i32
      %dma_start3A_429 = tpu.memref_slice %dma_start3A_427[%run_scoped3A_242, %dma_start3A_428] : memref<2x128xi32, #tpu.memory_space<vmem>> -> memref<1x128xi32, #tpu.memory_space<vmem>>
      %dma_start3A_430 = tpu.memref_squeeze %dma_start3A_429 : memref<1x128xi32, #tpu.memory_space<vmem>> -> memref<128xi32, #tpu.memory_space<vmem>>
      %dma_start3A_431 = arith.constant 0 : i32
      %dma_start3A_432 = arith.constant 0 : i32
      %dma_start3A_433 = tpu.memref_slice %arg17[%dma_start3A_431, %dma_start3A_432] : memref<10000x128xf32, #tpu.memory_space<vmem_shared>> -> memref<10000x128xf32, #tpu.memory_space<vmem_shared>>
      tpu.enqueue_indirect_dma source(%arg8 : memref<128x128xf32, #tpu.memory_space<vmem>>) target(%dma_start3A_433 : memref<10000x128xf32, #tpu.memory_space<vmem_shared>>) offsets(%dma_start3A_430 : memref<128xi32, #tpu.memory_space<vmem>>) semaphore(%run_scoped3A_423 : memref<!tpu.dma_semaphore, #tpu.memory_space<semaphore_mem>>) {add = true}
      %dma_wait3A_434 = arith.constant 0 : i32
      %dma_wait3A_435 = arith.constant 0 : i32
      %dma_wait3A_436 = tpu.memref_slice %arg6[%run_scoped3A_241, %dma_wait3A_434, %dma_wait3A_435] : memref<4x2x128xi32, #tpu.memory_space<vmem>> -> memref<1x2x128xi32, #tpu.memory_space<vmem>>
      %dma_wait3A_437 = tpu.memref_squeeze %dma_wait3A_436 : memref<1x2x128xi32, #tpu.memory_space<vmem>> -> memref<2x128xi32, #tpu.memory_space<vmem>>
      %dma_wait3A_438 = arith.constant 0 : i32
      %dma_wait3A_439 = tpu.memref_slice %dma_wait3A_437[%run_scoped3A_242, %dma_wait3A_438] : memref<2x128xi32, #tpu.memory_space<vmem>> -> memref<1x128xi32, #tpu.memory_space<vmem>>
      %dma_wait3A_440 = tpu.memref_squeeze %dma_wait3A_439 : memref<1x128xi32, #tpu.memory_space<vmem>> -> memref<128xi32, #tpu.memory_space<vmem>>
      %dma_wait3A_441 = arith.constant 0 : i32
      %dma_wait3A_442 = arith.constant 0 : i32
      %dma_wait3A_443 = tpu.memref_slice %arg17[%dma_wait3A_441, %dma_wait3A_442] : memref<10000x128xf32, #tpu.memory_space<vmem_shared>> -> memref<10000x128xf32, #tpu.memory_space<vmem_shared>>
      tpu.wait_indirect_dma semaphore(%run_scoped3A_423 : memref<!tpu.dma_semaphore, #tpu.memory_space<semaphore_mem>>) src(%arg8 : memref<128x128xf32, #tpu.memory_space<vmem>>) dst(%dma_wait3A_443 : memref<10000x128xf32, #tpu.memory_space<vmem_shared>>)
      tpu.yield
    }) : () -> ()
    %add3A_243 = arith.constant 2432 : i32
    %add3A_244 = arith.addi %add3A, %add3A_243 : i32
    %mul3A_245 = arith.constant 128 : i32
    %mul3A_246 = arith.muli %add3A_244, %mul3A_245 : i32
    %dma_start3A_247 = arith.constant 0 : i32
    %dma_start3A_248 = arith.constant 0 : i32
    %dma_start3A_249 = arith.constant 0 : i32
    %dma_start3A_250 = tpu.memref_slice %arg6[%dma_start3A_247, %dma_start3A_248, %dma_start3A_249] : memref<4x2x128xi32, #tpu.memory_space<vmem>> -> memref<1x2x128xi32, #tpu.memory_space<vmem>>
    %dma_start3A_251 = tpu.memref_squeeze %dma_start3A_250 : memref<1x2x128xi32, #tpu.memory_space<vmem>> -> memref<2x128xi32, #tpu.memory_space<vmem>>
    %dma_start3A_252 = arith.constant 0 : i32
    %dma_start3A_253 = tpu.memref_slice %arg3[%dma_start3A_252, %mul3A_246] : memref<2x320000xi32, #tpu.memory_space<hbm>> -> memref<2x128xi32, #tpu.memory_space<hbm>>
    %dma_start3A_254 = arith.constant 0 : i32
    %dma_start3A_255 = arith.constant 0 : i32
    %dma_start3A_256 = tpu.memref_slice %arg6[%dma_start3A_247, %dma_start3A_254, %dma_start3A_255] : memref<4x2x128xi32, #tpu.memory_space<vmem>> -> memref<1x2x128xi32, #tpu.memory_space<vmem>>
    %dma_start3A_257 = tpu.memref_squeeze %dma_start3A_256 : memref<1x2x128xi32, #tpu.memory_space<vmem>> -> memref<2x128xi32, #tpu.memory_space<vmem>>
    %dma_start3A_258 = arith.constant 0 : i32
    %dma_start3A_259 = tpu.memref_slice %arg3[%dma_start3A_258, %mul3A_246] : memref<2x320000xi32, #tpu.memory_space<hbm>> -> memref<2x128xi32, #tpu.memory_space<hbm>>
    tpu.enqueue_dma source(%dma_start3A_259 : memref<2x128xi32, #tpu.memory_space<hbm>>) target(%dma_start3A_257 : memref<2x128xi32, #tpu.memory_space<vmem>>) target_semaphore(%arg13 : memref<!tpu.dma_semaphore, #tpu.memory_space<semaphore_mem>>)
    %add3A_260 = arith.constant 2432 : i32
    %add3A_261 = arith.addi %add3A, %add3A_260 : i32
    %mul3A_262 = arith.constant 128 : i32
    %mul3A_263 = arith.muli %add3A_261, %mul3A_262 : i32
    %dma_wait3A_264 = arith.constant 0 : i32
    %dma_wait3A_265 = arith.constant 0 : i32
    %dma_wait3A_266 = arith.constant 0 : i32
    %dma_wait3A_267 = tpu.memref_slice %arg6[%dma_wait3A_264, %dma_wait3A_265, %dma_wait3A_266] : memref<4x2x128xi32, #tpu.memory_space<vmem>> -> memref<1x2x128xi32, #tpu.memory_space<vmem>>
    %dma_wait3A_268 = tpu.memref_squeeze %dma_wait3A_267 : memref<1x2x128xi32, #tpu.memory_space<vmem>> -> memref<2x128xi32, #tpu.memory_space<vmem>>
    %dma_wait3A_269 = arith.constant 0 : i32
    %dma_wait3A_270 = tpu.memref_slice %arg3[%dma_wait3A_269, %mul3A_263] : memref<2x320000xi32, #tpu.memory_space<hbm>> -> memref<2x128xi32, #tpu.memory_space<hbm>>
    %dma_wait3A_271 = arith.constant 0 : i32
    %dma_wait3A_272 = arith.constant 0 : i32
    %dma_wait3A_273 = tpu.memref_slice %arg6[%dma_wait3A_264, %dma_wait3A_271, %dma_wait3A_272] : memref<4x2x128xi32, #tpu.memory_space<vmem>> -> memref<1x2x128xi32, #tpu.memory_space<vmem>>
    %dma_wait3A_274 = tpu.memref_squeeze %dma_wait3A_273 : memref<1x2x128xi32, #tpu.memory_space<vmem>> -> memref<2x128xi32, #tpu.memory_space<vmem>>
    %dma_wait3A_275 = arith.constant 0 : i32
    %dma_wait3A_276 = tpu.memref_slice %arg3[%dma_wait3A_275, %mul3A_263] : memref<2x320000xi32, #tpu.memory_space<hbm>> -> memref<2x128xi32, #tpu.memory_space<hbm>>
    tpu.wait_dma2 semaphore(%arg13 : memref<!tpu.dma_semaphore, #tpu.memory_space<semaphore_mem>>) src(%dma_wait3A_276 : memref<2x128xi32, #tpu.memory_space<hbm>>) dst(%dma_wait3A_274 : memref<2x128xi32, #tpu.memory_space<vmem>>)
    %dma_start3A_277 = arith.constant 0 : i32
    %dma_start3A_278 = arith.constant 0 : i32
    %dma_start3A_279 = arith.constant 0 : i32
    %dma_start3A_280 = arith.constant 0 : i32
    %dma_start3A_281 = tpu.memref_slice %arg6[%dma_start3A_277, %dma_start3A_279, %dma_start3A_280] : memref<4x2x128xi32, #tpu.memory_space<vmem>> -> memref<1x2x128xi32, #tpu.memory_space<vmem>>
    %dma_start3A_282 = tpu.memref_squeeze %dma_start3A_281 : memref<1x2x128xi32, #tpu.memory_space<vmem>> -> memref<2x128xi32, #tpu.memory_space<vmem>>
    %dma_start3A_283 = arith.constant 0 : i32
    %dma_start3A_284 = tpu.memref_slice %dma_start3A_282[%dma_start3A_278, %dma_start3A_283] : memref<2x128xi32, #tpu.memory_space<vmem>> -> memref<1x128xi32, #tpu.memory_space<vmem>>
    %dma_start3A_285 = tpu.memref_squeeze %dma_start3A_284 : memref<1x128xi32, #tpu.memory_space<vmem>> -> memref<128xi32, #tpu.memory_space<vmem>>
    %dma_start3A_286 = arith.constant 0 : i32
    %dma_start3A_287 = arith.constant 0 : i32
    %dma_start3A_288 = tpu.memref_slice %arg2[%dma_start3A_286, %dma_start3A_287] : memref<10000x128xf32, #tpu.memory_space<hbm>> -> memref<10000x128xf32, #tpu.memory_space<hbm>>
    tpu.enqueue_indirect_dma source(%dma_start3A_288 : memref<10000x128xf32, #tpu.memory_space<hbm>>) target(%arg8 : memref<128x128xf32, #tpu.memory_space<vmem>>) offsets(%dma_start3A_285 : memref<128xi32, #tpu.memory_space<vmem>>) semaphore(%arg11 : memref<!tpu.dma_semaphore, #tpu.memory_space<semaphore_mem>>)
    %dma_wait3A_289 = arith.constant 2 : i32
    %dma_wait3A_290 = arith.constant 0 : i32
    %dma_wait3A_291 = arith.constant 0 : i32
    %dma_wait3A_292 = arith.constant 0 : i32
    %dma_wait3A_293 = tpu.memref_slice %arg6[%dma_wait3A_289, %dma_wait3A_291, %dma_wait3A_292] : memref<4x2x128xi32, #tpu.memory_space<vmem>> -> memref<1x2x128xi32, #tpu.memory_space<vmem>>
    %dma_wait3A_294 = tpu.memref_squeeze %dma_wait3A_293 : memref<1x2x128xi32, #tpu.memory_space<vmem>> -> memref<2x128xi32, #tpu.memory_space<vmem>>
    %dma_wait3A_295 = arith.constant 0 : i32
    %dma_wait3A_296 = tpu.memref_slice %dma_wait3A_294[%dma_wait3A_290, %dma_wait3A_295] : memref<2x128xi32, #tpu.memory_space<vmem>> -> memref<1x128xi32, #tpu.memory_space<vmem>>
    %dma_wait3A_297 = tpu.memref_squeeze %dma_wait3A_296 : memref<1x128xi32, #tpu.memory_space<vmem>> -> memref<128xi32, #tpu.memory_space<vmem>>
    %dma_wait3A_298 = arith.constant 0 : i32
    %dma_wait3A_299 = arith.constant 0 : i32
    %dma_wait3A_300 = tpu.memref_slice %arg2[%dma_wait3A_298, %dma_wait3A_299] : memref<10000x128xf32, #tpu.memory_space<hbm>> -> memref<10000x128xf32, #tpu.memory_space<hbm>>
    tpu.wait_indirect_dma semaphore(%arg12 : memref<!tpu.dma_semaphore, #tpu.memory_space<semaphore_mem>>) src(%dma_wait3A_300 : memref<10000x128xf32, #tpu.memory_space<hbm>>) dst(%arg9 : memref<128x128xf32, #tpu.memory_space<vmem>>)
    %run_scoped3A_301 = arith.constant 2 : i32
    %run_scoped3A_302 = arith.constant 1 : i32
    "tpu.region"() ({
      %run_scoped3A_423 = tpu.sem_alloc : memref<!tpu.dma_semaphore, #tpu.memory_space<semaphore_mem>>
      %dma_start3A_424 = arith.constant 0 : i32
      %dma_start3A_425 = arith.constant 0 : i32
      %dma_start3A_426 = tpu.memref_slice %arg6[%run_scoped3A_301, %dma_start3A_424, %dma_start3A_425] : memref<4x2x128xi32, #tpu.memory_space<vmem>> -> memref<1x2x128xi32, #tpu.memory_space<vmem>>
      %dma_start3A_427 = tpu.memref_squeeze %dma_start3A_426 : memref<1x2x128xi32, #tpu.memory_space<vmem>> -> memref<2x128xi32, #tpu.memory_space<vmem>>
      %dma_start3A_428 = arith.constant 0 : i32
      %dma_start3A_429 = tpu.memref_slice %dma_start3A_427[%run_scoped3A_302, %dma_start3A_428] : memref<2x128xi32, #tpu.memory_space<vmem>> -> memref<1x128xi32, #tpu.memory_space<vmem>>
      %dma_start3A_430 = tpu.memref_squeeze %dma_start3A_429 : memref<1x128xi32, #tpu.memory_space<vmem>> -> memref<128xi32, #tpu.memory_space<vmem>>
      %dma_start3A_431 = arith.constant 0 : i32
      %dma_start3A_432 = arith.constant 0 : i32
      %dma_start3A_433 = tpu.memref_slice %arg17[%dma_start3A_431, %dma_start3A_432] : memref<10000x128xf32, #tpu.memory_space<vmem_shared>> -> memref<10000x128xf32, #tpu.memory_space<vmem_shared>>
      tpu.enqueue_indirect_dma source(%arg9 : memref<128x128xf32, #tpu.memory_space<vmem>>) target(%dma_start3A_433 : memref<10000x128xf32, #tpu.memory_space<vmem_shared>>) offsets(%dma_start3A_430 : memref<128xi32, #tpu.memory_space<vmem>>) semaphore(%run_scoped3A_423 : memref<!tpu.dma_semaphore, #tpu.memory_space<semaphore_mem>>) {add = true}
      %dma_wait3A_434 = arith.constant 0 : i32
      %dma_wait3A_435 = arith.constant 0 : i32
      %dma_wait3A_436 = tpu.memref_slice %arg6[%run_scoped3A_301, %dma_wait3A_434, %dma_wait3A_435] : memref<4x2x128xi32, #tpu.memory_space<vmem>> -> memref<1x2x128xi32, #tpu.memory_space<vmem>>
      %dma_wait3A_437 = tpu.memref_squeeze %dma_wait3A_436 : memref<1x2x128xi32, #tpu.memory_space<vmem>> -> memref<2x128xi32, #tpu.memory_space<vmem>>
      %dma_wait3A_438 = arith.constant 0 : i32
      %dma_wait3A_439 = tpu.memref_slice %dma_wait3A_437[%run_scoped3A_302, %dma_wait3A_438] : memref<2x128xi32, #tpu.memory_space<vmem>> -> memref<1x128xi32, #tpu.memory_space<vmem>>
      %dma_wait3A_440 = tpu.memref_squeeze %dma_wait3A_439 : memref<1x128xi32, #tpu.memory_space<vmem>> -> memref<128xi32, #tpu.memory_space<vmem>>
      %dma_wait3A_441 = arith.constant 0 : i32
      %dma_wait3A_442 = arith.constant 0 : i32
      %dma_wait3A_443 = tpu.memref_slice %arg17[%dma_wait3A_441, %dma_wait3A_442] : memref<10000x128xf32, #tpu.memory_space<vmem_shared>> -> memref<10000x128xf32, #tpu.memory_space<vmem_shared>>
      tpu.wait_indirect_dma semaphore(%run_scoped3A_423 : memref<!tpu.dma_semaphore, #tpu.memory_space<semaphore_mem>>) src(%arg9 : memref<128x128xf32, #tpu.memory_space<vmem>>) dst(%dma_wait3A_443 : memref<10000x128xf32, #tpu.memory_space<vmem_shared>>)
      tpu.yield
    }) : () -> ()
    %add3A_303 = arith.constant 2464 : i32
    %add3A_304 = arith.addi %add3A, %add3A_303 : i32
    %mul3A_305 = arith.constant 128 : i32
    %mul3A_306 = arith.muli %add3A_304, %mul3A_305 : i32
    %dma_start3A_307 = arith.constant 1 : i32
    %dma_start3A_308 = arith.constant 0 : i32
    %dma_start3A_309 = arith.constant 0 : i32
    %dma_start3A_310 = tpu.memref_slice %arg6[%dma_start3A_307, %dma_start3A_308, %dma_start3A_309] : memref<4x2x128xi32, #tpu.memory_space<vmem>> -> memref<1x2x128xi32, #tpu.memory_space<vmem>>
    %dma_start3A_311 = tpu.memref_squeeze %dma_start3A_310 : memref<1x2x128xi32, #tpu.memory_space<vmem>> -> memref<2x128xi32, #tpu.memory_space<vmem>>
    %dma_start3A_312 = arith.constant 0 : i32
    %dma_start3A_313 = tpu.memref_slice %arg3[%dma_start3A_312, %mul3A_306] : memref<2x320000xi32, #tpu.memory_space<hbm>> -> memref<2x128xi32, #tpu.memory_space<hbm>>
    %dma_start3A_314 = arith.constant 0 : i32
    %dma_start3A_315 = arith.constant 0 : i32
    %dma_start3A_316 = tpu.memref_slice %arg6[%dma_start3A_307, %dma_start3A_314, %dma_start3A_315] : memref<4x2x128xi32, #tpu.memory_space<vmem>> -> memref<1x2x128xi32, #tpu.memory_space<vmem>>
    %dma_start3A_317 = tpu.memref_squeeze %dma_start3A_316 : memref<1x2x128xi32, #tpu.memory_space<vmem>> -> memref<2x128xi32, #tpu.memory_space<vmem>>
    %dma_start3A_318 = arith.constant 0 : i32
    %dma_start3A_319 = tpu.memref_slice %arg3[%dma_start3A_318, %mul3A_306] : memref<2x320000xi32, #tpu.memory_space<hbm>> -> memref<2x128xi32, #tpu.memory_space<hbm>>
    tpu.enqueue_dma source(%dma_start3A_319 : memref<2x128xi32, #tpu.memory_space<hbm>>) target(%dma_start3A_317 : memref<2x128xi32, #tpu.memory_space<vmem>>) target_semaphore(%arg14 : memref<!tpu.dma_semaphore, #tpu.memory_space<semaphore_mem>>)
    %add3A_320 = arith.constant 2464 : i32
    %add3A_321 = arith.addi %add3A, %add3A_320 : i32
    %mul3A_322 = arith.constant 128 : i32
    %mul3A_323 = arith.muli %add3A_321, %mul3A_322 : i32
    %dma_wait3A_324 = arith.constant 1 : i32
    %dma_wait3A_325 = arith.constant 0 : i32
    %dma_wait3A_326 = arith.constant 0 : i32
    %dma_wait3A_327 = tpu.memref_slice %arg6[%dma_wait3A_324, %dma_wait3A_325, %dma_wait3A_326] : memref<4x2x128xi32, #tpu.memory_space<vmem>> -> memref<1x2x128xi32, #tpu.memory_space<vmem>>
    %dma_wait3A_328 = tpu.memref_squeeze %dma_wait3A_327 : memref<1x2x128xi32, #tpu.memory_space<vmem>> -> memref<2x128xi32, #tpu.memory_space<vmem>>
    %dma_wait3A_329 = arith.constant 0 : i32
    %dma_wait3A_330 = tpu.memref_slice %arg3[%dma_wait3A_329, %mul3A_323] : memref<2x320000xi32, #tpu.memory_space<hbm>> -> memref<2x128xi32, #tpu.memory_space<hbm>>
    %dma_wait3A_331 = arith.constant 0 : i32
    %dma_wait3A_332 = arith.constant 0 : i32
    %dma_wait3A_333 = tpu.memref_slice %arg6[%dma_wait3A_324, %dma_wait3A_331, %dma_wait3A_332] : memref<4x2x128xi32, #tpu.memory_space<vmem>> -> memref<1x2x128xi32, #tpu.memory_space<vmem>>
    %dma_wait3A_334 = tpu.memref_squeeze %dma_wait3A_333 : memref<1x2x128xi32, #tpu.memory_space<vmem>> -> memref<2x128xi32, #tpu.memory_space<vmem>>
    %dma_wait3A_335 = arith.constant 0 : i32
    %dma_wait3A_336 = tpu.memref_slice %arg3[%dma_wait3A_335, %mul3A_323] : memref<2x320000xi32, #tpu.memory_space<hbm>> -> memref<2x128xi32, #tpu.memory_space<hbm>>
    tpu.wait_dma2 semaphore(%arg14 : memref<!tpu.dma_semaphore, #tpu.memory_space<semaphore_mem>>) src(%dma_wait3A_336 : memref<2x128xi32, #tpu.memory_space<hbm>>) dst(%dma_wait3A_334 : memref<2x128xi32, #tpu.memory_space<vmem>>)
    %dma_start3A_337 = arith.constant 1 : i32
    %dma_start3A_338 = arith.constant 0 : i32
    %dma_start3A_339 = arith.constant 0 : i32
    %dma_start3A_340 = arith.constant 0 : i32
    %dma_start3A_341 = tpu.memref_slice %arg6[%dma_start3A_337, %dma_start3A_339, %dma_start3A_340] : memref<4x2x128xi32, #tpu.memory_space<vmem>> -> memref<1x2x128xi32, #tpu.memory_space<vmem>>
    %dma_start3A_342 = tpu.memref_squeeze %dma_start3A_341 : memref<1x2x128xi32, #tpu.memory_space<vmem>> -> memref<2x128xi32, #tpu.memory_space<vmem>>
    %dma_start3A_343 = arith.constant 0 : i32
    %dma_start3A_344 = tpu.memref_slice %dma_start3A_342[%dma_start3A_338, %dma_start3A_343] : memref<2x128xi32, #tpu.memory_space<vmem>> -> memref<1x128xi32, #tpu.memory_space<vmem>>
    %dma_start3A_345 = tpu.memref_squeeze %dma_start3A_344 : memref<1x128xi32, #tpu.memory_space<vmem>> -> memref<128xi32, #tpu.memory_space<vmem>>
    %dma_start3A_346 = arith.constant 0 : i32
    %dma_start3A_347 = arith.constant 0 : i32
    %dma_start3A_348 = tpu.memref_slice %arg2[%dma_start3A_346, %dma_start3A_347] : memref<10000x128xf32, #tpu.memory_space<hbm>> -> memref<10000x128xf32, #tpu.memory_space<hbm>>
    tpu.enqueue_indirect_dma source(%dma_start3A_348 : memref<10000x128xf32, #tpu.memory_space<hbm>>) target(%arg9 : memref<128x128xf32, #tpu.memory_space<vmem>>) offsets(%dma_start3A_345 : memref<128xi32, #tpu.memory_space<vmem>>) semaphore(%arg12 : memref<!tpu.dma_semaphore, #tpu.memory_space<semaphore_mem>>)
    %dma_wait3A_349 = arith.constant 3 : i32
    %dma_wait3A_350 = arith.constant 0 : i32
    %dma_wait3A_351 = arith.constant 0 : i32
    %dma_wait3A_352 = arith.constant 0 : i32
    %dma_wait3A_353 = tpu.memref_slice %arg6[%dma_wait3A_349, %dma_wait3A_351, %dma_wait3A_352] : memref<4x2x128xi32, #tpu.memory_space<vmem>> -> memref<1x2x128xi32, #tpu.memory_space<vmem>>
    %dma_wait3A_354 = tpu.memref_squeeze %dma_wait3A_353 : memref<1x2x128xi32, #tpu.memory_space<vmem>> -> memref<2x128xi32, #tpu.memory_space<vmem>>
    %dma_wait3A_355 = arith.constant 0 : i32
    %dma_wait3A_356 = tpu.memref_slice %dma_wait3A_354[%dma_wait3A_350, %dma_wait3A_355] : memref<2x128xi32, #tpu.memory_space<vmem>> -> memref<1x128xi32, #tpu.memory_space<vmem>>
    %dma_wait3A_357 = tpu.memref_squeeze %dma_wait3A_356 : memref<1x128xi32, #tpu.memory_space<vmem>> -> memref<128xi32, #tpu.memory_space<vmem>>
    %dma_wait3A_358 = arith.constant 0 : i32
    %dma_wait3A_359 = arith.constant 0 : i32
    %dma_wait3A_360 = tpu.memref_slice %arg2[%dma_wait3A_358, %dma_wait3A_359] : memref<10000x128xf32, #tpu.memory_space<hbm>> -> memref<10000x128xf32, #tpu.memory_space<hbm>>
    tpu.wait_indirect_dma semaphore(%arg10 : memref<!tpu.dma_semaphore, #tpu.memory_space<semaphore_mem>>) src(%dma_wait3A_360 : memref<10000x128xf32, #tpu.memory_space<hbm>>) dst(%arg7 : memref<128x128xf32, #tpu.memory_space<vmem>>)
    %run_scoped3A_361 = arith.constant 3 : i32
    %run_scoped3A_362 = arith.constant 1 : i32
    "tpu.region"() ({
      %run_scoped3A_423 = tpu.sem_alloc : memref<!tpu.dma_semaphore, #tpu.memory_space<semaphore_mem>>
      %dma_start3A_424 = arith.constant 0 : i32
      %dma_start3A_425 = arith.constant 0 : i32
      %dma_start3A_426 = tpu.memref_slice %arg6[%run_scoped3A_361, %dma_start3A_424, %dma_start3A_425] : memref<4x2x128xi32, #tpu.memory_space<vmem>> -> memref<1x2x128xi32, #tpu.memory_space<vmem>>
      %dma_start3A_427 = tpu.memref_squeeze %dma_start3A_426 : memref<1x2x128xi32, #tpu.memory_space<vmem>> -> memref<2x128xi32, #tpu.memory_space<vmem>>
      %dma_start3A_428 = arith.constant 0 : i32
      %dma_start3A_429 = tpu.memref_slice %dma_start3A_427[%run_scoped3A_362, %dma_start3A_428] : memref<2x128xi32, #tpu.memory_space<vmem>> -> memref<1x128xi32, #tpu.memory_space<vmem>>
      %dma_start3A_430 = tpu.memref_squeeze %dma_start3A_429 : memref<1x128xi32, #tpu.memory_space<vmem>> -> memref<128xi32, #tpu.memory_space<vmem>>
      %dma_start3A_431 = arith.constant 0 : i32
      %dma_start3A_432 = arith.constant 0 : i32
      %dma_start3A_433 = tpu.memref_slice %arg17[%dma_start3A_431, %dma_start3A_432] : memref<10000x128xf32, #tpu.memory_space<vmem_shared>> -> memref<10000x128xf32, #tpu.memory_space<vmem_shared>>
      tpu.enqueue_indirect_dma source(%arg7 : memref<128x128xf32, #tpu.memory_space<vmem>>) target(%dma_start3A_433 : memref<10000x128xf32, #tpu.memory_space<vmem_shared>>) offsets(%dma_start3A_430 : memref<128xi32, #tpu.memory_space<vmem>>) semaphore(%run_scoped3A_423 : memref<!tpu.dma_semaphore, #tpu.memory_space<semaphore_mem>>) {add = true}
      %dma_wait3A_434 = arith.constant 0 : i32
      %dma_wait3A_435 = arith.constant 0 : i32
      %dma_wait3A_436 = tpu.memref_slice %arg6[%run_scoped3A_361, %dma_wait3A_434, %dma_wait3A_435] : memref<4x2x128xi32, #tpu.memory_space<vmem>> -> memref<1x2x128xi32, #tpu.memory_space<vmem>>
      %dma_wait3A_437 = tpu.memref_squeeze %dma_wait3A_436 : memref<1x2x128xi32, #tpu.memory_space<vmem>> -> memref<2x128xi32, #tpu.memory_space<vmem>>
      %dma_wait3A_438 = arith.constant 0 : i32
      %dma_wait3A_439 = tpu.memref_slice %dma_wait3A_437[%run_scoped3A_362, %dma_wait3A_438] : memref<2x128xi32, #tpu.memory_space<vmem>> -> memref<1x128xi32, #tpu.memory_space<vmem>>
      %dma_wait3A_440 = tpu.memref_squeeze %dma_wait3A_439 : memref<1x128xi32, #tpu.memory_space<vmem>> -> memref<128xi32, #tpu.memory_space<vmem>>
      %dma_wait3A_441 = arith.constant 0 : i32
      %dma_wait3A_442 = arith.constant 0 : i32
      %dma_wait3A_443 = tpu.memref_slice %arg17[%dma_wait3A_441, %dma_wait3A_442] : memref<10000x128xf32, #tpu.memory_space<vmem_shared>> -> memref<10000x128xf32, #tpu.memory_space<vmem_shared>>
      tpu.wait_indirect_dma semaphore(%run_scoped3A_423 : memref<!tpu.dma_semaphore, #tpu.memory_space<semaphore_mem>>) src(%arg7 : memref<128x128xf32, #tpu.memory_space<vmem>>) dst(%dma_wait3A_443 : memref<10000x128xf32, #tpu.memory_space<vmem_shared>>)
      tpu.yield
    }) : () -> ()
    %lt3A_363 = arith.constant 4 : i32
    %lt3A_364 = arith.cmpi slt, %add3A, %lt3A_363 : i32
    %convert_element_type3A_365 = arith.extui %lt3A_364 : i1 to i32
    %cond3A_366 = arith.constant 0 : i32
    %cond3A_367 = arith.cmpi ne, %convert_element_type3A_365, %cond3A_366 : i32
    scf.if %cond3A_367 {
      %add3A_423 = arith.constant 2496 : i32
      %add3A_424 = arith.addi %add3A, %add3A_423 : i32
      %mul3A_425 = arith.constant 128 : i32
      %mul3A_426 = arith.muli %add3A_424, %mul3A_425 : i32
      %dma_start3A_427 = arith.constant 2 : i32
      %dma_start3A_428 = arith.constant 0 : i32
      %dma_start3A_429 = arith.constant 0 : i32
      %dma_start3A_430 = tpu.memref_slice %arg6[%dma_start3A_427, %dma_start3A_428, %dma_start3A_429] : memref<4x2x128xi32, #tpu.memory_space<vmem>> -> memref<1x2x128xi32, #tpu.memory_space<vmem>>
      %dma_start3A_431 = tpu.memref_squeeze %dma_start3A_430 : memref<1x2x128xi32, #tpu.memory_space<vmem>> -> memref<2x128xi32, #tpu.memory_space<vmem>>
      %dma_start3A_432 = arith.constant 0 : i32
      %dma_start3A_433 = tpu.memref_slice %arg3[%dma_start3A_432, %mul3A_426] : memref<2x320000xi32, #tpu.memory_space<hbm>> -> memref<2x128xi32, #tpu.memory_space<hbm>>
      %dma_start3A_434 = arith.constant 0 : i32
      %dma_start3A_435 = arith.constant 0 : i32
      %dma_start3A_436 = tpu.memref_slice %arg6[%dma_start3A_427, %dma_start3A_434, %dma_start3A_435] : memref<4x2x128xi32, #tpu.memory_space<vmem>> -> memref<1x2x128xi32, #tpu.memory_space<vmem>>
      %dma_start3A_437 = tpu.memref_squeeze %dma_start3A_436 : memref<1x2x128xi32, #tpu.memory_space<vmem>> -> memref<2x128xi32, #tpu.memory_space<vmem>>
      %dma_start3A_438 = arith.constant 0 : i32
      %dma_start3A_439 = tpu.memref_slice %arg3[%dma_start3A_438, %mul3A_426] : memref<2x320000xi32, #tpu.memory_space<hbm>> -> memref<2x128xi32, #tpu.memory_space<hbm>>
      tpu.enqueue_dma source(%dma_start3A_439 : memref<2x128xi32, #tpu.memory_space<hbm>>) target(%dma_start3A_437 : memref<2x128xi32, #tpu.memory_space<vmem>>) target_semaphore(%arg15 : memref<!tpu.dma_semaphore, #tpu.memory_space<semaphore_mem>>)
    } else {
    }
    %dma_wait3A_368 = arith.constant 0 : i32
    %dma_wait3A_369 = arith.constant 0 : i32
    %dma_wait3A_370 = arith.constant 0 : i32
    %dma_wait3A_371 = arith.constant 0 : i32
    %dma_wait3A_372 = tpu.memref_slice %arg6[%dma_wait3A_368, %dma_wait3A_370, %dma_wait3A_371] : memref<4x2x128xi32, #tpu.memory_space<vmem>> -> memref<1x2x128xi32, #tpu.memory_space<vmem>>
    %dma_wait3A_373 = tpu.memref_squeeze %dma_wait3A_372 : memref<1x2x128xi32, #tpu.memory_space<vmem>> -> memref<2x128xi32, #tpu.memory_space<vmem>>
    %dma_wait3A_374 = arith.constant 0 : i32
    %dma_wait3A_375 = tpu.memref_slice %dma_wait3A_373[%dma_wait3A_369, %dma_wait3A_374] : memref<2x128xi32, #tpu.memory_space<vmem>> -> memref<1x128xi32, #tpu.memory_space<vmem>>
    %dma_wait3A_376 = tpu.memref_squeeze %dma_wait3A_375 : memref<1x128xi32, #tpu.memory_space<vmem>> -> memref<128xi32, #tpu.memory_space<vmem>>
    %dma_wait3A_377 = arith.constant 0 : i32
    %dma_wait3A_378 = arith.constant 0 : i32
    %dma_wait3A_379 = tpu.memref_slice %arg2[%dma_wait3A_377, %dma_wait3A_378] : memref<10000x128xf32, #tpu.memory_space<hbm>> -> memref<10000x128xf32, #tpu.memory_space<hbm>>
    tpu.wait_indirect_dma semaphore(%arg11 : memref<!tpu.dma_semaphore, #tpu.memory_space<semaphore_mem>>) src(%dma_wait3A_379 : memref<10000x128xf32, #tpu.memory_space<hbm>>) dst(%arg8 : memref<128x128xf32, #tpu.memory_space<vmem>>)
    %run_scoped3A_380 = arith.constant 0 : i32
    %run_scoped3A_381 = arith.constant 1 : i32
    "tpu.region"() ({
      %run_scoped3A_423 = tpu.sem_alloc : memref<!tpu.dma_semaphore, #tpu.memory_space<semaphore_mem>>
      %dma_start3A_424 = arith.constant 0 : i32
      %dma_start3A_425 = arith.constant 0 : i32
      %dma_start3A_426 = tpu.memref_slice %arg6[%run_scoped3A_380, %dma_start3A_424, %dma_start3A_425] : memref<4x2x128xi32, #tpu.memory_space<vmem>> -> memref<1x2x128xi32, #tpu.memory_space<vmem>>
      %dma_start3A_427 = tpu.memref_squeeze %dma_start3A_426 : memref<1x2x128xi32, #tpu.memory_space<vmem>> -> memref<2x128xi32, #tpu.memory_space<vmem>>
      %dma_start3A_428 = arith.constant 0 : i32
      %dma_start3A_429 = tpu.memref_slice %dma_start3A_427[%run_scoped3A_381, %dma_start3A_428] : memref<2x128xi32, #tpu.memory_space<vmem>> -> memref<1x128xi32, #tpu.memory_space<vmem>>
      %dma_start3A_430 = tpu.memref_squeeze %dma_start3A_429 : memref<1x128xi32, #tpu.memory_space<vmem>> -> memref<128xi32, #tpu.memory_space<vmem>>
      %dma_start3A_431 = arith.constant 0 : i32
      %dma_start3A_432 = arith.constant 0 : i32
      %dma_start3A_433 = tpu.memref_slice %arg17[%dma_start3A_431, %dma_start3A_432] : memref<10000x128xf32, #tpu.memory_space<vmem_shared>> -> memref<10000x128xf32, #tpu.memory_space<vmem_shared>>
      tpu.enqueue_indirect_dma source(%arg8 : memref<128x128xf32, #tpu.memory_space<vmem>>) target(%dma_start3A_433 : memref<10000x128xf32, #tpu.memory_space<vmem_shared>>) offsets(%dma_start3A_430 : memref<128xi32, #tpu.memory_space<vmem>>) semaphore(%run_scoped3A_423 : memref<!tpu.dma_semaphore, #tpu.memory_space<semaphore_mem>>) {add = true}
      %dma_wait3A_434 = arith.constant 0 : i32
      %dma_wait3A_435 = arith.constant 0 : i32
      %dma_wait3A_436 = tpu.memref_slice %arg6[%run_scoped3A_380, %dma_wait3A_434, %dma_wait3A_435] : memref<4x2x128xi32, #tpu.memory_space<vmem>> -> memref<1x2x128xi32, #tpu.memory_space<vmem>>
      %dma_wait3A_437 = tpu.memref_squeeze %dma_wait3A_436 : memref<1x2x128xi32, #tpu.memory_space<vmem>> -> memref<2x128xi32, #tpu.memory_space<vmem>>
      %dma_wait3A_438 = arith.constant 0 : i32
      %dma_wait3A_439 = tpu.memref_slice %dma_wait3A_437[%run_scoped3A_381, %dma_wait3A_438] : memref<2x128xi32, #tpu.memory_space<vmem>> -> memref<1x128xi32, #tpu.memory_space<vmem>>
      %dma_wait3A_440 = tpu.memref_squeeze %dma_wait3A_439 : memref<1x128xi32, #tpu.memory_space<vmem>> -> memref<128xi32, #tpu.memory_space<vmem>>
      %dma_wait3A_441 = arith.constant 0 : i32
      %dma_wait3A_442 = arith.constant 0 : i32
      %dma_wait3A_443 = tpu.memref_slice %arg17[%dma_wait3A_441, %dma_wait3A_442] : memref<10000x128xf32, #tpu.memory_space<vmem_shared>> -> memref<10000x128xf32, #tpu.memory_space<vmem_shared>>
      tpu.wait_indirect_dma semaphore(%run_scoped3A_423 : memref<!tpu.dma_semaphore, #tpu.memory_space<semaphore_mem>>) src(%arg8 : memref<128x128xf32, #tpu.memory_space<vmem>>) dst(%dma_wait3A_443 : memref<10000x128xf32, #tpu.memory_space<vmem_shared>>)
      tpu.yield
    }) : () -> ()
    %lt3A_382 = arith.constant 4 : i32
    %lt3A_383 = arith.cmpi slt, %add3A, %lt3A_382 : i32
    %convert_element_type3A_384 = arith.extui %lt3A_383 : i1 to i32
    %cond3A_385 = arith.constant 2 : i32
    %cond3A_386 = arith.constant 0 : i32
    %cond3A_387 = arith.constant 0 : i32
    %cond3A_388 = arith.cmpi ne, %convert_element_type3A_384, %cond3A_387 : i32
    scf.if %cond3A_388 {
      %add3A_423 = arith.constant 2496 : i32
      %add3A_424 = arith.addi %add3A, %add3A_423 : i32
      %mul3A_425 = arith.constant 128 : i32
      %mul3A_426 = arith.muli %add3A_424, %mul3A_425 : i32
      %dma_wait3A_427 = arith.constant 2 : i32
      %dma_wait3A_428 = arith.constant 0 : i32
      %dma_wait3A_429 = arith.constant 0 : i32
      %dma_wait3A_430 = tpu.memref_slice %arg6[%dma_wait3A_427, %dma_wait3A_428, %dma_wait3A_429] : memref<4x2x128xi32, #tpu.memory_space<vmem>> -> memref<1x2x128xi32, #tpu.memory_space<vmem>>
      %dma_wait3A_431 = tpu.memref_squeeze %dma_wait3A_430 : memref<1x2x128xi32, #tpu.memory_space<vmem>> -> memref<2x128xi32, #tpu.memory_space<vmem>>
      %dma_wait3A_432 = arith.constant 0 : i32
      %dma_wait3A_433 = tpu.memref_slice %arg3[%dma_wait3A_432, %mul3A_426] : memref<2x320000xi32, #tpu.memory_space<hbm>> -> memref<2x128xi32, #tpu.memory_space<hbm>>
      %dma_wait3A_434 = arith.constant 0 : i32
      %dma_wait3A_435 = arith.constant 0 : i32
      %dma_wait3A_436 = tpu.memref_slice %arg6[%dma_wait3A_427, %dma_wait3A_434, %dma_wait3A_435] : memref<4x2x128xi32, #tpu.memory_space<vmem>> -> memref<1x2x128xi32, #tpu.memory_space<vmem>>
      %dma_wait3A_437 = tpu.memref_squeeze %dma_wait3A_436 : memref<1x2x128xi32, #tpu.memory_space<vmem>> -> memref<2x128xi32, #tpu.memory_space<vmem>>
      %dma_wait3A_438 = arith.constant 0 : i32
      %dma_wait3A_439 = tpu.memref_slice %arg3[%dma_wait3A_438, %mul3A_426] : memref<2x320000xi32, #tpu.memory_space<hbm>> -> memref<2x128xi32, #tpu.memory_space<hbm>>
      tpu.wait_dma2 semaphore(%arg15 : memref<!tpu.dma_semaphore, #tpu.memory_space<semaphore_mem>>) src(%dma_wait3A_439 : memref<2x128xi32, #tpu.memory_space<hbm>>) dst(%dma_wait3A_437 : memref<2x128xi32, #tpu.memory_space<vmem>>)
      %dma_start3A_440 = arith.constant 0 : i32
      %dma_start3A_441 = arith.constant 0 : i32
      %dma_start3A_442 = tpu.memref_slice %arg6[%cond3A_385, %dma_start3A_440, %dma_start3A_441] : memref<4x2x128xi32, #tpu.memory_space<vmem>> -> memref<1x2x128xi32, #tpu.memory_space<vmem>>
      %dma_start3A_443 = tpu.memref_squeeze %dma_start3A_442 : memref<1x2x128xi32, #tpu.memory_space<vmem>> -> memref<2x128xi32, #tpu.memory_space<vmem>>
      %dma_start3A_444 = arith.constant 0 : i32
      %dma_start3A_445 = tpu.memref_slice %dma_start3A_443[%cond3A_386, %dma_start3A_444] : memref<2x128xi32, #tpu.memory_space<vmem>> -> memref<1x128xi32, #tpu.memory_space<vmem>>
      %dma_start3A_446 = tpu.memref_squeeze %dma_start3A_445 : memref<1x128xi32, #tpu.memory_space<vmem>> -> memref<128xi32, #tpu.memory_space<vmem>>
      %dma_start3A_447 = arith.constant 0 : i32
      %dma_start3A_448 = arith.constant 0 : i32
      %dma_start3A_449 = tpu.memref_slice %arg2[%dma_start3A_447, %dma_start3A_448] : memref<10000x128xf32, #tpu.memory_space<hbm>> -> memref<10000x128xf32, #tpu.memory_space<hbm>>
      tpu.enqueue_indirect_dma source(%dma_start3A_449 : memref<10000x128xf32, #tpu.memory_space<hbm>>) target(%arg7 : memref<128x128xf32, #tpu.memory_space<vmem>>) offsets(%dma_start3A_446 : memref<128xi32, #tpu.memory_space<vmem>>) semaphore(%arg10 : memref<!tpu.dma_semaphore, #tpu.memory_space<semaphore_mem>>)
    } else {
    }
    %dma_wait3A_389 = arith.constant 1 : i32
    %dma_wait3A_390 = arith.constant 0 : i32
    %dma_wait3A_391 = arith.constant 0 : i32
    %dma_wait3A_392 = arith.constant 0 : i32
    %dma_wait3A_393 = tpu.memref_slice %arg6[%dma_wait3A_389, %dma_wait3A_391, %dma_wait3A_392] : memref<4x2x128xi32, #tpu.memory_space<vmem>> -> memref<1x2x128xi32, #tpu.memory_space<vmem>>
    %dma_wait3A_394 = tpu.memref_squeeze %dma_wait3A_393 : memref<1x2x128xi32, #tpu.memory_space<vmem>> -> memref<2x128xi32, #tpu.memory_space<vmem>>
    %dma_wait3A_395 = arith.constant 0 : i32
    %dma_wait3A_396 = tpu.memref_slice %dma_wait3A_394[%dma_wait3A_390, %dma_wait3A_395] : memref<2x128xi32, #tpu.memory_space<vmem>> -> memref<1x128xi32, #tpu.memory_space<vmem>>
    %dma_wait3A_397 = tpu.memref_squeeze %dma_wait3A_396 : memref<1x128xi32, #tpu.memory_space<vmem>> -> memref<128xi32, #tpu.memory_space<vmem>>
    %dma_wait3A_398 = arith.constant 0 : i32
    %dma_wait3A_399 = arith.constant 0 : i32
    %dma_wait3A_400 = tpu.memref_slice %arg2[%dma_wait3A_398, %dma_wait3A_399] : memref<10000x128xf32, #tpu.memory_space<hbm>> -> memref<10000x128xf32, #tpu.memory_space<hbm>>
    tpu.wait_indirect_dma semaphore(%arg12 : memref<!tpu.dma_semaphore, #tpu.memory_space<semaphore_mem>>) src(%dma_wait3A_400 : memref<10000x128xf32, #tpu.memory_space<hbm>>) dst(%arg9 : memref<128x128xf32, #tpu.memory_space<vmem>>)
    %run_scoped3A_401 = arith.constant 1 : i32
    %run_scoped3A_402 = arith.constant 1 : i32
    "tpu.region"() ({
      %run_scoped3A_423 = tpu.sem_alloc : memref<!tpu.dma_semaphore, #tpu.memory_space<semaphore_mem>>
      %dma_start3A_424 = arith.constant 0 : i32
      %dma_start3A_425 = arith.constant 0 : i32
      %dma_start3A_426 = tpu.memref_slice %arg6[%run_scoped3A_401, %dma_start3A_424, %dma_start3A_425] : memref<4x2x128xi32, #tpu.memory_space<vmem>> -> memref<1x2x128xi32, #tpu.memory_space<vmem>>
      %dma_start3A_427 = tpu.memref_squeeze %dma_start3A_426 : memref<1x2x128xi32, #tpu.memory_space<vmem>> -> memref<2x128xi32, #tpu.memory_space<vmem>>
      %dma_start3A_428 = arith.constant 0 : i32
      %dma_start3A_429 = tpu.memref_slice %dma_start3A_427[%run_scoped3A_402, %dma_start3A_428] : memref<2x128xi32, #tpu.memory_space<vmem>> -> memref<1x128xi32, #tpu.memory_space<vmem>>
      %dma_start3A_430 = tpu.memref_squeeze %dma_start3A_429 : memref<1x128xi32, #tpu.memory_space<vmem>> -> memref<128xi32, #tpu.memory_space<vmem>>
      %dma_start3A_431 = arith.constant 0 : i32
      %dma_start3A_432 = arith.constant 0 : i32
      %dma_start3A_433 = tpu.memref_slice %arg17[%dma_start3A_431, %dma_start3A_432] : memref<10000x128xf32, #tpu.memory_space<vmem_shared>> -> memref<10000x128xf32, #tpu.memory_space<vmem_shared>>
      tpu.enqueue_indirect_dma source(%arg9 : memref<128x128xf32, #tpu.memory_space<vmem>>) target(%dma_start3A_433 : memref<10000x128xf32, #tpu.memory_space<vmem_shared>>) offsets(%dma_start3A_430 : memref<128xi32, #tpu.memory_space<vmem>>) semaphore(%run_scoped3A_423 : memref<!tpu.dma_semaphore, #tpu.memory_space<semaphore_mem>>) {add = true}
      %dma_wait3A_434 = arith.constant 0 : i32
      %dma_wait3A_435 = arith.constant 0 : i32
      %dma_wait3A_436 = tpu.memref_slice %arg6[%run_scoped3A_401, %dma_wait3A_434, %dma_wait3A_435] : memref<4x2x128xi32, #tpu.memory_space<vmem>> -> memref<1x2x128xi32, #tpu.memory_space<vmem>>
      %dma_wait3A_437 = tpu.memref_squeeze %dma_wait3A_436 : memref<1x2x128xi32, #tpu.memory_space<vmem>> -> memref<2x128xi32, #tpu.memory_space<vmem>>
      %dma_wait3A_438 = arith.constant 0 : i32
      %dma_wait3A_439 = tpu.memref_slice %dma_wait3A_437[%run_scoped3A_402, %dma_wait3A_438] : memref<2x128xi32, #tpu.memory_space<vmem>> -> memref<1x128xi32, #tpu.memory_space<vmem>>
      %dma_wait3A_440 = tpu.memref_squeeze %dma_wait3A_439 : memref<1x128xi32, #tpu.memory_space<vmem>> -> memref<128xi32, #tpu.memory_space<vmem>>
      %dma_wait3A_441 = arith.constant 0 : i32
      %dma_wait3A_442 = arith.constant 0 : i32
      %dma_wait3A_443 = tpu.memref_slice %arg17[%dma_wait3A_441, %dma_wait3A_442] : memref<10000x128xf32, #tpu.memory_space<vmem_shared>> -> memref<10000x128xf32, #tpu.memory_space<vmem_shared>>
      tpu.wait_indirect_dma semaphore(%run_scoped3A_423 : memref<!tpu.dma_semaphore, #tpu.memory_space<semaphore_mem>>) src(%arg9 : memref<128x128xf32, #tpu.memory_space<vmem>>) dst(%dma_wait3A_443 : memref<10000x128xf32, #tpu.memory_space<vmem_shared>>)
      tpu.yield
    }) : () -> ()
    %lt3A_403 = arith.constant 4 : i32
    %lt3A_404 = arith.cmpi slt, %add3A, %lt3A_403 : i32
    %convert_element_type3A_405 = arith.extui %lt3A_404 : i1 to i32
    %cond3A_406 = arith.constant 2 : i32
    %cond3A_407 = arith.constant 0 : i32
    %cond3A_408 = arith.constant 2 : i32
    %cond3A_409 = arith.constant 1 : i32
    %cond3A_410 = arith.constant 0 : i32
    %cond3A_411 = arith.cmpi ne, %convert_element_type3A_405, %cond3A_410 : i32
    scf.if %cond3A_411 {
      %dma_wait3A_423 = arith.constant 0 : i32
      %dma_wait3A_424 = arith.constant 0 : i32
      %dma_wait3A_425 = tpu.memref_slice %arg6[%cond3A_406, %dma_wait3A_423, %dma_wait3A_424] : memref<4x2x128xi32, #tpu.memory_space<vmem>> -> memref<1x2x128xi32, #tpu.memory_space<vmem>>
      %dma_wait3A_426 = tpu.memref_squeeze %dma_wait3A_425 : memref<1x2x128xi32, #tpu.memory_space<vmem>> -> memref<2x128xi32, #tpu.memory_space<vmem>>
      %dma_wait3A_427 = arith.constant 0 : i32
      %dma_wait3A_428 = tpu.memref_slice %dma_wait3A_426[%cond3A_407, %dma_wait3A_427] : memref<2x128xi32, #tpu.memory_space<vmem>> -> memref<1x128xi32, #tpu.memory_space<vmem>>
      %dma_wait3A_429 = tpu.memref_squeeze %dma_wait3A_428 : memref<1x128xi32, #tpu.memory_space<vmem>> -> memref<128xi32, #tpu.memory_space<vmem>>
      %dma_wait3A_430 = arith.constant 0 : i32
      %dma_wait3A_431 = arith.constant 0 : i32
      %dma_wait3A_432 = tpu.memref_slice %arg2[%dma_wait3A_430, %dma_wait3A_431] : memref<10000x128xf32, #tpu.memory_space<hbm>> -> memref<10000x128xf32, #tpu.memory_space<hbm>>
      tpu.wait_indirect_dma semaphore(%arg10 : memref<!tpu.dma_semaphore, #tpu.memory_space<semaphore_mem>>) src(%dma_wait3A_432 : memref<10000x128xf32, #tpu.memory_space<hbm>>) dst(%arg7 : memref<128x128xf32, #tpu.memory_space<vmem>>)
      "tpu.region"() ({
        %run_scoped3A_433 = tpu.sem_alloc : memref<!tpu.dma_semaphore, #tpu.memory_space<semaphore_mem>>
        %dma_start3A_434 = arith.constant 0 : i32
        %dma_start3A_435 = arith.constant 0 : i32
        %dma_start3A_436 = tpu.memref_slice %arg6[%cond3A_408, %dma_start3A_434, %dma_start3A_435] : memref<4x2x128xi32, #tpu.memory_space<vmem>> -> memref<1x2x128xi32, #tpu.memory_space<vmem>>
        %dma_start3A_437 = tpu.memref_squeeze %dma_start3A_436 : memref<1x2x128xi32, #tpu.memory_space<vmem>> -> memref<2x128xi32, #tpu.memory_space<vmem>>
        %dma_start3A_438 = arith.constant 0 : i32
        %dma_start3A_439 = tpu.memref_slice %dma_start3A_437[%cond3A_409, %dma_start3A_438] : memref<2x128xi32, #tpu.memory_space<vmem>> -> memref<1x128xi32, #tpu.memory_space<vmem>>
        %dma_start3A_440 = tpu.memref_squeeze %dma_start3A_439 : memref<1x128xi32, #tpu.memory_space<vmem>> -> memref<128xi32, #tpu.memory_space<vmem>>
        %dma_start3A_441 = arith.constant 0 : i32
        %dma_start3A_442 = arith.constant 0 : i32
        %dma_start3A_443 = tpu.memref_slice %arg17[%dma_start3A_441, %dma_start3A_442] : memref<10000x128xf32, #tpu.memory_space<vmem_shared>> -> memref<10000x128xf32, #tpu.memory_space<vmem_shared>>
        tpu.enqueue_indirect_dma source(%arg7 : memref<128x128xf32, #tpu.memory_space<vmem>>) target(%dma_start3A_443 : memref<10000x128xf32, #tpu.memory_space<vmem_shared>>) offsets(%dma_start3A_440 : memref<128xi32, #tpu.memory_space<vmem>>) semaphore(%run_scoped3A_433 : memref<!tpu.dma_semaphore, #tpu.memory_space<semaphore_mem>>) {add = true}
        %dma_wait3A_444 = arith.constant 0 : i32
        %dma_wait3A_445 = arith.constant 0 : i32
        %dma_wait3A_446 = tpu.memref_slice %arg6[%cond3A_408, %dma_wait3A_444, %dma_wait3A_445] : memref<4x2x128xi32, #tpu.memory_space<vmem>> -> memref<1x2x128xi32, #tpu.memory_space<vmem>>
        %dma_wait3A_447 = tpu.memref_squeeze %dma_wait3A_446 : memref<1x2x128xi32, #tpu.memory_space<vmem>> -> memref<2x128xi32, #tpu.memory_space<vmem>>
        %dma_wait3A_448 = arith.constant 0 : i32
        %dma_wait3A_449 = tpu.memref_slice %dma_wait3A_447[%cond3A_409, %dma_wait3A_448] : memref<2x128xi32, #tpu.memory_space<vmem>> -> memref<1x128xi32, #tpu.memory_space<vmem>>
        %dma_wait3A_450 = tpu.memref_squeeze %dma_wait3A_449 : memref<1x128xi32, #tpu.memory_space<vmem>> -> memref<128xi32, #tpu.memory_space<vmem>>
        %dma_wait3A_451 = arith.constant 0 : i32
        %dma_wait3A_452 = arith.constant 0 : i32
        %dma_wait3A_453 = tpu.memref_slice %arg17[%dma_wait3A_451, %dma_wait3A_452] : memref<10000x128xf32, #tpu.memory_space<vmem_shared>> -> memref<10000x128xf32, #tpu.memory_space<vmem_shared>>
        tpu.wait_indirect_dma semaphore(%run_scoped3A_433 : memref<!tpu.dma_semaphore, #tpu.memory_space<semaphore_mem>>) src(%arg7 : memref<128x128xf32, #tpu.memory_space<vmem>>) dst(%dma_wait3A_453 : memref<10000x128xf32, #tpu.memory_space<vmem_shared>>)
        tpu.yield
      }) : () -> ()
    } else {
    }
    %barrier3A_412 = arith.constant 0 : index
    tpu.barrier barrier_id(%barrier3A_412)
    %lt3A_413 = arith.constant 2 : i32
    %lt3A_414 = arith.cmpi slt, %arg1, %lt3A_413 : i32
    %convert_element_type3A_415 = arith.extui %lt3A_414 : i1 to i32
    %cond3A_416 = arith.constant 0 : i32
    %cond3A_417 = arith.cmpi ne, %convert_element_type3A_415, %cond3A_416 : i32
    scf.if %cond3A_417 {
      "tpu.region"() ({
        %run_scoped3A_423 = tpu.sem_alloc : memref<!tpu.dma_semaphore, #tpu.memory_space<semaphore_mem>>
        %dma_start3A_424 = arith.constant 0 : i32
        %dma_start3A_425 = arith.constant 0 : i32
        %dma_start3A_426 = tpu.memref_slice %arg5[%arg0, %dma_start3A_424, %dma_start3A_425] : memref<2x10000x128xf32, #tpu.memory_space<hbm>> -> memref<1x10000x128xf32, #tpu.memory_space<hbm>>
        %dma_start3A_427 = tpu.memref_squeeze %dma_start3A_426 : memref<1x10000x128xf32, #tpu.memory_space<hbm>> -> memref<10000x128xf32, #tpu.memory_space<hbm>>
        %dma_start3A_428 = arith.constant 0 : i32
        %dma_start3A_429 = tpu.memref_slice %dma_start3A_427[%multiple_of3A, %dma_start3A_428] : memref<10000x128xf32, #tpu.memory_space<hbm>> -> memref<632x128xf32, #tpu.memory_space<hbm>>
        %dma_start3A_430 = arith.constant 0 : i32
        %dma_start3A_431 = tpu.memref_slice %arg17[%multiple_of3A, %dma_start3A_430] : memref<10000x128xf32, #tpu.memory_space<vmem_shared>> -> memref<632x128xf32, #tpu.memory_space<vmem_shared>>
        tpu.enqueue_dma source(%dma_start3A_431 : memref<632x128xf32, #tpu.memory_space<vmem_shared>>) target(%dma_start3A_429 : memref<632x128xf32, #tpu.memory_space<hbm>>) target_semaphore(%run_scoped3A_423 : memref<!tpu.dma_semaphore, #tpu.memory_space<semaphore_mem>>)
        %dma_wait3A_432 = arith.constant 0 : i32
        %dma_wait3A_433 = arith.constant 0 : i32
        %dma_wait3A_434 = tpu.memref_slice %arg5[%arg0, %dma_wait3A_432, %dma_wait3A_433] : memref<2x10000x128xf32, #tpu.memory_space<hbm>> -> memref<1x10000x128xf32, #tpu.memory_space<hbm>>
        %dma_wait3A_435 = tpu.memref_squeeze %dma_wait3A_434 : memref<1x10000x128xf32, #tpu.memory_space<hbm>> -> memref<10000x128xf32, #tpu.memory_space<hbm>>
        %dma_wait3A_436 = arith.constant 0 : i32
        %dma_wait3A_437 = tpu.memref_slice %dma_wait3A_435[%multiple_of3A, %dma_wait3A_436] : memref<10000x128xf32, #tpu.memory_space<hbm>> -> memref<632x128xf32, #tpu.memory_space<hbm>>
        %dma_wait3A_438 = arith.constant 0 : i32
        %dma_wait3A_439 = tpu.memref_slice %arg17[%multiple_of3A, %dma_wait3A_438] : memref<10000x128xf32, #tpu.memory_space<vmem_shared>> -> memref<632x128xf32, #tpu.memory_space<vmem_shared>>
        tpu.wait_dma2 semaphore(%run_scoped3A_423 : memref<!tpu.dma_semaphore, #tpu.memory_space<semaphore_mem>>) src(%dma_wait3A_439 : memref<632x128xf32, #tpu.memory_space<vmem_shared>>) dst(%dma_wait3A_437 : memref<632x128xf32, #tpu.memory_space<hbm>>)
        tpu.yield
      }) : () -> ()
    } else {
    }
    %ge3A_418 = arith.constant 2 : i32
    %ge3A_419 = arith.cmpi sge, %arg1, %ge3A_418 : i32
    %convert_element_type3A_420 = arith.extui %ge3A_419 : i1 to i32
    %cond3A_421 = arith.constant 0 : i32
    %cond3A_422 = arith.cmpi ne, %convert_element_type3A_420, %cond3A_421 : i32
    scf.if %cond3A_422 {
      "tpu.region"() ({
        %run_scoped3A_423 = tpu.sem_alloc : memref<!tpu.dma_semaphore, #tpu.memory_space<semaphore_mem>>
        %dma_start3A_424 = arith.constant 0 : i32
        %dma_start3A_425 = arith.constant 0 : i32
        %dma_start3A_426 = tpu.memref_slice %arg5[%arg0, %dma_start3A_424, %dma_start3A_425] : memref<2x10000x128xf32, #tpu.memory_space<hbm>> -> memref<1x10000x128xf32, #tpu.memory_space<hbm>>
        %dma_start3A_427 = tpu.memref_squeeze %dma_start3A_426 : memref<1x10000x128xf32, #tpu.memory_space<hbm>> -> memref<10000x128xf32, #tpu.memory_space<hbm>>
        %dma_start3A_428 = arith.constant 0 : i32
        %dma_start3A_429 = tpu.memref_slice %dma_start3A_427[%multiple_of3A, %dma_start3A_428] : memref<10000x128xf32, #tpu.memory_space<hbm>> -> memref<624x128xf32, #tpu.memory_space<hbm>>
        %dma_start3A_430 = arith.constant 0 : i32
        %dma_start3A_431 = tpu.memref_slice %arg17[%multiple_of3A, %dma_start3A_430] : memref<10000x128xf32, #tpu.memory_space<vmem_shared>> -> memref<624x128xf32, #tpu.memory_space<vmem_shared>>
        tpu.enqueue_dma source(%dma_start3A_431 : memref<624x128xf32, #tpu.memory_space<vmem_shared>>) target(%dma_start3A_429 : memref<624x128xf32, #tpu.memory_space<hbm>>) target_semaphore(%run_scoped3A_423 : memref<!tpu.dma_semaphore, #tpu.memory_space<semaphore_mem>>)
        %dma_wait3A_432 = arith.constant 0 : i32
        %dma_wait3A_433 = arith.constant 0 : i32
        %dma_wait3A_434 = tpu.memref_slice %arg5[%arg0, %dma_wait3A_432, %dma_wait3A_433] : memref<2x10000x128xf32, #tpu.memory_space<hbm>> -> memref<1x10000x128xf32, #tpu.memory_space<hbm>>
        %dma_wait3A_435 = tpu.memref_squeeze %dma_wait3A_434 : memref<1x10000x128xf32, #tpu.memory_space<hbm>> -> memref<10000x128xf32, #tpu.memory_space<hbm>>
        %dma_wait3A_436 = arith.constant 0 : i32
        %dma_wait3A_437 = tpu.memref_slice %dma_wait3A_435[%multiple_of3A, %dma_wait3A_436] : memref<10000x128xf32, #tpu.memory_space<hbm>> -> memref<624x128xf32, #tpu.memory_space<hbm>>
        %dma_wait3A_438 = arith.constant 0 : i32
        %dma_wait3A_439 = tpu.memref_slice %arg17[%multiple_of3A, %dma_wait3A_438] : memref<10000x128xf32, #tpu.memory_space<vmem_shared>> -> memref<624x128xf32, #tpu.memory_space<vmem_shared>>
        tpu.wait_dma2 semaphore(%run_scoped3A_423 : memref<!tpu.dma_semaphore, #tpu.memory_space<semaphore_mem>>) src(%dma_wait3A_439 : memref<624x128xf32, #tpu.memory_space<vmem_shared>>) dst(%dma_wait3A_437 : memref<624x128xf32, #tpu.memory_space<hbm>>)
        tpu.yield
      }) : () -> ()
    } else {
    }
    return
  }
}

module attributes {stable_mosaic.version = 14 : i64} {
  func.func @_tc_finish_body(%arg0: i32, %arg1: memref<2000x128xf32, #tpu.memory_space<vmem>>, %arg2: memref<2x2000x128xf32, #tpu.memory_space<vmem>>, %arg3: memref<128x128xf32, #tpu.memory_space<vmem>>, %arg4: memref<128x128xf32, #tpu.memory_space<vmem>>, %arg5: memref<2000x128xf32, #tpu.memory_space<vmem>>) attributes {dimension_semantics = [#tpu.dimension_semantics<arbitrary>], iteration_bounds = array<i64: 5>, scalar_prefetch = 0 : i64, scratch_operands = 0 : i64, tpu.core_type = #tpu.core_type<tc>, window_params = [{transform_indices = @transform_0, window_bounds = array<i64: 2000, 128>}, {transform_indices = @transform_1, window_bounds = array<i64: 2, 2000, 128>}, {pipeline_mode = #tpu.pipeline_mode<synchronous>, transform_indices = @transform_2, window_bounds = array<i64: 128, 128>}, {pipeline_mode = #tpu.pipeline_mode<synchronous>, transform_indices = @transform_3, window_bounds = array<i64: 128, 128>}, {transform_indices = @transform_4, window_bounds = array<i64: 2000, 128>}]} {
    %get3A = arith.constant 0 : index
    %get3A_0 = arith.constant 0 : index
    %get3A_1 = arith.constant 0 : index
    %get3A_2 = vector.load %arg2[%get3A, %get3A_0, %get3A_1] : memref<2x2000x128xf32, #tpu.memory_space<vmem>>, vector<1x2000x128xf32>
    %get3A_3 = vector.shape_cast %get3A_2 : vector<1x2000x128xf32> to vector<2000x128xf32>
    %get3A_4 = arith.constant 1 : index
    %get3A_5 = arith.constant 0 : index
    %get3A_6 = arith.constant 0 : index
    %get3A_7 = vector.load %arg2[%get3A_4, %get3A_5, %get3A_6] : memref<2x2000x128xf32, #tpu.memory_space<vmem>>, vector<1x2000x128xf32>
    %get3A_8 = vector.shape_cast %get3A_7 : vector<1x2000x128xf32> to vector<2000x128xf32>
    %add3A = arith.addf %get3A_3, %get3A_8 : vector<2000x128xf32>
    %get3A_9 = arith.constant 0 : index
    %get3A_10 = arith.constant 0 : index
    %get3A_11 = vector.load %arg1[%get3A_9, %get3A_10] : memref<2000x128xf32, #tpu.memory_space<vmem>>, vector<2000x128xf32>
    %get3A_12 = arith.constant 0 : index
    %get3A_13 = arith.constant 0 : index
    %get3A_14 = vector.load %arg3[%get3A_12, %get3A_13] : memref<128x128xf32, #tpu.memory_space<vmem>>, vector<128x128xf32>
    %dot_general3A = arith.constant dense<0.000000e+00> : vector<2000x128xf32>
    %dot_general3A_15 = tpu.matmul %get3A_11, %get3A_14, %dot_general3A {dimension_numbers = #tpu.dot_dimension_numbers<[1], [0], [0], [1], [0, 0, 1, 1], [], []>, transpose_lhs_hint = false} : vector<2000x128xf32>, vector<128x128xf32>, vector<2000x128xf32> -> vector<2000x128xf32>
    %get3A_16 = arith.constant 0 : index
    %get3A_17 = arith.constant 0 : index
    %get3A_18 = vector.load %arg4[%get3A_16, %get3A_17] : memref<128x128xf32, #tpu.memory_space<vmem>>, vector<128x128xf32>
    %dot_general3A_19 = arith.constant dense<0.000000e+00> : vector<2000x128xf32>
    %dot_general3A_20 = tpu.matmul %add3A, %get3A_18, %dot_general3A_19 {dimension_numbers = #tpu.dot_dimension_numbers<[1], [0], [0], [1], [0, 0, 1, 1], [], []>, transpose_lhs_hint = false} : vector<2000x128xf32>, vector<128x128xf32>, vector<2000x128xf32> -> vector<2000x128xf32>
    %add3A_21 = arith.addf %dot_general3A_15, %dot_general3A_20 : vector<2000x128xf32>
    %max3A = arith.constant 0.000000e+00 : f32
    %max3A_22 = vector.broadcast %max3A : f32 to vector<2000x128xf32>
    %max3A_23 = arith.maximumf %add3A_21, %max3A_22 : vector<2000x128xf32>
    %reduce_max3A = arith.constant dense<0xFF800000> : vector<2000xf32>
    %reduce_max3A_24 = vector.multi_reduction <maximumf>, %max3A_23, %reduce_max3A [1] : vector<2000x128xf32> to vector<2000xf32>
    %broadcast_in_dim3A = vector.shape_cast %reduce_max3A_24 : vector<2000xf32> to vector<2000x1xf32>
    %sub3A = vector.broadcast %broadcast_in_dim3A : vector<2000x1xf32> to vector<2000x128xf32>
    %sub3A_25 = arith.subf %max3A_23, %sub3A : vector<2000x128xf32>
    %exp3A = math.exp %sub3A_25 : vector<2000x128xf32>
    %reduce_sum3A = arith.constant dense<0.000000e+00> : vector<2000xf32>
    %reduce_sum3A_26 = vector.multi_reduction <add>, %exp3A, %reduce_sum3A [1] : vector<2000x128xf32> to vector<2000xf32>
    %broadcast_in_dim3A_27 = vector.shape_cast %reduce_sum3A_26 : vector<2000xf32> to vector<2000x1xf32>
    %div3A = vector.broadcast %broadcast_in_dim3A_27 : vector<2000x1xf32> to vector<2000x128xf32>
    %div3A_28 = arith.divf %exp3A, %div3A : vector<2000x128xf32>
    %swap3A = arith.constant 0 : index
    %swap3A_29 = arith.constant 0 : index
    %swap3A_30 = vector.load %arg5[%swap3A, %swap3A_29] : memref<2000x128xf32, #tpu.memory_space<vmem>>, vector<2000x128xf32>
    tpu.vector_store %arg5[%swap3A, %swap3A_29], %div3A_28 {strides = array<i32>} : memref<2000x128xf32, #tpu.memory_space<vmem>>, vector<2000x128xf32>,
    return
  }
  func.func @transform_0(%arg0: i32) -> (i32, i32) {
    %c0_i32 = arith.constant 0 : i32
    %c0_i32_0 = arith.constant 0 : i32
    return %arg0, %c0_i32 : i32, i32
  }
  func.func @transform_1(%arg0: i32) -> (i32, i32, i32) {
    %c0_i32 = arith.constant 0 : i32
    %c0_i32_0 = arith.constant 0 : i32
    %c0_i32_1 = arith.constant 0 : i32
    return %c0_i32, %arg0, %c0_i32_0 : i32, i32, i32
  }
  func.func @transform_2(%arg0: i32) -> (i32, i32) {
    %c0_i32 = arith.constant 0 : i32
    %c0_i32_0 = arith.constant 0 : i32
    %c0_i32_1 = arith.constant 0 : i32
    return %c0_i32, %c0_i32_0 : i32, i32
  }
  func.func @transform_3(%arg0: i32) -> (i32, i32) {
    %c0_i32 = arith.constant 0 : i32
    %c0_i32_0 = arith.constant 0 : i32
    %c0_i32_1 = arith.constant 0 : i32
    return %c0_i32, %c0_i32_0 : i32, i32
  }
  func.func @transform_4(%arg0: i32) -> (i32, i32) {
    %c0_i32 = arith.constant 0 : i32
    %c0_i32_0 = arith.constant 0 : i32
    return %arg0, %c0_i32 : i32, i32
  }
}

</mosaic_0001>

<sc_bundles>
// kernel: kernel.4.cloned.1.call-start
scs
__scs_entry_jumppad:
0x0: {  	(pc) =	sbr.rel $0x88, $3  }
0x1: {  	(tag) =	ssettag $0x0;
	lr =	simm.s32 $0x1  }
0x2: {  	[smem:$0x3F9D] =	sst lr;
	_ =	strace $0xD0000000  }
0x3: {  	_ = 	snop  }
0x4: {  	_ = 	snop  }
0x5: {  	_ = 	snop  }
0x6: {  	_ = 	snop  }
0x7: {  	_ = 	snop  }
__scs_overlays_trampoline_lowered:
0x8: {  	[smem:$0x3FAC] =	sst s0  }
0x9: {  	[smem:$0x3FAD] =	sst s1  }
0xa: {  	[smem:$0x3FAE] =	sst s2  }
0xb: {  	[smem:$0x3FAF] =	sst s3  }
0xc: {  	[smem:$0x3FB0] =	sst s4  }
0xd: {  	[smem:$0x3FB1] =	sst s5  }
0xe: {  	[smem:$0x3FB2] =	sst s6  }
0xf: {  	[smem:$0x3FB3] =	sst s7  }
0x10: {  	[smem:$0x3FB4] =	sst s8  }
0x11: {  	[smem:$0x3FB5] =	sst s9;
	s0 =	simm.s32 @!p0 $0x0  }
0x12: {  	s1 =	sld [smem:$0x3F9B];
	s0 =	simm.s32 @p0 $0x1  }
0x13: {  	[smem:$0x3FB6] =	sst s0;
	s0 =	simm.s32 @!p1 $0x0  }
0x14: {  	s2 =	sld [smem:$0x3F9A];
	s0 =	simm.s32 @p1 $0x1  }
0x15: {  	[smem:$0x3FB7] =	sst s0;
	s0 =	simm.s32 @!p2 $0x0  }
0x16: {  	s3 =	sld [smem:$0x3FDB];
	s0 =	simm.s32 @p2 $0x1  }
0x17: {  	s4 =	simm.s32 $0x1BF5;
	[smem:$0x3FB9] =	sst s0  }
0x18: {  	s0 =	sld [smem:$0x3F9C];
	_ =	swait.ge [sflag:s4], $0x0  }
0x19: {  	s7 =	sld [smem:$0x3F9D]  }
0x1a: {  	s8 =	sadd.s32 $0xFFFFE003, lr  }
0x1b: {  	s9 =	sadd.s32 $0xFFFFFEF7, lr;
	s5 =	simm.s32 $0xFFFFFFFF;
	p2 =	slt.u32 s8, $0xFFFFF086  }
0x1c: {  	p1 =	slt.u32 s9, $0xF7A;
	s5 =	simm.s32 @!p2 $0x0  }
0x1d: {  	s5 =	simm.s32 @p1 $0x1;
	p0 =	seq.s32 s7, s2  }
0x1e: {  	s7 =	smul.u32 @!p0 $0xF7A, s2;
	p2 =	seq.s32 @!p0 s5, $0x0  }
0x1f: {  	s9 =	smul.u32 $0xF7A, s1;
	s8 =	simm.s32 @!p0 $0x1BF5;
	p2 =	por !p2, p0  }
0x20: {  	[sflag:s8] =	ssyncset.s32 @!p0 $0xFFFFF086;
	s6 =	sadd.s32 @!p0 s3, s7;
	s7 =	simm.s32 @!p0 $0x108  }
0x21: {  	s3 =	sadd.s32 s3, s9;
	s6 =	sadd.s32 @!p0 $0x88, s6;
	s7 =	simm.s32 @p2 $0x1082  }
0x22: {  	[simem:s7], [sflag:s8] =	dma.local @!p0 [hbm:s6], $0xF7A  }
0x23: {  	s9 =	sor.u32 $0xD0000000, s2;
	s6 =	simm.s32 $0x108;
	_ =	swait.ge @!p0 [sflag:s8], $0x0  }
0x24: {  	s3 =	sadd.s32 $0x88, s3;
	s6 =	simm.s32 @!p1 $0x1082;
	[sflag:s4] =	ssyncset.s32 $0xFFFFF086  }
0x25: {  	[simem:s6], [sflag:s4] =	dma.local [hbm:s3], $0xF7A  }
0x26: {  	[smem:$0x3F9D] =	sst s1;
	(tag) =	ssettag s2;
	_ =	strace s9  }
0x27: {  	s1 =	sld [smem:$0x3FAD]  }
0x28: {  	s2 =	sld [smem:$0x3FAE]  }
0x29: {  	s4 =	sld [smem:$0x3FB0]  }
0x2a: {  	p0 =	seq.s32 s5, $0x0;
	s5 =	sld [smem:$0x3FB1]  }
0x2b: {  	s6 =	sld [smem:$0x3FB2]  }
0x2c: {  	s7 =	sld [smem:$0x3FB3]  }
0x2d: {  	s3 =	simm.s32 $0x108;
	s8 =	sld [smem:$0x3FB4]  }
0x2e: {  	s3 =	simm.s32 @!p0 $0x1082;
	s9 =	sld [smem:$0x3FB5]  }
0x2f: {  	lr =	sadd.s32 s0, s3;
	s0 =	sld [smem:$0x3FAC]  }
0x30: {  	s3 =	sld [smem:$0x3FAF]  }
0x31: {  	[smem:$0x3FB8] =	sst s10  }
0x32: {  	s10 =	sld [smem:$0x3FB6];
	_ =	sdelay $0x3  }
0x33: {  	p0 =	seq.s32 s10, $0x1;
	s10 =	sld [smem:$0x3FB8];
	_ =	sdelay $0x3  }
0x34: {  	[smem:$0x3FB8] =	sst s10  }
0x35: {  	s10 =	sld [smem:$0x3FB7];
	_ =	sdelay $0x3  }
0x36: {  	p1 =	seq.s32 s10, $0x1;
	s10 =	sld [smem:$0x3FB8];
	_ =	sdelay $0x3  }
0x37: {  	[smem:$0x3FB8] =	sst s10  }
0x38: {  	s10 =	sld [smem:$0x3FB9]  }
0x39: {  	_ = 	snop;
	(pc) =	sbr.ind lr, $3  }
0x3a: {  	_ = 	snop  }
0x3b: {  	_ = 	snop  }
0x3c: {  	p2 =	seq.s32 s10, $0x1;
	s10 =	sld [smem:$0x3FB8]  }
0x3d: {  	_ =	shalt  }
0x3e: {  	_ =	shalt  }
0x3f: {  	_ =	shalt  }
0x40: {  	_ =	shalt  }
0x41: {  	_ =	shalt  }
0x42: {  	_ =	shalt  }
0x43: {  	_ =	shalt  }
0x44: {  	_ =	shalt  }
0x45: {  	_ =	shalt  }
0x46: {  	_ =	shalt  }
0x47: {  	_ =	shalt  }
0x48: {  	_ =	shalt  }
0x49: {  	_ =	shalt  }
0x4a: {  	_ =	shalt  }
0x4b: {  	_ =	shalt  }
0x4c: {  	_ =	shalt  }
0x4d: {  	_ =	shalt  }
0x4e: {  	_ =	shalt  }
0x4f: {  	_ =	shalt  }
0x50: {  	_ =	shalt  }
0x51: {  	_ =	shalt  }
0x52: {  	_ =	shalt  }
0x53: {  	_ =	shalt  }
0x54: {  	_ =	shalt  }
0x55: {  	_ =	shalt  }
0x56: {  	_ =	shalt  }
0x57: {  	_ =	shalt  }
0x58: {  	_ =	shalt  }
0x59: {  	_ =	shalt  }
0x5a: {  	_ =	shalt  }
0x5b: {  	_ =	shalt  }
0x5c: {  	_ =	shalt  }
0x5d: {  	_ =	shalt  }
0x5e: {  	_ =	shalt  }
0x5f: {  	_ =	shalt  }
0x60: {  	_ =	shalt  }
0x61: {  	_ =	shalt  }
0x62: {  	_ =	shalt  }
0x63: {  	_ =	shalt  }
0x64: {  	_ =	shalt  }
0x65: {  	_ =	shalt  }
0x66: {  	_ =	shalt  }
0x67: {  	_ =	shalt  }
0x68: {  	_ =	shalt  }
0x69: {  	_ =	shalt  }
0x6a: {  	_ =	shalt  }
0x6b: {  	_ =	shalt  }
0x6c: {  	_ =	shalt  }
0x6d: {  	_ =	shalt  }
0x6e: {  	_ =	shalt  }
0x6f: {  	_ =	shalt  }
0x70: {  	_ =	shalt  }
0x71: {  	_ =	shalt  }
0x72: {  	_ =	shalt  }
0x73: {  	_ =	shalt  }
0x74: {  	_ =	shalt  }
0x75: {  	_ =	shalt  }
0x76: {  	_ =	shalt  }
0x77: {  	_ =	shalt  }
0x78: {  	_ =	shalt  }
0x79: {  	_ =	shalt  }
0x7a: {  	_ =	shalt  }
0x7b: {  	_ =	shalt  }
0x7c: {  	_ =	shalt  }
0x7d: {  	_ =	shalt  }
0x7e: {  	_ =	shalt  }
0x7f: {  	_ =	shalt  }
0x80: {  	_ =	shalt  }
0x81: {  	_ =	shalt  }
0x82: {  	_ =	shalt  }
0x83: {  	_ =	shalt  }
0x84: {  	_ =	shalt  }
0x85: {  	_ =	shalt  }
0x86: {  	_ =	shalt  }
0x87: {  	_ =	shalt  }
.Lfunc_end0:
.L_simem_size_0:
called_computation_lowered:
.L_overlay_start_0:
0x88: {  	s2 =	sld [smem:$0x3FD9]  }
0x89: {  	s3 =	sld [smem:$0x3FFE];
	_ =	sdelay $0x1  }
0x8a: {  	s1 =	srdreg.scid  }
0x8b: {  	s0 =	sand.u32 $0x1, s1  }
0x8c: {  	s17 =	sshll.u32 s0, $0xA;
	s2 =	sadd.s32 s3, s2  }
0x8d: {  	s2 =	sadd.s32 s2, s17  }
0x8e: {  	[smem:$0x3FC4] =	sst s2  }
0x8f: {  	_ = 	snop  }
0x90: {  	s2 =	sld [smem:$0x3FC9]  }
0x91: {  	s18 =	sld [smem:$0x3FC8]  }
0x92: {  	s4 =	sld [smem:$0x3FD0];
	(tm) =	ssettm $0x1  }
0x93: {  	s5 =	sld [smem:$0x3FFB];
	_ =	sdelay $0x3  }
0x94: {  	_ =	strace s5  }
0x95: {  	s5 =	sld [smem:$0x3FFC];
	_ =	sdelay $0x3  }
0x96: {  	_ =	strace s5  }
0x97: {  	s5 =	sld [smem:$0x3FFD];
	_ =	sdelay $0x3  }
0x98: {  	_ =	strace s5  }
0x99: {  	_ =	strace $0x8FFFFFFF  }
0x9a: {  	s19 =	sld [smem:$0x3FDB];
	_ =	sdelay $0x1  }
0x9b: {  	s6 =	simm.s32 $_scs_section_size  }
0x9c: {  	s7 =	simm.s32 $_size__tile_overlayer_lowered;
	s8 =	simm.s32 $_tile_overlayer_lowered  }
0x9d: {  	s22 =	simm.s32 $0x1BFF;
	s21 =	sshll.u32 s8, $0x1;
	s5 =	sadd.s32 s6, s19  }
0x9e: {  	s9 =	simm.s32 $0x0;
	s20 =	sshll.u32 s7, $0x1;
	s7 =	sadd.s32 s21, s5  }
0x9f: {  	[timem:s9], [sflag:s22] =	dma.local [hbm:s7], s20  }
0xa0: {  	_ =	swait.ge [sflag:s22], s20  }
0xa1: {  	s6 =	ssub.s32 $0x0, s20;
	[sflag:s22] =	ssyncset.done $0x0  }
0xa2: {  	[sflag:s22] =	ssyncadd.s32 s6;
	_ =	sdelay $0x1  }
0xa3: {  	s23 =	simm.s32 $0x1B8B  }
0xa4: {  	_ =	swait.ge [sflag:s23], $0x1  }
0xa5: {  	[sflag:s23] =	ssyncset.done $0x0  }
0xa6: {  	s25 =	simm.s32 $0x1B8E;
	s24 =	sld [smem:$0x3FFE];
	[sflag:s23] =	ssyncadd.s32 $0xFFFFFFFF  }
0xa7: {  	s26 =	simm.s32 $execute0_lowered;
	[smem:$0x3FD2] =	sst s25  }
0xa8: {  	s7 =	sshll.u32 s26, $0x1;
	_ =	strace $0x80000046;
	[dreg:$0x1] =	wrdreg $0xFFFFFFFF  }
0xa9: {  	s28 =	simm.s32 $_size_execute0_lowered;
	s5 =	sadd.s32 s5, s7;
	[dreg:$0x0] =	wrdreg $0x0  }
0xaa: {  	s7 =	sshll.u32 s28, $0x1;
	[dreg:$0x2] =	wrdreg s5  }
0xab: {  	[dreg:$0x3] =	wrdreg s7  }
0xac: {  	[dreg:$0x4] =	wrdreg $0xC0  }
0xad: {  	_ =	task [dreg:s9], $0x5FFFF  }
0xae: {  	[dreg:$0x1] =	wrdreg $0xFFFFFFFF  }
0xaf: {  	[dreg:$0x0] =	wrdreg $0x60  }
0xb0: {  	[dreg:$0x2] =	wrdreg s2  }
0xb1: {  	[dreg:$0x3] =	wrdreg s18  }
0xb2: {  	[dreg:$0x4] =	wrdreg s4  }
0xb3: {  	[dreg:$0x5] =	wrdreg s24  }
0xb4: {  	[dreg:$0x6] =	wrdreg $0xC4000  }
0xb5: {  	[dreg:$0x7] =	wrdreg $0x9  }
0xb6: {  	_ =	task.clear_ibuf [dreg:s9], $0x8FFFF;
	_ =	strace $0x90000046  }
0xb7: {  	s29 =	simm.s32 $0x9;
	_ =	strace $0x80000048  }
0xb8: {  	_ =	swait.ge [sflag:s29], $0x1  }
0xb9: {  	[sflag:s29] =	ssyncadd.s32 $0xFFFFFFFF  }
0xba: {  	_ =	strace $0x90000048  }
0xbb: {  	_ =	sfence  }
0xbc: {  	s30 =	sld [smem:$0x0];
	_ =	sdelay $0x2  }
0xbd: {  	s31 =	sshll.u32 s1, $0xD;
	s1 =	sshrl.u32 s1, $0x2  }
0xbe: {  	s3 =	sand.u32 $0x4000, s31;
	s1 =	sadd.s32 s1, s30  }
0xbf: {  	s0 =	sor.u32 s3, s0;
	s1 =	sshll.u32 s1, $0x11  }
0xc0: {  	s0 =	sor.u32 s1, s0  }
0xc1: {  	s0 =	sadd.s32 $0x8F2B, s0  }
0xc2: {  	[sflag:s0] =	ssyncadd.remote.s32 $0x1  }
0xc3: {  	_ =	sfence.sel $0xFFFF  }
0xc4: {  	[dreg:$0x0] =	wrdreg $0xFFFFFFFF;
	(pc) =	sbr.abs _section_cstart, $3  }
0xc5: {  	[dreg:$0x1] =	wrdreg $0xFFFFFFFF  }
0xc6: {  	_ =	task.clear_ibuf [dreg:s9], $0x2FFFF;
	_ =	strace $0x9FFFFFFF  }
0xc7: {  	(tm) =	ssettm $0x7FFFFFFF  }
tec
execute0_lowered:
.L_overlay_start_1:
0x0: {  	(tag) =	ssettag $0x1  }
0x1: {  	s1 =	rddreg [dreg:$0x0]  }
0x2: {  	s0 =	rddreg [dreg:$0x1]  }
0x3: {  	s2 =	rddreg [dreg:$0x3]  }
0x4: {  	s3 =	rddreg [dreg:$0x4];
	s5 =	srdreg.scid;
	s4 =	simm.s32 $0x0  }
0x5: {  	s12 =	stileid.u32;
	s15 =	simm.s32 $0x100;
	s16 =	simm.s32 $0x200  }
0x6: {  	s17 =	simm.s32 $0x4;
	s18 =	simm.s32 $0x80;
	s19 =	simm.s32 $0x400  }
0x7: {  	s28 =	simm.s32 $0x8;
	s29 =	simm.s32 $0x7;
	s30 =	simm.s32 $0x2  }
0x8: {  	s31 =	simm.s32 $0x180;
	s5 =	sand.u32 $0x1, s5;
	[smem:$0x7FF] =	sst s4  }
0x9: {  	s8 =	smul.u32 $0x270, s12;
	s9 =	smin.u32 s12, $0x2;
	s11 =	sshll.u32 s12, $0x5  }
0xa: {  	p0 =	sgt.u32 s12, $0x1;
	s6 =	smul.u32 $0x27100, s5;
	_ =	strace $0x80000047  }
0xb: {  	s20 =	ssub.s32 $0x2, s5;
	s7 =	sshll.u32 s5, $0x4;
	s9 =	sshll.u32 s9, $0x3  }
0xc: {  	s5 =	sshll.u32 s5, $0x9;
	s10 =	sshrl.u32 s20, $0x1;
	s7 =	sor.u32 s12, s7  }
0xd: {  	s8 =	sadd.s32 s8, s9;
	s2 =	sadd.s32 s6, s2;
	s21 =	sshll.u32 s7, $0x5  }
0xe: {  	s10 =	ssub.s32 s20, s10;
	s9 =	sshll.u32 s8, $0x7;
	s6 =	sadd.s32 s0, s21  }
0xf: {  	s8 =	sshll.u32 s8, $0x4;
	s26 =	smax.u32 s10, $0x1;
	[dreg:$0x7] =	wrdreg s6  }
0x10: {  	s20 =	simm.s32 $0x5;
	s13 =	sadd.s32 $0x400, s6;
	[dreg:$0xe] =	wrdreg s26  }
0x11: {  	p1 =	sgt.u32 s7, $0x3;
	s22 =	sadd.s32 $0x800, s6;
	[dreg:$0x8] =	wrdreg s13  }
0x12: {  	s7 =	simm.s32 $0x0;
	s23 =	sadd.s32 $0x12C00, s6;
	[dreg:$0x9] =	wrdreg s22  }
0x13: {  	s9 =	sadd.s32 s9, s3;
	s24 =	sadd.s32 $0x13000, s6;
	[dreg:$0xa] =	wrdreg s23  }
0x14: {  	s0 =	sadd.s32 s11, s0;
	s6 =	sadd.s32 $0x13400, s6;
	[dreg:$0xb] =	wrdreg s24  }
0x15: {  	s2 =	sadd.s32 $0xC00, s2;
	s25 =	sadd.s32 $0x13800, s0;
	[dreg:$0xc] =	wrdreg s6  }
0x16: {  	s21 =	simm.s32 $0x4400;
	s0 =	sadd.s32 s5, s0;
	[dreg:$0xd] =	wrdreg s25  }
0x17: {  	s26 =	simm.s32 $0x1;
	s5 =	simm.s32 $0x280;
	[dreg:$0x6] =	wrdreg s0  }
0x18: {  	s22 =	simm.s32 $0x6;
	s23 =	simm.s32 $0x8400;
	s24 =	sadd.s32 s8, s2  }
0x19: {  	s25 =	simm.s32 $0x300;
	s0 =	simm.s32 $0x3;
	s2 =	simm.s32 $0x380  }
.LBB2_1:
0x1a: {  	s6 =	rddreg [dreg:$0x7]  }
0x1b: {  	[tilespmem:s4], [sflag:$0x4] =	stream.linear.gather [hbm4b:s6+s4], $0x100, $0x38;
	[tilespmem:$0x1FC80] =	vst v63  }
0x1c: {  	s11 =	rddreg [dreg:$0x8]  }
0x1d: {  	[tilespmem:s15], [sflag:$0x5] =	stream.linear.gather [hbm4b:s11+s4], $0x100, $0x38;
	[tilespmem:$0x1FC80] =	vst v63  }
0x1e: {  	s12 =	rddreg [dreg:$0x9]  }
0x1f: {  	[tilespmem:s16], [sflag:$0x6] =	stream.linear.gather [hbm4b:s12+s4], $0x100, $0x38;
	[tilespmem:$0x1FC80] =	vst v63  }
0x20: {  	_ =	swait.ge [sflag:s17], $0x100  }
0x21: {  	[sflag:s17] =	ssyncset.done $0x0  }
0x22: {  	[sflag:s17] =	ssyncadd.s32 $0xFFFFFF00  }
0x23: {  	[tilespmem:s19], [sflag:$0x1] =	stream.indirect.gather [hbm4b:s1+s18], $0x80, s4, s18, $0xb8;
	[tilespmem:$0x1FC80] =	vst v63  }
0x24: {  	_ =	swait.ge [sflag:s20], $0x100  }
0x25: {  	[sflag:s20] =	ssyncset.done $0x0  }
0x26: {  	[sflag:s20] =	ssyncadd.s32 $0xFFFFFF00  }
0x27: {  	[tilespmem:s21], [sflag:$0x2] =	stream.indirect.gather [hbm4b:s1+s18], $0x80, s15, s18, $0xb8;
	[tilespmem:$0x1FC80] =	vst v63  }
0x28: {  	_ =	swait.ge [sflag:s22], $0x100  }
0x29: {  	s13 =	stileid.u32;
	[sflag:s22] =	ssyncset.done $0x0  }
0x2a: {  	s10 =	sshrl.u32 @p0 s9, $0x3;
	s8 =	sshll.u32 s13, $0x6;
	[sflag:s22] =	ssyncadd.s32 $0xFFFFFF00  }
0x2b: {  	[tilespmem:s23], [sflag:$0x3] =	stream.indirect.gather [hbm4b:s1+s18], $0x80, s16, s18, $0xb8;
	[tilespmem:$0x1FC80] =	vst v63  }
0x2c: {  	s8 =	sor.u32 $0x1C08, s8;
	s11 =	simm.s32 @p0 $0x8;
	s6 =	rddreg [dreg:$0x2]  }
0x2d: {  	[spmem:s10], [sflag:s8] =	dma.local @p0 [hbm:s6], $0x2700  }
0x2e: {  	_ =	swait.ge @p0 [sflag:s11], $0x2700  }
0x2f: {  	[sflag:s11] =	ssyncset.done @p0 $0x0  }
0x30: {  	s12 =	simm.s32 @!p0 $0x8;
	[sflag:s11] =	ssyncadd.s32 @p0 $0xFFFFD900;
	s11 =	sshrl.u32 @!p0 s9, $0x3  }
0x31: {  	[spmem:s11], [sflag:s8] =	dma.local @!p0 [hbm:s6], $0x2780  }
0x32: {  	_ =	swait.ge @!p0 [sflag:s12], $0x2780  }
0x33: {  	[sflag:s12] =	ssyncset.done @!p0 $0x0  }
0x34: {  	[sflag:s12] =	ssyncadd.s32 @!p0 $0xFFFFD880  }
0x35: {  	[bflag:$0x0] =	sbarrier.arrive $0xFFFF  }
0x36: {  	s14 =	rddreg [dreg:$0x6]  }
0x37: {  	s12 =	sadd.s32 $0x0, s14  }
0x38: {  	s13 =	sadd.s32 $0xC00, s12  }
0x39: {  	[tilespmem:s25], [sflag:$0x7] =	stream.linear.gather [hbm4b:s13+s4], $0x100, $0x38;
	[tilespmem:$0x1FC80] =	vst v63  }
0x3a: {  	_ =	swait.ge [sflag:s26], $0x4000  }
0x3b: {  	[sflag:s26] =	ssyncset.done $0x0  }
0x3c: {  	[sflag:s26] =	ssyncadd.s32 $0xFFFFC000  }
0x3d: {  	[spmem:s3] =	stream.indirect.scatter.add.f32 [tilespmem:s19], [sflag:$0x8], $0x80, s18, s18, $0xb8;
	[tilespmem:$0x1FC80] =	vst v63  }
0x3e: {  	_ =	swait.ge [sflag:s28], $0x4000  }
0x3f: {  	[sflag:s28] =	ssyncset.done $0x0  }
0x40: {  	[sflag:s28] =	ssyncadd.s32 $0xFFFFC000  }
0x41: {  	_ =	swait.ge [sflag:s29], $0x100  }
0x42: {  	[sflag:s29] =	ssyncset.done $0x0  }
0x43: {  	[sflag:s29] =	ssyncadd.s32 $0xFFFFFF00  }
0x44: {  	[tilespmem:s19], [sflag:$0x1] =	stream.indirect.gather [hbm4b:s1+s18], $0x80, s25, s18, $0xb8;
	[tilespmem:$0x1FC80] =	vst v63  }
0x45: {  	s6 =	sadd.s32 $0x1000, s12  }
0x46: {  	[tilespmem:s4], [sflag:$0x4] =	stream.linear.gather [hbm4b:s6+s4], $0x100, $0x38;
	[tilespmem:$0x1FC80] =	vst v63  }
0x47: {  	_ =	swait.ge [sflag:s30], $0x4000  }
0x48: {  	[sflag:s30] =	ssyncset.done $0x0  }
0x49: {  	[sflag:s30] =	ssyncadd.s32 $0xFFFFC000  }
0x4a: {  	[spmem:s3] =	stream.indirect.scatter.add.f32 [tilespmem:s21], [sflag:$0x8], $0x80, s31, s18, $0xb8;
	[tilespmem:$0x1FC80] =	vst v63  }
0x4b: {  	_ =	swait.ge [sflag:s28], $0x4000  }
0x4c: {  	[sflag:s28] =	ssyncset.done $0x0  }
0x4d: {  	[sflag:s28] =	ssyncadd.s32 $0xFFFFC000  }
0x4e: {  	_ =	swait.ge [sflag:s17], $0x100  }
0x4f: {  	[sflag:s17] =	ssyncset.done $0x0  }
0x50: {  	[sflag:s17] =	ssyncadd.s32 $0xFFFFFF00  }
0x51: {  	[tilespmem:s21], [sflag:$0x2] =	stream.indirect.gather [hbm4b:s1+s18], $0x80, s4, s18, $0xb8;
	[tilespmem:$0x1FC80] =	vst v63  }
0x52: {  	s14 =	sadd.s32 $0x1400, s12  }
0x53: {  	[tilespmem:s15], [sflag:$0x5] =	stream.linear.gather [hbm4b:s14+s4], $0x100, $0x38;
	[tilespmem:$0x1FC80] =	vst v63  }
0x54: {  	_ =	swait.ge [sflag:s0], $0x4000  }
0x55: {  	[sflag:s0] =	ssyncset.done $0x0  }
0x56: {  	[sflag:s0] =	ssyncadd.s32 $0xFFFFC000  }
0x57: {  	[spmem:s3] =	stream.indirect.scatter.add.f32 [tilespmem:s23], [sflag:$0x8], $0x80, s5, s18, $0xb8;
	[tilespmem:$0x1FC80] =	vst v63  }
0x58: {  	_ =	swait.ge [sflag:s28], $0x4000  }
0x59: {  	[sflag:s28] =	ssyncset.done $0x0  }
0x5a: {  	[sflag:s28] =	ssyncadd.s32 $0xFFFFC000  }
0x5b: {  	_ =	swait.ge [sflag:s20], $0x100  }
0x5c: {  	[sflag:s20] =	ssyncset.done $0x0  }
0x5d: {  	[sflag:s20] =	ssyncadd.s32 $0xFFFFFF00  }
0x5e: {  	[tilespmem:s23], [sflag:$0x3] =	stream.indirect.gather [hbm4b:s1+s18], $0x80, s15, s18, $0xb8;
	[tilespmem:$0x1FC80] =	vst v63  }
0x5f: {  	s6 =	sadd.s32 $0x1800, s12  }
0x60: {  	[tilespmem:s16], [sflag:$0x6] =	stream.linear.gather [hbm4b:s6+s4], $0x100, $0x38;
	[tilespmem:$0x1FC80] =	vst v63  }
0x61: {  	_ =	swait.ge [sflag:s26], $0x4000  }
0x62: {  	[sflag:s26] =	ssyncset.done $0x0  }
0x63: {  	[sflag:s26] =	ssyncadd.s32 $0xFFFFC000  }
0x64: {  	[spmem:s3] =	stream.indirect.scatter.add.f32 [tilespmem:s19], [sflag:$0x8], $0x80, s2, s18, $0xb8;
	[tilespmem:$0x1FC80] =	vst v63  }
0x65: {  	_ =	swait.ge [sflag:s28], $0x4000  }
0x66: {  	[sflag:s28] =	ssyncset.done $0x0  }
0x67: {  	[sflag:s28] =	ssyncadd.s32 $0xFFFFC000  }
0x68: {  	_ =	swait.ge [sflag:s22], $0x100  }
0x69: {  	[sflag:s22] =	ssyncset.done $0x0  }
0x6a: {  	[sflag:s22] =	ssyncadd.s32 $0xFFFFFF00  }
0x6b: {  	[tilespmem:s19], [sflag:$0x1] =	stream.indirect.gather [hbm4b:s1+s18], $0x80, s16, s18, $0xb8;
	[tilespmem:$0x1FC80] =	vst v63  }
0x6c: {  	s14 =	sadd.s32 $0x1C00, s12  }
0x6d: {  	[tilespmem:s25], [sflag:$0x7] =	stream.linear.gather [hbm4b:s14+s4], $0x100, $0x38;
	[tilespmem:$0x1FC80] =	vst v63  }
0x6e: {  	_ =	swait.ge [sflag:s30], $0x4000  }
0x6f: {  	[sflag:s30] =	ssyncset.done $0x0  }
0x70: {  	[sflag:s30] =	ssyncadd.s32 $0xFFFFC000  }
0x71: {  	[spmem:s3] =	stream.indirect.scatter.add.f32 [tilespmem:s21], [sflag:$0x8], $0x80, s18, s18, $0xb8;
	[tilespmem:$0x1FC80] =	vst v63  }
0x72: {  	_ =	swait.ge [sflag:s28], $0x4000  }
0x73: {  	[sflag:s28] =	ssyncset.done $0x0  }
0x74: {  	[sflag:s28] =	ssyncadd.s32 $0xFFFFC000  }
0x75: {  	_ =	swait.ge [sflag:s29], $0x100  }
0x76: {  	[sflag:s29] =	ssyncset.done $0x0  }
0x77: {  	[sflag:s29] =	ssyncadd.s32 $0xFFFFFF00  }
0x78: {  	[tilespmem:s21], [sflag:$0x2] =	stream.indirect.gather [hbm4b:s1+s18], $0x80, s25, s18, $0xb8;
	[tilespmem:$0x1FC80] =	vst v63  }
0x79: {  	s6 =	sadd.s32 $0x2000, s12  }
0x7a: {  	[tilespmem:s4], [sflag:$0x4] =	stream.linear.gather [hbm4b:s6+s4], $0x100, $0x38;
	[tilespmem:$0x1FC80] =	vst v63  }
0x7b: {  	_ =	swait.ge [sflag:s0], $0x4000  }
0x7c: {  	[sflag:s0] =	ssyncset.done $0x0  }
0x7d: {  	[sflag:s0] =	ssyncadd.s32 $0xFFFFC000  }
0x7e: {  	[spmem:s3] =	stream.indirect.scatter.add.f32 [tilespmem:s23], [sflag:$0x8], $0x80, s31, s18, $0xb8;
	[tilespmem:$0x1FC80] =	vst v63  }
0x7f: {  	_ =	swait.ge [sflag:s28], $0x4000  }
0x80: {  	[sflag:s28] =	ssyncset.done $0x0  }
0x81: {  	[sflag:s28] =	ssyncadd.s32 $0xFFFFC000  }
0x82: {  	_ =	swait.ge [sflag:s17], $0x100  }
0x83: {  	[sflag:s17] =	ssyncset.done $0x0  }
0x84: {  	[sflag:s17] =	ssyncadd.s32 $0xFFFFFF00  }
0x85: {  	[tilespmem:s23], [sflag:$0x3] =	stream.indirect.gather [hbm4b:s1+s18], $0x80, s4, s18, $0xb8;
	[tilespmem:$0x1FC80] =	vst v63  }
0x86: {  	s14 =	sadd.s32 $0x2400, s12  }
0x87: {  	[tilespmem:s15], [sflag:$0x5] =	stream.linear.gather [hbm4b:s14+s4], $0x100, $0x38;
	[tilespmem:$0x1FC80] =	vst v63  }
0x88: {  	_ =	swait.ge [sflag:s26], $0x4000  }
0x89: {  	[sflag:s26] =	ssyncset.done $0x0  }
0x8a: {  	[sflag:s26] =	ssyncadd.s32 $0xFFFFC000  }
0x8b: {  	[spmem:s3] =	stream.indirect.scatter.add.f32 [tilespmem:s19], [sflag:$0x8], $0x80, s5, s18, $0xb8;
	[tilespmem:$0x1FC80] =	vst v63  }
0x8c: {  	_ =	swait.ge [sflag:s28], $0x4000  }
0x8d: {  	[sflag:s28] =	ssyncset.done $0x0  }
0x8e: {  	[sflag:s28] =	ssyncadd.s32 $0xFFFFC000  }
0x8f: {  	_ =	swait.ge [sflag:s20], $0x100  }
0x90: {  	[sflag:s20] =	ssyncset.done $0x0  }
0x91: {  	[sflag:s20] =	ssyncadd.s32 $0xFFFFFF00  }
0x92: {  	[tilespmem:s19], [sflag:$0x1] =	stream.indirect.gather [hbm4b:s1+s18], $0x80, s15, s18, $0xb8;
	[tilespmem:$0x1FC80] =	vst v63  }
0x93: {  	s6 =	sadd.s32 $0x2800, s12  }
0x94: {  	[tilespmem:s16], [sflag:$0x6] =	stream.linear.gather [hbm4b:s6+s4], $0x100, $0x38;
	[tilespmem:$0x1FC80] =	vst v63  }
0x95: {  	_ =	swait.ge [sflag:s30], $0x4000  }
0x96: {  	[sflag:s30] =	ssyncset.done $0x0  }
0x97: {  	[sflag:s30] =	ssyncadd.s32 $0xFFFFC000  }
0x98: {  	[spmem:s3] =	stream.indirect.scatter.add.f32 [tilespmem:s21], [sflag:$0x8], $0x80, s2, s18, $0xb8;
	[tilespmem:$0x1FC80] =	vst v63  }
0x99: {  	_ =	swait.ge [sflag:s28], $0x4000  }
0x9a: {  	[sflag:s28] =	ssyncset.done $0x0  }
0x9b: {  	[sflag:s28] =	ssyncadd.s32 $0xFFFFC000  }
0x9c: {  	_ =	swait.ge [sflag:s22], $0x100  }
0x9d: {  	[sflag:s22] =	ssyncset.done $0x0  }
0x9e: {  	[sflag:s22] =	ssyncadd.s32 $0xFFFFFF00  }
0x9f: {  	[tilespmem:s21], [sflag:$0x2] =	stream.indirect.gather [hbm4b:s1+s18], $0x80, s16, s18, $0xb8;
	[tilespmem:$0x1FC80] =	vst v63  }
0xa0: {  	s14 =	sadd.s32 $0x2C00, s12  }
0xa1: {  	[tilespmem:s25], [sflag:$0x7] =	stream.linear.gather [hbm4b:s14+s4], $0x100, $0x38;
	[tilespmem:$0x1FC80] =	vst v63  }
0xa2: {  	_ =	swait.ge [sflag:s0], $0x4000  }
0xa3: {  	[sflag:s0] =	ssyncset.done $0x0  }
0xa4: {  	[sflag:s0] =	ssyncadd.s32 $0xFFFFC000  }
0xa5: {  	[spmem:s3] =	stream.indirect.scatter.add.f32 [tilespmem:s23], [sflag:$0x8], $0x80, s18, s18, $0xb8;
	[tilespmem:$0x1FC80] =	vst v63  }
0xa6: {  	_ =	swait.ge [sflag:s28], $0x4000  }
0xa7: {  	[sflag:s28] =	ssyncset.done $0x0  }
0xa8: {  	[sflag:s28] =	ssyncadd.s32 $0xFFFFC000  }
0xa9: {  	_ =	swait.ge [sflag:s29], $0x100  }
0xaa: {  	[sflag:s29] =	ssyncset.done $0x0  }
0xab: {  	[sflag:s29] =	ssyncadd.s32 $0xFFFFFF00  }
0xac: {  	[tilespmem:s23], [sflag:$0x3] =	stream.indirect.gather [hbm4b:s1+s18], $0x80, s25, s18, $0xb8;
	[tilespmem:$0x1FC80] =	vst v63  }
0xad: {  	s6 =	sadd.s32 $0x3000, s12  }
0xae: {  	[tilespmem:s4], [sflag:$0x4] =	stream.linear.gather [hbm4b:s6+s4], $0x100, $0x38;
	[tilespmem:$0x1FC80] =	vst v63  }
0xaf: {  	_ =	swait.ge [sflag:s26], $0x4000  }
0xb0: {  	[sflag:s26] =	ssyncset.done $0x0  }
0xb1: {  	[sflag:s26] =	ssyncadd.s32 $0xFFFFC000  }
0xb2: {  	[spmem:s3] =	stream.indirect.scatter.add.f32 [tilespmem:s19], [sflag:$0x8], $0x80, s31, s18, $0xb8;
	[tilespmem:$0x1FC80] =	vst v63  }
0xb3: {  	_ =	swait.ge [sflag:s28], $0x4000  }
0xb4: {  	[sflag:s28] =	ssyncset.done $0x0  }
0xb5: {  	[sflag:s28] =	ssyncadd.s32 $0xFFFFC000  }
0xb6: {  	_ =	swait.ge [sflag:s17], $0x100  }
0xb7: {  	[sflag:s17] =	ssyncset.done $0x0  }
0xb8: {  	[sflag:s17] =	ssyncadd.s32 $0xFFFFFF00  }
0xb9: {  	[tilespmem:s19], [sflag:$0x1] =	stream.indirect.gather [hbm4b:s1+s18], $0x80, s4, s18, $0xb8;
	[tilespmem:$0x1FC80] =	vst v63  }
0xba: {  	s14 =	sadd.s32 $0x3400, s12  }
0xbb: {  	[tilespmem:s15], [sflag:$0x5] =	stream.linear.gather [hbm4b:s14+s4], $0x100, $0x38;
	[tilespmem:$0x1FC80] =	vst v63  }
0xbc: {  	_ =	swait.ge [sflag:s30], $0x4000  }
0xbd: {  	[sflag:s30] =	ssyncset.done $0x0  }
0xbe: {  	[sflag:s30] =	ssyncadd.s32 $0xFFFFC000  }
0xbf: {  	[spmem:s3] =	stream.indirect.scatter.add.f32 [tilespmem:s21], [sflag:$0x8], $0x80, s5, s18, $0xb8;
	[tilespmem:$0x1FC80] =	vst v63  }
0xc0: {  	_ =	swait.ge [sflag:s28], $0x4000  }
0xc1: {  	[sflag:s28] =	ssyncset.done $0x0  }
0xc2: {  	[sflag:s28] =	ssyncadd.s32 $0xFFFFC000  }
0xc3: {  	_ =	swait.ge [sflag:s20], $0x100  }
0xc4: {  	[sflag:s20] =	ssyncset.done $0x0  }
0xc5: {  	[sflag:s20] =	ssyncadd.s32 $0xFFFFFF00  }
0xc6: {  	[tilespmem:s21], [sflag:$0x2] =	stream.indirect.gather [hbm4b:s1+s18], $0x80, s15, s18, $0xb8;
	[tilespmem:$0x1FC80] =	vst v63  }
0xc7: {  	s12 =	sadd.s32 $0x3800, s12  }
0xc8: {  	[tilespmem:s16], [sflag:$0x6] =	stream.linear.gather [hbm4b:s12+s4], $0x100, $0x38;
	[tilespmem:$0x1FC80] =	vst v63  }
0xc9: {  	_ =	swait.ge [sflag:s0], $0x4000  }
0xca: {  	[sflag:s0] =	ssyncset.done $0x0  }
0xcb: {  	[sflag:s0] =	ssyncadd.s32 $0xFFFFC000  }
0xcc: {  	[spmem:s3] =	stream.indirect.scatter.add.f32 [tilespmem:s23], [sflag:$0x8], $0x80, s2, s18, $0xb8;
	[tilespmem:$0x1FC80] =	vst v63  }
0xcd: {  	_ =	swait.ge [sflag:s28], $0x4000  }
0xce: {  	[sflag:s28] =	ssyncset.done $0x0  }
0xcf: {  	[sflag:s28] =	ssyncadd.s32 $0xFFFFC000  }
0xd0: {  	s12 =	simm.s32 $0x3000;
	_ =	swait.ge [sflag:s22], $0x100  }
.LBB2_2:
0xd1: {  	s13 =	rddreg [dreg:$0x6];
	s14 =	smov.u32 s12;
	[sflag:s22] =	ssyncset.done $0x0  }
0xd2: {  	[sflag:s22] =	ssyncadd.s32 $0xFFFFFF00;
	s13 =	sadd.s32 s14, s13  }
0xd3: {  	[tilespmem:s23], [sflag:$0x3] =	stream.indirect.gather [hbm4b:s1+s18], $0x80, s16, s18, $0xb8;
	[tilespmem:$0x1FC80] =	vst v63  }
0xd4: {  	s14 =	sadd.s32 $0xC00, s13  }
0xd5: {  	[tilespmem:s25], [sflag:$0x7] =	stream.linear.gather [hbm4b:s14+s4], $0x100, $0x38;
	[tilespmem:$0x1FC80] =	vst v63  }
0xd6: {  	_ =	swait.ge [sflag:s26], $0x4000  }
0xd7: {  	[sflag:s26] =	ssyncset.done $0x0  }
0xd8: {  	[sflag:s26] =	ssyncadd.s32 $0xFFFFC000  }
0xd9: {  	[spmem:s3] =	stream.indirect.scatter.add.f32 [tilespmem:s19], [sflag:$0x8], $0x80, s18, s18, $0xb8;
	[tilespmem:$0x1FC80] =	vst v63  }
0xda: {  	_ =	swait.ge [sflag:s28], $0x4000  }
0xdb: {  	[sflag:s28] =	ssyncset.done $0x0  }
0xdc: {  	[sflag:s28] =	ssyncadd.s32 $0xFFFFC000  }
0xdd: {  	_ =	swait.ge [sflag:s29], $0x100  }
0xde: {  	[sflag:s29] =	ssyncset.done $0x0  }
0xdf: {  	[sflag:s29] =	ssyncadd.s32 $0xFFFFFF00  }
0xe0: {  	[tilespmem:s19], [sflag:$0x1] =	stream.indirect.gather [hbm4b:s1+s18], $0x80, s25, s18, $0xb8;
	[tilespmem:$0x1FC80] =	vst v63  }
0xe1: {  	s6 =	sadd.s32 $0x1000, s13  }
0xe2: {  	[tilespmem:s4], [sflag:$0x4] =	stream.linear.gather [hbm4b:s6+s4], $0x100, $0x38;
	[tilespmem:$0x1FC80] =	vst v63  }
0xe3: {  	_ =	swait.ge [sflag:s30], $0x4000  }
0xe4: {  	[sflag:s30] =	ssyncset.done $0x0  }
0xe5: {  	[sflag:s30] =	ssyncadd.s32 $0xFFFFC000  }
0xe6: {  	[spmem:s3] =	stream.indirect.scatter.add.f32 [tilespmem:s21], [sflag:$0x8], $0x80, s31, s18, $0xb8;
	[tilespmem:$0x1FC80] =	vst v63  }
0xe7: {  	_ =	swait.ge [sflag:s28], $0x4000  }
0xe8: {  	[sflag:s28] =	ssyncset.done $0x0  }
0xe9: {  	[sflag:s28] =	ssyncadd.s32 $0xFFFFC000  }
0xea: {  	_ =	swait.ge [sflag:s17], $0x100  }
0xeb: {  	[sflag:s17] =	ssyncset.done $0x0  }
0xec: {  	[sflag:s17] =	ssyncadd.s32 $0xFFFFFF00  }
0xed: {  	[tilespmem:s21], [sflag:$0x2] =	stream.indirect.gather [hbm4b:s1+s18], $0x80, s4, s18, $0xb8;
	[tilespmem:$0x1FC80] =	vst v63  }
0xee: {  	s6 =	sadd.s32 $0x1400, s13  }
0xef: {  	[tilespmem:s15], [sflag:$0x5] =	stream.linear.gather [hbm4b:s6+s4], $0x100, $0x38;
	[tilespmem:$0x1FC80] =	vst v63  }
0xf0: {  	_ =	swait.ge [sflag:s0], $0x4000  }
0xf1: {  	[sflag:s0] =	ssyncset.done $0x0  }
0xf2: {  	[sflag:s0] =	ssyncadd.s32 $0xFFFFC000  }
0xf3: {  	[spmem:s3] =	stream.indirect.scatter.add.f32 [tilespmem:s23], [sflag:$0x8], $0x80, s5, s18, $0xb8;
	[tilespmem:$0x1FC80] =	vst v63  }
0xf4: {  	_ =	swait.ge [sflag:s28], $0x4000  }
0xf5: {  	[sflag:s28] =	ssyncset.done $0x0  }
0xf6: {  	[sflag:s28] =	ssyncadd.s32 $0xFFFFC000  }
0xf7: {  	_ =	swait.ge [sflag:s20], $0x100  }
0xf8: {  	[sflag:s20] =	ssyncset.done $0x0  }
0xf9: {  	[sflag:s20] =	ssyncadd.s32 $0xFFFFFF00  }
0xfa: {  	[tilespmem:s23], [sflag:$0x3] =	stream.indirect.gather [hbm4b:s1+s18], $0x80, s15, s18, $0xb8;
	[tilespmem:$0x1FC80] =	vst v63  }
0xfb: {  	s6 =	sadd.s32 $0x1800, s13  }
0xfc: {  	[tilespmem:s16], [sflag:$0x6] =	stream.linear.gather [hbm4b:s6+s4], $0x100, $0x38;
	[tilespmem:$0x1FC80] =	vst v63  }
0xfd: {  	_ =	swait.ge [sflag:s26], $0x4000  }
0xfe: {  	[sflag:s26] =	ssyncset.done $0x0  }
0xff: {  	[sflag:s26] =	ssyncadd.s32 $0xFFFFC000  }
0x100: {  	[spmem:s3] =	stream.indirect.scatter.add.f32 [tilespmem:s19], [sflag:$0x8], $0x80, s2, s18, $0xb8;
	[tilespmem:$0x1FC80] =	vst v63  }
0x101: {  	_ =	swait.ge [sflag:s28], $0x4000  }
0x102: {  	[sflag:s28] =	ssyncset.done $0x0  }
0x103: {  	[sflag:s28] =	ssyncadd.s32 $0xFFFFC000  }
0x104: {  	_ =	swait.ge [sflag:s22], $0x100  }
0x105: {  	[sflag:s22] =	ssyncset.done $0x0  }
0x106: {  	[sflag:s22] =	ssyncadd.s32 $0xFFFFFF00  }
0x107: {  	[tilespmem:s19], [sflag:$0x1] =	stream.indirect.gather [hbm4b:s1+s18], $0x80, s16, s18, $0xb8;
	[tilespmem:$0x1FC80] =	vst v63  }
0x108: {  	s6 =	sadd.s32 $0x1C00, s13  }
0x109: {  	[tilespmem:s25], [sflag:$0x7] =	stream.linear.gather [hbm4b:s6+s4], $0x100, $0x38;
	[tilespmem:$0x1FC80] =	vst v63  }
0x10a: {  	_ =	swait.ge [sflag:s30], $0x4000  }
0x10b: {  	[sflag:s30] =	ssyncset.done $0x0  }
0x10c: {  	[sflag:s30] =	ssyncadd.s32 $0xFFFFC000  }
0x10d: {  	[spmem:s3] =	stream.indirect.scatter.add.f32 [tilespmem:s21], [sflag:$0x8], $0x80, s18, s18, $0xb8;
	[tilespmem:$0x1FC80] =	vst v63  }
0x10e: {  	_ =	swait.ge [sflag:s28], $0x4000  }
0x10f: {  	[sflag:s28] =	ssyncset.done $0x0  }
0x110: {  	[sflag:s28] =	ssyncadd.s32 $0xFFFFC000  }
0x111: {  	_ =	swait.ge [sflag:s29], $0x100  }
0x112: {  	[sflag:s29] =	ssyncset.done $0x0  }
0x113: {  	[sflag:s29] =	ssyncadd.s32 $0xFFFFFF00  }
0x114: {  	[tilespmem:s21], [sflag:$0x2] =	stream.indirect.gather [hbm4b:s1+s18], $0x80, s25, s18, $0xb8;
	[tilespmem:$0x1FC80] =	vst v63  }
0x115: {  	s6 =	sadd.s32 $0x2000, s13  }
0x116: {  	[tilespmem:s4], [sflag:$0x4] =	stream.linear.gather [hbm4b:s6+s4], $0x100, $0x38;
	[tilespmem:$0x1FC80] =	vst v63  }
0x117: {  	_ =	swait.ge [sflag:s0], $0x4000  }
0x118: {  	[sflag:s0] =	ssyncset.done $0x0  }
0x119: {  	[sflag:s0] =	ssyncadd.s32 $0xFFFFC000  }
0x11a: {  	[spmem:s3] =	stream.indirect.scatter.add.f32 [tilespmem:s23], [sflag:$0x8], $0x80, s31, s18, $0xb8;
	[tilespmem:$0x1FC80] =	vst v63  }
0x11b: {  	_ =	swait.ge [sflag:s28], $0x4000  }
0x11c: {  	[sflag:s28] =	ssyncset.done $0x0  }
0x11d: {  	[sflag:s28] =	ssyncadd.s32 $0xFFFFC000  }
0x11e: {  	_ =	swait.ge [sflag:s17], $0x100  }
0x11f: {  	[sflag:s17] =	ssyncset.done $0x0  }
0x120: {  	[sflag:s17] =	ssyncadd.s32 $0xFFFFFF00  }
0x121: {  	[tilespmem:s23], [sflag:$0x3] =	stream.indirect.gather [hbm4b:s1+s18], $0x80, s4, s18, $0xb8;
	[tilespmem:$0x1FC80] =	vst v63  }
0x122: {  	s6 =	sadd.s32 $0x2400, s13  }
0x123: {  	[tilespmem:s15], [sflag:$0x5] =	stream.linear.gather [hbm4b:s6+s4], $0x100, $0x38;
	[tilespmem:$0x1FC80] =	vst v63  }
0x124: {  	_ =	swait.ge [sflag:s26], $0x4000  }
0x125: {  	[sflag:s26] =	ssyncset.done $0x0  }
0x126: {  	[sflag:s26] =	ssyncadd.s32 $0xFFFFC000  }
0x127: {  	[spmem:s3] =	stream.indirect.scatter.add.f32 [tilespmem:s19], [sflag:$0x8], $0x80, s5, s18, $0xb8;
	[tilespmem:$0x1FC80] =	vst v63  }
0x128: {  	_ =	swait.ge [sflag:s28], $0x4000  }
0x129: {  	[sflag:s28] =	ssyncset.done $0x0  }
0x12a: {  	[sflag:s28] =	ssyncadd.s32 $0xFFFFC000  }
0x12b: {  	_ =	swait.ge [sflag:s20], $0x100  }
0x12c: {  	[sflag:s20] =	ssyncset.done $0x0  }
0x12d: {  	[sflag:s20] =	ssyncadd.s32 $0xFFFFFF00  }
0x12e: {  	[tilespmem:s19], [sflag:$0x1] =	stream.indirect.gather [hbm4b:s1+s18], $0x80, s15, s18, $0xb8;
	[tilespmem:$0x1FC80] =	vst v63  }
0x12f: {  	s6 =	sadd.s32 $0x2800, s13  }
0x130: {  	[tilespmem:s16], [sflag:$0x6] =	stream.linear.gather [hbm4b:s6+s4], $0x100, $0x38;
	[tilespmem:$0x1FC80] =	vst v63  }
0x131: {  	_ =	swait.ge [sflag:s30], $0x4000  }
0x132: {  	[sflag:s30] =	ssyncset.done $0x0  }
0x133: {  	[sflag:s30] =	ssyncadd.s32 $0xFFFFC000  }
0x134: {  	[spmem:s3] =	stream.indirect.scatter.add.f32 [tilespmem:s21], [sflag:$0x8], $0x80, s2, s18, $0xb8;
	[tilespmem:$0x1FC80] =	vst v63  }
0x135: {  	_ =	swait.ge [sflag:s28], $0x4000  }
0x136: {  	[sflag:s28] =	ssyncset.done $0x0  }
0x137: {  	[sflag:s28] =	ssyncadd.s32 $0xFFFFC000  }
0x138: {  	_ =	swait.ge [sflag:s22], $0x100  }
0x139: {  	[sflag:s22] =	ssyncset.done $0x0  }
0x13a: {  	[sflag:s22] =	ssyncadd.s32 $0xFFFFFF00  }
0x13b: {  	[tilespmem:s21], [sflag:$0x2] =	stream.indirect.gather [hbm4b:s1+s18], $0x80, s16, s18, $0xb8;
	[tilespmem:$0x1FC80] =	vst v63  }
0x13c: {  	s6 =	sadd.s32 $0x2C00, s13  }
0x13d: {  	[tilespmem:s25], [sflag:$0x7] =	stream.linear.gather [hbm4b:s6+s4], $0x100, $0x38;
	[tilespmem:$0x1FC80] =	vst v63  }
0x13e: {  	_ =	swait.ge [sflag:s0], $0x4000  }
0x13f: {  	[sflag:s0] =	ssyncset.done $0x0  }
0x140: {  	[sflag:s0] =	ssyncadd.s32 $0xFFFFC000  }
0x141: {  	[spmem:s3] =	stream.indirect.scatter.add.f32 [tilespmem:s23], [sflag:$0x8], $0x80, s18, s18, $0xb8;
	[tilespmem:$0x1FC80] =	vst v63  }
0x142: {  	_ =	swait.ge [sflag:s28], $0x4000  }
0x143: {  	[sflag:s28] =	ssyncset.done $0x0  }
0x144: {  	[sflag:s28] =	ssyncadd.s32 $0xFFFFC000  }
0x145: {  	_ =	swait.ge [sflag:s29], $0x100  }
0x146: {  	[sflag:s29] =	ssyncset.done $0x0  }
0x147: {  	[sflag:s29] =	ssyncadd.s32 $0xFFFFFF00  }
0x148: {  	[tilespmem:s23], [sflag:$0x3] =	stream.indirect.gather [hbm4b:s1+s18], $0x80, s25, s18, $0xb8;
	[tilespmem:$0x1FC80] =	vst v63  }
0x149: {  	s6 =	sadd.s32 $0x3000, s13  }
0x14a: {  	[tilespmem:s4], [sflag:$0x4] =	stream.linear.gather [hbm4b:s6+s4], $0x100, $0x38;
	[tilespmem:$0x1FC80] =	vst v63  }
0x14b: {  	_ =	swait.ge [sflag:s26], $0x4000  }
0x14c: {  	[sflag:s26] =	ssyncset.done $0x0  }
0x14d: {  	[sflag:s26] =	ssyncadd.s32 $0xFFFFC000  }
0x14e: {  	[spmem:s3] =	stream.indirect.scatter.add.f32 [tilespmem:s19], [sflag:$0x8], $0x80, s31, s18, $0xb8;
	[tilespmem:$0x1FC80] =	vst v63  }
0x14f: {  	_ =	swait.ge [sflag:s28], $0x4000  }
0x150: {  	[sflag:s28] =	ssyncset.done $0x0  }
0x151: {  	[sflag:s28] =	ssyncadd.s32 $0xFFFFC000  }
0x152: {  	_ =	swait.ge [sflag:s17], $0x100  }
0x153: {  	[sflag:s17] =	ssyncset.done $0x0  }
0x154: {  	[sflag:s17] =	ssyncadd.s32 $0xFFFFFF00  }
0x155: {  	[tilespmem:s19], [sflag:$0x1] =	stream.indirect.gather [hbm4b:s1+s18], $0x80, s4, s18, $0xb8;
	[tilespmem:$0x1FC80] =	vst v63  }
0x156: {  	s6 =	sadd.s32 $0x3400, s13  }
0x157: {  	[tilespmem:s15], [sflag:$0x5] =	stream.linear.gather [hbm4b:s6+s4], $0x100, $0x38;
	[tilespmem:$0x1FC80] =	vst v63  }
0x158: {  	_ =	swait.ge [sflag:s30], $0x4000  }
0x159: {  	[sflag:s30] =	ssyncset.done $0x0  }
0x15a: {  	[sflag:s30] =	ssyncadd.s32 $0xFFFFC000  }
0x15b: {  	[spmem:s3] =	stream.indirect.scatter.add.f32 [tilespmem:s21], [sflag:$0x8], $0x80, s5, s18, $0xb8;
	[tilespmem:$0x1FC80] =	vst v63  }
0x15c: {  	_ =	swait.ge [sflag:s28], $0x4000  }
0x15d: {  	[sflag:s28] =	ssyncset.done $0x0  }
0x15e: {  	[sflag:s28] =	ssyncadd.s32 $0xFFFFC000  }
0x15f: {  	_ =	swait.ge [sflag:s20], $0x100  }
0x160: {  	[sflag:s20] =	ssyncset.done $0x0  }
0x161: {  	[sflag:s20] =	ssyncadd.s32 $0xFFFFFF00  }
0x162: {  	[tilespmem:s21], [sflag:$0x2] =	stream.indirect.gather [hbm4b:s1+s18], $0x80, s15, s18, $0xb8;
	[tilespmem:$0x1FC80] =	vst v63  }
0x163: {  	s13 =	sadd.s32 $0x3800, s13  }
0x164: {  	[tilespmem:s16], [sflag:$0x6] =	stream.linear.gather [hbm4b:s13+s4], $0x100, $0x38;
	[tilespmem:$0x1FC80] =	vst v63  }
0x165: {  	_ =	swait.ge [sflag:s0], $0x4000  }
0x166: {  	[sflag:s0] =	ssyncset.done $0x0  }
0x167: {  	p2 =	sne.s32 s12, $0xF000;
	[sflag:s0] =	ssyncadd.s32 $0xFFFFC000  }
0x168: {  	[spmem:s3] =	stream.indirect.scatter.add.f32 [tilespmem:s23], [sflag:$0x8], $0x80, s2, s18, $0xb8;
	[tilespmem:$0x1FC80] =	vst v63  }
.Ltmp0:
0x169: {  	_ = 	snop;
	(pc) =	sbr.rel @p2 .LBB2_2-.Ltmp0, $4  }
0x16a: {  	_ =	swait.ge [sflag:s28], $0x4000  }
0x16b: {  	[sflag:s28] =	ssyncset.done $0x0  }
0x16c: {  	[sflag:s28] =	ssyncadd.s32 $0xFFFFC000  }
0x16d: {  	s12 =	sadd.s32 $0x3000, s12;
	_ =	swait.ge [sflag:s22], $0x100  }
0x16e: {  	[sflag:s22] =	ssyncset.done $0x0  }
0x16f: {  	[sflag:s22] =	ssyncadd.s32 $0xFFFFFF00  }
0x170: {  	[tilespmem:s23], [sflag:$0x3] =	stream.indirect.gather [hbm4b:s1+s18], $0x80, s16, s18, $0xb8;
	[tilespmem:$0x1FC80] =	vst v63  }
0x171: {  	_ =	swait.ge [sflag:s26], $0x4000  }
0x172: {  	[sflag:s26] =	ssyncset.done $0x0  }
0x173: {  	[sflag:s26] =	ssyncadd.s32 $0xFFFFC000  }
0x174: {  	[spmem:s3] =	stream.indirect.scatter.add.f32 [tilespmem:s19], [sflag:$0x8], $0x80, s18, s18, $0xb8;
	[tilespmem:$0x1FC80] =	vst v63  }
0x175: {  	_ =	swait.ge [sflag:s28], $0x4000  }
0x176: {  	[sflag:s28] =	ssyncset.done $0x0  }
0x177: {  	s6 =	rddreg [dreg:$0xa];
	[sflag:s28] =	ssyncadd.s32 $0xFFFFC000  }
0x178: {  	[tilespmem:s25], [sflag:$0x7] =	stream.linear.gather [hbm4b:s6+s4], $0x100, $0x38;
	[tilespmem:$0x1FC80] =	vst v63  }
0x179: {  	_ =	swait.ge [sflag:s29], $0x100  }
0x17a: {  	[sflag:s29] =	ssyncset.done $0x0  }
0x17b: {  	[sflag:s29] =	ssyncadd.s32 $0xFFFFFF00  }
0x17c: {  	[tilespmem:s19], [sflag:$0x1] =	stream.indirect.gather [hbm4b:s1+s18], $0x80, s25, s18, $0xb8;
	[tilespmem:$0x1FC80] =	vst v63  }
0x17d: {  	_ =	swait.ge [sflag:s30], $0x4000  }
0x17e: {  	[sflag:s30] =	ssyncset.done $0x0  }
0x17f: {  	[sflag:s30] =	ssyncadd.s32 $0xFFFFC000  }
0x180: {  	[spmem:s3] =	stream.indirect.scatter.add.f32 [tilespmem:s21], [sflag:$0x8], $0x80, s31, s18, $0xb8;
	[tilespmem:$0x1FC80] =	vst v63  }
0x181: {  	_ =	swait.ge [sflag:s28], $0x4000  }
0x182: {  	[sflag:s28] =	ssyncset.done $0x0  }
0x183: {  	s12 =	rddreg [dreg:$0xb];
	[sflag:s28] =	ssyncadd.s32 $0xFFFFC000  }
0x184: {  	[tilespmem:s4], [sflag:$0x4] =	stream.linear.gather [hbm4b:s12+s4], $0x100, $0x38;
	[tilespmem:$0x1FC80] =	vst v63  }
0x185: {  	_ =	swait.ge [sflag:s17], $0x100  }
0x186: {  	[sflag:s17] =	ssyncset.done $0x0  }
0x187: {  	[sflag:s17] =	ssyncadd.s32 $0xFFFFFF00  }
0x188: {  	[tilespmem:s21], [sflag:$0x2] =	stream.indirect.gather [hbm4b:s1+s18], $0x80, s4, s18, $0xb8;
	[tilespmem:$0x1FC80] =	vst v63  }
0x189: {  	_ =	swait.ge [sflag:s0], $0x4000  }
0x18a: {  	[sflag:s0] =	ssyncset.done $0x0  }
0x18b: {  	[sflag:s0] =	ssyncadd.s32 $0xFFFFC000  }
0x18c: {  	[spmem:s3] =	stream.indirect.scatter.add.f32 [tilespmem:s23], [sflag:$0x8], $0x80, s5, s18, $0xb8;
	[tilespmem:$0x1FC80] =	vst v63  }
0x18d: {  	_ =	swait.ge [sflag:s28], $0x4000  }
0x18e: {  	[sflag:s28] =	ssyncset.done $0x0  }
0x18f: {  	s13 =	rddreg [dreg:$0xc];
	[sflag:s28] =	ssyncadd.s32 $0xFFFFC000  }
0x190: {  	[tilespmem:s15], [sflag:$0x5] =	stream.linear.gather [hbm4b:s13+s4], $0x100, $0x38;
	[tilespmem:$0x1FC80] =	vst v63  }
0x191: {  	_ =	swait.ge [sflag:s20], $0x100  }
0x192: {  	[sflag:s20] =	ssyncset.done $0x0  }
0x193: {  	[sflag:s20] =	ssyncadd.s32 $0xFFFFFF00  }
0x194: {  	[tilespmem:s23], [sflag:$0x3] =	stream.indirect.gather [hbm4b:s1+s18], $0x80, s15, s18, $0xb8;
	[tilespmem:$0x1FC80] =	vst v63  }
0x195: {  	_ =	swait.ge [sflag:s26], $0x4000  }
0x196: {  	[sflag:s26] =	ssyncset.done $0x0  }
0x197: {  	[sflag:s26] =	ssyncadd.s32 $0xFFFFC000  }
0x198: {  	[spmem:s3] =	stream.indirect.scatter.add.f32 [tilespmem:s19], [sflag:$0x8], $0x80, s2, s18, $0xb8;
	[tilespmem:$0x1FC80] =	vst v63  }
0x199: {  	_ =	swait.ge [sflag:s28], $0x4000  }
0x19a: {  	[sflag:s28] =	ssyncset.done $0x0  }
0x19b: {  	s12 =	simm.s32 @p1 $0x2;
	[sflag:s28] =	ssyncadd.s32 $0xFFFFC000  }
0x19c: {  	_ =	swait.ge @p1 [sflag:s12], $0x4000  }
0x19d: {  	[sflag:s12] =	ssyncset.done @p1 $0x0  }
0x19e: {  	s13 =	simm.s32 @p1 $0x4400;
	[sflag:s12] =	ssyncadd.s32 @p1 $0xFFFFC000;
	s12 =	simm.s32 @p1 $0x80  }
0x19f: {  	[spmem:s3] =	stream.indirect.scatter.add.f32 @p1 [tilespmem:s13], [sflag:$0x8], $0x80, s12, s12, $0xb8;
	[tilespmem:$0x1FC80] =	vst v63  }
0x1a0: {  	s12 =	simm.s32 @p1 $0x8  }
0x1a1: {  	_ =	swait.ge @p1 [sflag:s12], $0x4000  }
0x1a2: {  	s13 =	simm.s32 @!p1 $0x200;
	[sflag:s12] =	ssyncset.done @p1 $0x0  }
0x1a3: {  	s6 =	rddreg [dreg:$0xd];
	[sflag:s12] =	ssyncadd.s32 @p1 $0xFFFFC000;
	s12 =	simm.s32 @!p1 $0x0  }
0x1a4: {  	[tilespmem:s13], [sflag:$0x6] =	stream.linear.gather @!p1 [hbm4b:s6+s12], $0x100, $0x38;
	[tilespmem:$0x1FC80] =	vst v63  }
0x1a5: {  	s12 =	simm.s32 @!p1 $0x2  }
0x1a6: {  	_ =	swait.ge @!p1 [sflag:s12], $0x4000  }
0x1a7: {  	[sflag:s12] =	ssyncset.done @!p1 $0x0  }
0x1a8: {  	s14 =	simm.s32 @!p1 $0x4400;
	[sflag:s12] =	ssyncadd.s32 @!p1 $0xFFFFC000;
	s12 =	simm.s32 @!p1 $0x80  }
0x1a9: {  	[spmem:s3] =	stream.indirect.scatter.add.f32 @!p1 [tilespmem:s14], [sflag:$0x8], $0x80, s12, s12, $0xb8;
	[tilespmem:$0x1FC80] =	vst v63  }
0x1aa: {  	s14 =	simm.s32 @!p1 $0x8  }
0x1ab: {  	_ =	swait.ge @!p1 [sflag:s14], $0x4000  }
0x1ac: {  	[sflag:s14] =	ssyncset.done @!p1 $0x0  }
0x1ad: {  	s6 =	simm.s32 @!p1 $0x6;
	[sflag:s14] =	ssyncadd.s32 @!p1 $0xFFFFC000  }
0x1ae: {  	_ =	swait.ge @!p1 [sflag:s6], $0x100  }
0x1af: {  	[sflag:s6] =	ssyncset.done @!p1 $0x0  }
0x1b0: {  	[sflag:s6] =	ssyncadd.s32 @!p1 $0xFFFFFF00;
	s6 =	simm.s32 @!p1 $0x400  }
0x1b1: {  	[tilespmem:s6], [sflag:$0x1] =	stream.indirect.gather @!p1 [hbm4b:s1+s12], $0x80, s13, s12, $0xb8;
	[tilespmem:$0x1FC80] =	vst v63  }
0x1b2: {  	_ =	swait.ge [sflag:s0], $0x4000  }
0x1b3: {  	[sflag:s0] =	ssyncset.done $0x0  }
0x1b4: {  	[sflag:s0] =	ssyncadd.s32 $0xFFFFC000  }
0x1b5: {  	[spmem:s3] =	stream.indirect.scatter.add.f32 [tilespmem:s23], [sflag:$0x8], $0x80, s31, s18, $0xb8;
	[tilespmem:$0x1FC80] =	vst v63  }
0x1b6: {  	_ =	swait.ge [sflag:s28], $0x4000  }
0x1b7: {  	[sflag:s28] =	ssyncset.done $0x0  }
0x1b8: {  	s13 =	simm.s32 @!p1 $0x1;
	[sflag:s28] =	ssyncadd.s32 $0xFFFFC000  }
0x1b9: {  	_ =	swait.ge @!p1 [sflag:s13], $0x4000  }
0x1ba: {  	[sflag:s13] =	ssyncset.done @!p1 $0x0  }
0x1bb: {  	[sflag:s13] =	ssyncadd.s32 @!p1 $0xFFFFC000;
	s13 =	simm.s32 @!p1 $0x280  }
0x1bc: {  	[spmem:s3] =	stream.indirect.scatter.add.f32 @!p1 [tilespmem:s6], [sflag:$0x8], $0x80, s13, s12, $0xb8;
	[tilespmem:$0x1FC80] =	vst v63  }
0x1bd: {  	_ =	swait.ge @!p1 [sflag:s14], $0x4000  }
0x1be: {  	[sflag:s14] =	ssyncset.done @!p1 $0x0  }
0x1bf: {  	[sflag:s14] =	ssyncadd.s32 @!p1 $0xFFFFC000  }
0x1c0: {  	s6 =	simm.s32 @p0 $0x8;
	[bflag:$0x0] =	sbarrier.arrive $0xFFFF  }
0x1c1: {  	[hbm:s24], [sflag:s8] =	dma.local @p0 [spmem:s10], $0x2700  }
0x1c2: {  	_ =	swait.ge @p0 [sflag:s6], $0x2700  }
0x1c3: {  	[sflag:s6] =	ssyncset.done @p0 $0x0  }
0x1c4: {  	[sflag:s6] =	ssyncadd.s32 @p0 $0xFFFFD900;
	s6 =	simm.s32 @!p0 $0x8  }
0x1c5: {  	[hbm:s24], [sflag:s8] =	dma.local @!p0 [spmem:s11], $0x2780  }
0x1c6: {  	_ =	swait.ge @!p0 [sflag:s6], $0x2780  }
0x1c7: {  	s7 =	sadd.s32 $0x1, s7;
	s14 =	rddreg [dreg:$0xe]  }
0x1c8: {  	p2 =	sne.s32 s7, s14  }
.Ltmp1:
0x1c9: {  	_ = 	snop;
	(pc) =	sbr.rel @p2 .LBB2_1-.Ltmp1, $3  }
0x1ca: {  	_ =	sdelay $0x1  }
0x1cb: {  	[sflag:s6] =	ssyncset.done @!p0 $0x0  }
0x1cc: {  	[sflag:s6] =	ssyncadd.s32 @!p0 $0xFFFFD880  }
0x1cd: {  	_ =	sfence.sel $0x180000  }
0x1ce: {  	[bflag:$0x0] =	sbarrier.arrive $0xFFFF  }
0x1cf: {  	_ =	strace $0x90000047  }
0x1d0: {  	s0 =	stileid.u32;
	[bflag:$0x2] =	sbarrier.arrive $0xFFFF  }
0x1d1: {  	p0 =	sne.s32 s0, $0x0;
	s0 =	rddreg [dreg:$0x5]  }
0x1d2: {  	s0 =	sadd.s32 @!p0 $0x100000, s0  }
0x1d3: {  	[sflag:s0] =	ssyncadd.tile.s32 @!p0 $0x1;
	_ =	shalt  }
.Lfunc_end2:
_tile_overlayer_lowered:
.L_overlay_start_2:
0x1d4: {  	(tag) =	ssettag $0x2  }
0x1d5: {  	s0 =	rddreg [dreg:$0x0];
	s2 =	stileid.u32  }
0x1d6: {  	s1 =	rddreg [dreg:$0x1];
	p0 =	sne.s32 s2, $0x0  }
0x1d7: {  	s3 =	rddreg [dreg:$0x2];
	[bflag:$0x3] =	sbarrier.arrive $0xFFFF;
	s2 =	simm.s32 @!p0 $0x1C08  }
0x1d8: {  	[timem:s3], [sflag:s2] =	dma.local @!p0 [hbm:s0], s1  }
0x1d9: {  	s0 =	simm.s32 @!p0 $0x8  }
0x1da: {  	_ =	swait.ge @!p0 [sflag:s0], s1  }
0x1db: {  	s1 =	ssub.s32 @!p0 $0x0, s1;
	[sflag:s0] =	ssyncset.done @!p0 $0x0  }
0x1dc: {  	[sflag:s0] =	ssyncadd.s32 @!p0 s1  }
0x1dd: {  	[bflag:$0x3] =	sbarrier.arrive $0xFFFF  }
0x1de: {  	_ =	shalt  }

</sc_bundles>
